<compile_context>
chip_gen: v7x
topology: tpu7x:2x2x1
jax: 0.10.2.dev20260603
libtpu: 0.0.44.dev20260713+nightly
codegen_flags: <defaults>
</compile_context>

<pallas_src>
import functools

import jax
import jax.numpy as jnp
from jax import lax
from jax.experimental import pallas as pl
from jax.experimental.pallas import tpu as pltpu
from jax.experimental.pallas import tpu_sc as plsc

Q = 1024
D = 128
N = 100000
CH = 128
TB = 2048
QB = 256
NPAD = 100352
NJ = NPAD // TB
NCH = NPAD // CH
NCHP = 896
KCH = 16
CAND = KCH * CH
NN = 15
NCLS = 10

_BIG_F = 3.0e38
_BIG_I = 1 << 30


def _dist_body(x_ref, tx_ref, xsq_ref, tsq_ref, d2_ref, cm_ref):
    xb = x_ref[...]
    tb = tx_ref[...]
    mm = lax.dot_general(xb, tb, (((1,), (1,)), ((), ())),
                         preferred_element_type=jnp.float32)
    tsq = tsq_ref[0, 0, :][None, :]
    xsq = xsq_ref[:, 0:1]
    d2 = (xsq + tsq) - 2.0 * mm
    gcol = lax.broadcasted_iota(jnp.int32, (Q, TB), 1) + pl.program_id(0) * TB
    d2 = jnp.where(gcol < N, d2, 1e9)
    d2_ref[...] = d2.reshape(Q, TB // CH, CH)
    sub = lax.broadcasted_iota(jnp.int32, (TB // CH, Q), 0)
    cm = jnp.zeros((TB // CH, Q), jnp.float32)
    for c in range(TB // CH):
        mins = jnp.min(d2[:, c * CH:(c + 1) * CH], axis=1)
        cm = cm + jnp.where(sub == c, mins[None, :], 0.0)
    cm_ref[...] = cm


def _distances(x, tx_pad, xsq_t, tsq_r):
    return pl.pallas_call(
        _dist_body,
        grid=(NJ,),
        in_specs=[
            pl.BlockSpec((Q, D), lambda j: (0, 0)),
            pl.BlockSpec((TB, D), lambda j: (j, 0)),
            pl.BlockSpec((Q, 128), lambda j: (0, 0)),
            pl.BlockSpec((1, 1, TB), lambda j: (j, 0, 0)),
        ],
        out_specs=[
            pl.BlockSpec((Q, TB // CH, CH), lambda j: (0, j, 0)),
            pl.BlockSpec((TB // CH, Q), lambda j: (j, 0)),
        ],
        out_shape=[
            jax.ShapeDtypeStruct((Q, NCH, CH), jnp.float32),
            jax.ShapeDtypeStruct((NCH, Q), jnp.float32),
        ],
    )(x, tx_pad, xsq_t, tsq_r)


def _select_body(cm_ref, ids_ref, fidx_ref):
    w = cm_ref[...]
    row = lax.broadcasted_iota(jnp.int32, (NCH, QB), 0)
    sub = lax.broadcasted_iota(jnp.int32, (KCH, QB), 0)
    ids = jnp.zeros((KCH, QB), jnp.int32)
    for i in range(KCH):
        m = jnp.min(w, axis=0, keepdims=True)
        first = jnp.min(jnp.where(w == m, row, _BIG_I), axis=0,
                        keepdims=True)
        ids = ids + jnp.where(sub == i, first, 0)
        w = jnp.where(row == first, _BIG_F, w)
    s = ids
    srt = jnp.zeros((KCH, QB), jnp.int32)
    for j in range(KCH):
        mn = jnp.min(s, axis=0, keepdims=True)
        srt = srt + jnp.where(sub == j, mn, 0)
        s = jnp.where(s == mn, _BIG_I, s)
    qcol = (lax.broadcasted_iota(jnp.int32, (KCH, QB), 1)
            + pl.program_id(0) * QB)
    ids_ref[...] = srt
    fidx_ref[...] = srt + qcol * NCH


def _select_chunks(cmt):
    return pl.pallas_call(
        _select_body,
        grid=(Q // QB,),
        in_specs=[pl.BlockSpec((NCH, QB), lambda q: (0, q))],
        out_specs=[
            pl.BlockSpec((KCH, QB), lambda q: (0, q)),
            pl.BlockSpec((KCH, QB), lambda q: (0, q)),
        ],
        out_shape=[
            jax.ShapeDtypeStruct((KCH, Q), jnp.int32),
            jax.ShapeDtypeStruct((KCH, Q), jnp.int32),
        ],
    )(cmt)


_NC = 2
_NS = 16
_NW = _NC * _NS
_ROWS = Q * KCH
_RPW = _ROWS // _NW
_SUB = 128


def _gather_body(d2_tab, y_tab, idx_d2, idx_lab,
                 out_d2, out_lab, idxf, idxl, rows_f, rows_i,
                 gf, gi, sf, si):
    wid = lax.axis_index("s") * _NC + lax.axis_index("c")
    nb = _RPW // _SUB
    for b in range(nb):
        base = wid * _RPW + b * _SUB
        pltpu.sync_copy(idx_d2.at[pl.ds(base, _SUB)], idxf.at[b])
        pltpu.sync_copy(idx_lab.at[pl.ds(base, _SUB)], idxl.at[b])
    for b in range(nb):
        base = wid * _RPW + b * _SUB
        hf = pltpu.async_copy(d2_tab.at[idxf.at[b]], rows_f, gf)
        hi = pltpu.async_copy(y_tab.at[idxl.at[b]], rows_i, gi)
        hf.wait()
        hsf = pltpu.async_copy(rows_f, out_d2.at[pl.ds(base, _SUB)], sf)
        hi.wait()
        hsi = pltpu.async_copy(rows_i, out_lab.at[pl.ds(base, _SUB)], si)
        hsf.wait()
        hsi.wait()


def _gather_candidates(d2_tab, y_tab, idx_d2, idx_lab):
    mesh = plsc.VectorSubcoreMesh(core_axis_name="c", subcore_axis_name="s")
    f = functools.partial(
        pl.kernel,
        mesh=mesh,
        out_type=[
            jax.ShapeDtypeStruct((_ROWS, CH), jnp.float32),
            jax.ShapeDtypeStruct((_ROWS, CH), jnp.int32),
        ],
        scratch_types=[
            pltpu.VMEM((_RPW // _SUB, _SUB), jnp.int32),
            pltpu.VMEM((_RPW // _SUB, _SUB), jnp.int32),
            pltpu.VMEM((_SUB, CH), jnp.float32),
            pltpu.VMEM((_SUB, CH), jnp.int32),
            pltpu.SemaphoreType.DMA,
            pltpu.SemaphoreType.DMA,
            pltpu.SemaphoreType.DMA,
            pltpu.SemaphoreType.DMA,
        ],
    )(_gather_body)
    return f(d2_tab, y_tab, idx_d2, idx_lab)


def _vote_body(d2c_ref, lab_ref, preds_ref, probs_ref):
    v = d2c_ref[...]
    labs = lab_ref[...]
    lane = lax.broadcasted_iota(jnp.int32, (QB, CAND), 1)
    cls = lax.broadcasted_iota(jnp.int32, (QB, 128), 1)
    votes = jnp.zeros((QB, 128), jnp.float32)
    for _ in range(NN):
        m = jnp.min(v, axis=1, keepdims=True)
        pos = jnp.min(jnp.where(v == m, lane, _BIG_I), axis=1, keepdims=True)
        sel = lane == pos
        labsel = jnp.sum(jnp.where(sel, labs, 0), axis=1, keepdims=True)
        votes = votes + jnp.where(cls == labsel, 1.0, 0.0)
        v = jnp.where(sel, _BIG_F, v)
    probs_ref[...] = votes / float(NN)
    pv = jnp.where(cls < NCLS, votes, -1.0)
    mx = jnp.max(pv, axis=1, keepdims=True)
    pred = jnp.min(jnp.where(pv == mx, cls, _BIG_I), axis=1, keepdims=True)
    preds_ref[...] = jnp.broadcast_to(pred, (QB, 128))


def _vote(cand_d2, cand_lab):
    return pl.pallas_call(
        _vote_body,
        grid=(Q // QB,),
        in_specs=[
            pl.BlockSpec((QB, CAND), lambda q: (q, 0)),
            pl.BlockSpec((QB, CAND), lambda q: (q, 0)),
        ],
        out_specs=[
            pl.BlockSpec((QB, 128), lambda q: (q, 0)),
            pl.BlockSpec((QB, 128), lambda q: (q, 0)),
        ],
        out_shape=[
            jax.ShapeDtypeStruct((Q, 128), jnp.int32),
            jax.ShapeDtypeStruct((Q, 128), jnp.float32),
        ],
    )(cand_d2, cand_lab)


def kernel(x, train_x, train_y):
    x_sq = jnp.sum(x * x, axis=1, keepdims=True)
    t_sq = jnp.sum(train_x * train_x, axis=1)
    xsq_t = jnp.broadcast_to(x_sq, (Q, 128))
    t_sq_pad = jnp.concatenate(
        [t_sq, jnp.full((NPAD - N,), 1e9, jnp.float32)]).reshape(NJ, 1, TB)
    ty_pad = jnp.concatenate(
        [train_y, jnp.zeros((NPAD - N,), jnp.int32)]).reshape(NCH, CH)

    d2, cmt = _distances(x, train_x, xsq_t, t_sq_pad)
    ids16, fidx16 = _select_chunks(cmt)
    idx_d2 = fidx16.T.reshape(_ROWS)
    idx_lab = ids16.T.reshape(_ROWS)

    cand_d2, cand_lab = _gather_candidates(
        d2.reshape(Q * NCH, CH), ty_pad, idx_d2, idx_lab)

    preds_pad, probs_pad = _vote(
        cand_d2.reshape(Q, CAND), cand_lab.reshape(Q, CAND))
    return preds_pad[:, 0], probs_pad[:, :NCLS]

# --- scband reference (transcript-rebuilt; emitter-appended) ---
"""Pipeline reference for scband-knn-58617713656297 (READ-ONLY COPY).

The authoritative reference and input builder live on the scoring server;
editing this copy changes nothing except your own understanding.
"""

import jax, jax.numpy as jnp
import numpy as np

N_NEIGHBORS = 15
NUM_CLASSES = 10

def setup_inputs(seed: int = 0) -> dict:
    key = jax.random.key(seed)
    k1, k2, k3 = jax.random.split(key, 3)
    x = jax.random.normal(k1, (1024, 128), dtype=jnp.float32)
    train_x = jax.random.normal(k2, (100000, 128), dtype=jnp.float32)
    train_y = jax.random.randint(k3, (100000,), 0, NUM_CLASSES, dtype=jnp.int32)
    return {"x": x, "train_x": train_x, "train_y": train_y}


def reference(x, train_x, train_y):
    # Squared Euclidean distances via the expansion ||q||^2 + ||t||^2 - 2 q.t
    x_sq = jnp.sum(x * x, axis=1, keepdims=True)            # [Q, 1]
    t_sq = jnp.sum(train_x * train_x, axis=1)               # [K]
    d2 = x_sq + t_sq[None, :] - 2.0 * (x @ train_x.T)       # [Q, K]
    # k nearest neighbors == top-k of negative distance
    _, idx = jax.lax.top_k(-d2, N_NEIGHBORS)                # [Q, k]
    neigh_labels = jnp.take(train_y, idx, axis=0)           # [Q, k]
    one_hot = jax.nn.one_hot(neigh_labels, NUM_CLASSES, dtype=jnp.float32)  # [Q, k, C]
    probs = jnp.mean(one_hot, axis=1)                       # [Q, C] (uniform-weight vote, matches sklearn predict_proba)
    preds = jnp.argmax(probs, axis=1).astype(jnp.int32)     # ties -> lowest class index, matches sklearn
    return (preds, probs)

if __name__ == "__main__":
    import jax
    _d = setup_inputs()
    print(jax.jit(kernel)(*tuple(_d.values())))

</pallas_src>

<mosaic_0001>
#map = affine_map<(d0, d1) -> (0, 0)>
#map1 = affine_map<(d0, d1) -> (0)>
module attributes {stable_mosaic.version = 14 : i64} {
  func.func @_gather_body(%arg0: i32, %arg1: i32, %arg2: memref<802816x128xf32, #tpu.memory_space<hbm>>, %arg3: memref<784x128xi32, #tpu.memory_space<hbm>>, %arg4: memref<16384xi32, #tpu.memory_space<hbm>>, %arg5: memref<16384xi32, #tpu.memory_space<hbm>>, %arg6: memref<16384x128xf32, #tpu.memory_space<hbm>>, %arg7: memref<16384x128xi32, #tpu.memory_space<hbm>>, %arg8: memref<4x128xi32, #tpu.memory_space<vmem>>, %arg9: memref<4x128xi32, #tpu.memory_space<vmem>>, %arg10: memref<128x128xf32, #tpu.memory_space<vmem>>, %arg11: memref<128x128xi32, #tpu.memory_space<vmem>>, %arg12: memref<!tpu.dma_semaphore, #tpu.memory_space<semaphore_mem>>, %arg13: memref<!tpu.dma_semaphore, #tpu.memory_space<semaphore_mem>>, %arg14: memref<!tpu.dma_semaphore, #tpu.memory_space<semaphore_mem>>, %arg15: memref<!tpu.dma_semaphore, #tpu.memory_space<semaphore_mem>>) attributes {dimension_semantics = [#tpu.dimension_semantics<core_parallel>, #tpu.dimension_semantics<subcore_parallel>], iteration_bounds = array<i64: 2, 16>, scalar_prefetch = 0 : i64, scratch_operands = 8 : i64, tpu.core_type = #tpu.core_type<sc_vector_subcore>, window_params = [{transform_indices = #map}, {transform_indices = #map}, {transform_indices = #map1}, {transform_indices = #map1}, {transform_indices = #map}, {transform_indices = #map}]} {
    %mul3A = arith.constant 2 : i32
    %mul3A_0 = arith.muli %arg1, %mul3A : i32
    %add3A = arith.addi %mul3A_0, %arg0 : i32
    %mul3A_1 = arith.constant 512 : i32
    %mul3A_2 = arith.muli %add3A, %mul3A_1 : i32
    %add3A_3 = arith.constant 0 : i32
    %add3A_4 = arith.addi %mul3A_2, %add3A_3 : i32
    %run_scoped3A = arith.constant 0 : i32
    "tpu.region"() ({
      %run_scoped3A_214 = tpu.sem_alloc : memref<!tpu.dma_semaphore, #tpu.memory_space<semaphore_mem>>
      %dma_start3A_215 = arith.constant 0 : i32
      %dma_start3A_216 = tpu.memref_slice %arg8[%run_scoped3A, %dma_start3A_215] : memref<4x128xi32, #tpu.memory_space<vmem>> -> memref<1x128xi32, #tpu.memory_space<vmem>>
      %dma_start3A_217 = tpu.memref_squeeze %dma_start3A_216 : memref<1x128xi32, #tpu.memory_space<vmem>> -> memref<128xi32, #tpu.memory_space<vmem>>
      %dma_start3A_218 = tpu.memref_slice %arg4[%add3A_4] : memref<16384xi32, #tpu.memory_space<hbm>> -> memref<128xi32, #tpu.memory_space<hbm>>
      %dma_start3A_219 = arith.constant 0 : i32
      %dma_start3A_220 = tpu.memref_slice %arg8[%run_scoped3A, %dma_start3A_219] : memref<4x128xi32, #tpu.memory_space<vmem>> -> memref<1x128xi32, #tpu.memory_space<vmem>>
      %dma_start3A_221 = tpu.memref_squeeze %dma_start3A_220 : memref<1x128xi32, #tpu.memory_space<vmem>> -> memref<128xi32, #tpu.memory_space<vmem>>
      %dma_start3A_222 = tpu.memref_slice %arg4[%add3A_4] : memref<16384xi32, #tpu.memory_space<hbm>> -> memref<128xi32, #tpu.memory_space<hbm>>
      tpu.enqueue_dma source(%dma_start3A_222 : memref<128xi32, #tpu.memory_space<hbm>>) target(%dma_start3A_221 : memref<128xi32, #tpu.memory_space<vmem>>) target_semaphore(%run_scoped3A_214 : memref<!tpu.dma_semaphore, #tpu.memory_space<semaphore_mem>>)
      %dma_wait3A_223 = arith.constant 0 : i32
      %dma_wait3A_224 = tpu.memref_slice %arg8[%run_scoped3A, %dma_wait3A_223] : memref<4x128xi32, #tpu.memory_space<vmem>> -> memref<1x128xi32, #tpu.memory_space<vmem>>
      %dma_wait3A_225 = tpu.memref_squeeze %dma_wait3A_224 : memref<1x128xi32, #tpu.memory_space<vmem>> -> memref<128xi32, #tpu.memory_space<vmem>>
      %dma_wait3A_226 = tpu.memref_slice %arg4[%add3A_4] : memref<16384xi32, #tpu.memory_space<hbm>> -> memref<128xi32, #tpu.memory_space<hbm>>
      %dma_wait3A_227 = arith.constant 0 : i32
      %dma_wait3A_228 = tpu.memref_slice %arg8[%run_scoped3A, %dma_wait3A_227] : memref<4x128xi32, #tpu.memory_space<vmem>> -> memref<1x128xi32, #tpu.memory_space<vmem>>
      %dma_wait3A_229 = tpu.memref_squeeze %dma_wait3A_228 : memref<1x128xi32, #tpu.memory_space<vmem>> -> memref<128xi32, #tpu.memory_space<vmem>>
      %dma_wait3A_230 = tpu.memref_slice %arg4[%add3A_4] : memref<16384xi32, #tpu.memory_space<hbm>> -> memref<128xi32, #tpu.memory_space<hbm>>
      tpu.wait_dma2 semaphore(%run_scoped3A_214 : memref<!tpu.dma_semaphore, #tpu.memory_space<semaphore_mem>>) src(%dma_wait3A_230 : memref<128xi32, #tpu.memory_space<hbm>>) dst(%dma_wait3A_229 : memref<128xi32, #tpu.memory_space<vmem>>)
      tpu.yield
    }) : () -> ()
    %run_scoped3A_5 = arith.constant 0 : i32
    "tpu.region"() ({
      %run_scoped3A_214 = tpu.sem_alloc : memref<!tpu.dma_semaphore, #tpu.memory_space<semaphore_mem>>
      %dma_start3A_215 = arith.constant 0 : i32
      %dma_start3A_216 = tpu.memref_slice %arg9[%run_scoped3A_5, %dma_start3A_215] : memref<4x128xi32, #tpu.memory_space<vmem>> -> memref<1x128xi32, #tpu.memory_space<vmem>>
      %dma_start3A_217 = tpu.memref_squeeze %dma_start3A_216 : memref<1x128xi32, #tpu.memory_space<vmem>> -> memref<128xi32, #tpu.memory_space<vmem>>
      %dma_start3A_218 = tpu.memref_slice %arg5[%add3A_4] : memref<16384xi32, #tpu.memory_space<hbm>> -> memref<128xi32, #tpu.memory_space<hbm>>
      %dma_start3A_219 = arith.constant 0 : i32
      %dma_start3A_220 = tpu.memref_slice %arg9[%run_scoped3A_5, %dma_start3A_219] : memref<4x128xi32, #tpu.memory_space<vmem>> -> memref<1x128xi32, #tpu.memory_space<vmem>>
      %dma_start3A_221 = tpu.memref_squeeze %dma_start3A_220 : memref<1x128xi32, #tpu.memory_space<vmem>> -> memref<128xi32, #tpu.memory_space<vmem>>
      %dma_start3A_222 = tpu.memref_slice %arg5[%add3A_4] : memref<16384xi32, #tpu.memory_space<hbm>> -> memref<128xi32, #tpu.memory_space<hbm>>
      tpu.enqueue_dma source(%dma_start3A_222 : memref<128xi32, #tpu.memory_space<hbm>>) target(%dma_start3A_221 : memref<128xi32, #tpu.memory_space<vmem>>) target_semaphore(%run_scoped3A_214 : memref<!tpu.dma_semaphore, #tpu.memory_space<semaphore_mem>>)
      %dma_wait3A_223 = arith.constant 0 : i32
      %dma_wait3A_224 = tpu.memref_slice %arg9[%run_scoped3A_5, %dma_wait3A_223] : memref<4x128xi32, #tpu.memory_space<vmem>> -> memref<1x128xi32, #tpu.memory_space<vmem>>
      %dma_wait3A_225 = tpu.memref_squeeze %dma_wait3A_224 : memref<1x128xi32, #tpu.memory_space<vmem>> -> memref<128xi32, #tpu.memory_space<vmem>>
      %dma_wait3A_226 = tpu.memref_slice %arg5[%add3A_4] : memref<16384xi32, #tpu.memory_space<hbm>> -> memref<128xi32, #tpu.memory_space<hbm>>
      %dma_wait3A_227 = arith.constant 0 : i32
      %dma_wait3A_228 = tpu.memref_slice %arg9[%run_scoped3A_5, %dma_wait3A_227] : memref<4x128xi32, #tpu.memory_space<vmem>> -> memref<1x128xi32, #tpu.memory_space<vmem>>
      %dma_wait3A_229 = tpu.memref_squeeze %dma_wait3A_228 : memref<1x128xi32, #tpu.memory_space<vmem>> -> memref<128xi32, #tpu.memory_space<vmem>>
      %dma_wait3A_230 = tpu.memref_slice %arg5[%add3A_4] : memref<16384xi32, #tpu.memory_space<hbm>> -> memref<128xi32, #tpu.memory_space<hbm>>
      tpu.wait_dma2 semaphore(%run_scoped3A_214 : memref<!tpu.dma_semaphore, #tpu.memory_space<semaphore_mem>>) src(%dma_wait3A_230 : memref<128xi32, #tpu.memory_space<hbm>>) dst(%dma_wait3A_229 : memref<128xi32, #tpu.memory_space<vmem>>)
      tpu.yield
    }) : () -> ()
    %mul3A_6 = arith.constant 512 : i32
    %mul3A_7 = arith.muli %add3A, %mul3A_6 : i32
    %add3A_8 = arith.constant 128 : i32
    %add3A_9 = arith.addi %mul3A_7, %add3A_8 : i32
    %run_scoped3A_10 = arith.constant 1 : i32
    "tpu.region"() ({
      %run_scoped3A_214 = tpu.sem_alloc : memref<!tpu.dma_semaphore, #tpu.memory_space<semaphore_mem>>
      %dma_start3A_215 = arith.constant 0 : i32
      %dma_start3A_216 = tpu.memref_slice %arg8[%run_scoped3A_10, %dma_start3A_215] : memref<4x128xi32, #tpu.memory_space<vmem>> -> memref<1x128xi32, #tpu.memory_space<vmem>>
      %dma_start3A_217 = tpu.memref_squeeze %dma_start3A_216 : memref<1x128xi32, #tpu.memory_space<vmem>> -> memref<128xi32, #tpu.memory_space<vmem>>
      %dma_start3A_218 = tpu.memref_slice %arg4[%add3A_9] : memref<16384xi32, #tpu.memory_space<hbm>> -> memref<128xi32, #tpu.memory_space<hbm>>
      %dma_start3A_219 = arith.constant 0 : i32
      %dma_start3A_220 = tpu.memref_slice %arg8[%run_scoped3A_10, %dma_start3A_219] : memref<4x128xi32, #tpu.memory_space<vmem>> -> memref<1x128xi32, #tpu.memory_space<vmem>>
      %dma_start3A_221 = tpu.memref_squeeze %dma_start3A_220 : memref<1x128xi32, #tpu.memory_space<vmem>> -> memref<128xi32, #tpu.memory_space<vmem>>
      %dma_start3A_222 = tpu.memref_slice %arg4[%add3A_9] : memref<16384xi32, #tpu.memory_space<hbm>> -> memref<128xi32, #tpu.memory_space<hbm>>
      tpu.enqueue_dma source(%dma_start3A_222 : memref<128xi32, #tpu.memory_space<hbm>>) target(%dma_start3A_221 : memref<128xi32, #tpu.memory_space<vmem>>) target_semaphore(%run_scoped3A_214 : memref<!tpu.dma_semaphore, #tpu.memory_space<semaphore_mem>>)
      %dma_wait3A_223 = arith.constant 0 : i32
      %dma_wait3A_224 = tpu.memref_slice %arg8[%run_scoped3A_10, %dma_wait3A_223] : memref<4x128xi32, #tpu.memory_space<vmem>> -> memref<1x128xi32, #tpu.memory_space<vmem>>
      %dma_wait3A_225 = tpu.memref_squeeze %dma_wait3A_224 : memref<1x128xi32, #tpu.memory_space<vmem>> -> memref<128xi32, #tpu.memory_space<vmem>>
      %dma_wait3A_226 = tpu.memref_slice %arg4[%add3A_9] : memref<16384xi32, #tpu.memory_space<hbm>> -> memref<128xi32, #tpu.memory_space<hbm>>
      %dma_wait3A_227 = arith.constant 0 : i32
      %dma_wait3A_228 = tpu.memref_slice %arg8[%run_scoped3A_10, %dma_wait3A_227] : memref<4x128xi32, #tpu.memory_space<vmem>> -> memref<1x128xi32, #tpu.memory_space<vmem>>
      %dma_wait3A_229 = tpu.memref_squeeze %dma_wait3A_228 : memref<1x128xi32, #tpu.memory_space<vmem>> -> memref<128xi32, #tpu.memory_space<vmem>>
      %dma_wait3A_230 = tpu.memref_slice %arg4[%add3A_9] : memref<16384xi32, #tpu.memory_space<hbm>> -> memref<128xi32, #tpu.memory_space<hbm>>
      tpu.wait_dma2 semaphore(%run_scoped3A_214 : memref<!tpu.dma_semaphore, #tpu.memory_space<semaphore_mem>>) src(%dma_wait3A_230 : memref<128xi32, #tpu.memory_space<hbm>>) dst(%dma_wait3A_229 : memref<128xi32, #tpu.memory_space<vmem>>)
      tpu.yield
    }) : () -> ()
    %run_scoped3A_11 = arith.constant 1 : i32
    "tpu.region"() ({
      %run_scoped3A_214 = tpu.sem_alloc : memref<!tpu.dma_semaphore, #tpu.memory_space<semaphore_mem>>
      %dma_start3A_215 = arith.constant 0 : i32
      %dma_start3A_216 = tpu.memref_slice %arg9[%run_scoped3A_11, %dma_start3A_215] : memref<4x128xi32, #tpu.memory_space<vmem>> -> memref<1x128xi32, #tpu.memory_space<vmem>>
      %dma_start3A_217 = tpu.memref_squeeze %dma_start3A_216 : memref<1x128xi32, #tpu.memory_space<vmem>> -> memref<128xi32, #tpu.memory_space<vmem>>
      %dma_start3A_218 = tpu.memref_slice %arg5[%add3A_9] : memref<16384xi32, #tpu.memory_space<hbm>> -> memref<128xi32, #tpu.memory_space<hbm>>
      %dma_start3A_219 = arith.constant 0 : i32
      %dma_start3A_220 = tpu.memref_slice %arg9[%run_scoped3A_11, %dma_start3A_219] : memref<4x128xi32, #tpu.memory_space<vmem>> -> memref<1x128xi32, #tpu.memory_space<vmem>>
      %dma_start3A_221 = tpu.memref_squeeze %dma_start3A_220 : memref<1x128xi32, #tpu.memory_space<vmem>> -> memref<128xi32, #tpu.memory_space<vmem>>
      %dma_start3A_222 = tpu.memref_slice %arg5[%add3A_9] : memref<16384xi32, #tpu.memory_space<hbm>> -> memref<128xi32, #tpu.memory_space<hbm>>
      tpu.enqueue_dma source(%dma_start3A_222 : memref<128xi32, #tpu.memory_space<hbm>>) target(%dma_start3A_221 : memref<128xi32, #tpu.memory_space<vmem>>) target_semaphore(%run_scoped3A_214 : memref<!tpu.dma_semaphore, #tpu.memory_space<semaphore_mem>>)
      %dma_wait3A_223 = arith.constant 0 : i32
      %dma_wait3A_224 = tpu.memref_slice %arg9[%run_scoped3A_11, %dma_wait3A_223] : memref<4x128xi32, #tpu.memory_space<vmem>> -> memref<1x128xi32, #tpu.memory_space<vmem>>
      %dma_wait3A_225 = tpu.memref_squeeze %dma_wait3A_224 : memref<1x128xi32, #tpu.memory_space<vmem>> -> memref<128xi32, #tpu.memory_space<vmem>>
      %dma_wait3A_226 = tpu.memref_slice %arg5[%add3A_9] : memref<16384xi32, #tpu.memory_space<hbm>> -> memref<128xi32, #tpu.memory_space<hbm>>
      %dma_wait3A_227 = arith.constant 0 : i32
      %dma_wait3A_228 = tpu.memref_slice %arg9[%run_scoped3A_11, %dma_wait3A_227] : memref<4x128xi32, #tpu.memory_space<vmem>> -> memref<1x128xi32, #tpu.memory_space<vmem>>
      %dma_wait3A_229 = tpu.memref_squeeze %dma_wait3A_228 : memref<1x128xi32, #tpu.memory_space<vmem>> -> memref<128xi32, #tpu.memory_space<vmem>>
      %dma_wait3A_230 = tpu.memref_slice %arg5[%add3A_9] : memref<16384xi32, #tpu.memory_space<hbm>> -> memref<128xi32, #tpu.memory_space<hbm>>
      tpu.wait_dma2 semaphore(%run_scoped3A_214 : memref<!tpu.dma_semaphore, #tpu.memory_space<semaphore_mem>>) src(%dma_wait3A_230 : memref<128xi32, #tpu.memory_space<hbm>>) dst(%dma_wait3A_229 : memref<128xi32, #tpu.memory_space<vmem>>)
      tpu.yield
    }) : () -> ()
    %mul3A_12 = arith.constant 512 : i32
    %mul3A_13 = arith.muli %add3A, %mul3A_12 : i32
    %add3A_14 = arith.constant 256 : i32
    %add3A_15 = arith.addi %mul3A_13, %add3A_14 : i32
    %run_scoped3A_16 = arith.constant 2 : i32
    "tpu.region"() ({
      %run_scoped3A_214 = tpu.sem_alloc : memref<!tpu.dma_semaphore, #tpu.memory_space<semaphore_mem>>
      %dma_start3A_215 = arith.constant 0 : i32
      %dma_start3A_216 = tpu.memref_slice %arg8[%run_scoped3A_16, %dma_start3A_215] : memref<4x128xi32, #tpu.memory_space<vmem>> -> memref<1x128xi32, #tpu.memory_space<vmem>>
      %dma_start3A_217 = tpu.memref_squeeze %dma_start3A_216 : memref<1x128xi32, #tpu.memory_space<vmem>> -> memref<128xi32, #tpu.memory_space<vmem>>
      %dma_start3A_218 = tpu.memref_slice %arg4[%add3A_15] : memref<16384xi32, #tpu.memory_space<hbm>> -> memref<128xi32, #tpu.memory_space<hbm>>
      %dma_start3A_219 = arith.constant 0 : i32
      %dma_start3A_220 = tpu.memref_slice %arg8[%run_scoped3A_16, %dma_start3A_219] : memref<4x128xi32, #tpu.memory_space<vmem>> -> memref<1x128xi32, #tpu.memory_space<vmem>>
      %dma_start3A_221 = tpu.memref_squeeze %dma_start3A_220 : memref<1x128xi32, #tpu.memory_space<vmem>> -> memref<128xi32, #tpu.memory_space<vmem>>
      %dma_start3A_222 = tpu.memref_slice %arg4[%add3A_15] : memref<16384xi32, #tpu.memory_space<hbm>> -> memref<128xi32, #tpu.memory_space<hbm>>
      tpu.enqueue_dma source(%dma_start3A_222 : memref<128xi32, #tpu.memory_space<hbm>>) target(%dma_start3A_221 : memref<128xi32, #tpu.memory_space<vmem>>) target_semaphore(%run_scoped3A_214 : memref<!tpu.dma_semaphore, #tpu.memory_space<semaphore_mem>>)
      %dma_wait3A_223 = arith.constant 0 : i32
      %dma_wait3A_224 = tpu.memref_slice %arg8[%run_scoped3A_16, %dma_wait3A_223] : memref<4x128xi32, #tpu.memory_space<vmem>> -> memref<1x128xi32, #tpu.memory_space<vmem>>
      %dma_wait3A_225 = tpu.memref_squeeze %dma_wait3A_224 : memref<1x128xi32, #tpu.memory_space<vmem>> -> memref<128xi32, #tpu.memory_space<vmem>>
      %dma_wait3A_226 = tpu.memref_slice %arg4[%add3A_15] : memref<16384xi32, #tpu.memory_space<hbm>> -> memref<128xi32, #tpu.memory_space<hbm>>
      %dma_wait3A_227 = arith.constant 0 : i32
      %dma_wait3A_228 = tpu.memref_slice %arg8[%run_scoped3A_16, %dma_wait3A_227] : memref<4x128xi32, #tpu.memory_space<vmem>> -> memref<1x128xi32, #tpu.memory_space<vmem>>
      %dma_wait3A_229 = tpu.memref_squeeze %dma_wait3A_228 : memref<1x128xi32, #tpu.memory_space<vmem>> -> memref<128xi32, #tpu.memory_space<vmem>>
      %dma_wait3A_230 = tpu.memref_slice %arg4[%add3A_15] : memref<16384xi32, #tpu.memory_space<hbm>> -> memref<128xi32, #tpu.memory_space<hbm>>
      tpu.wait_dma2 semaphore(%run_scoped3A_214 : memref<!tpu.dma_semaphore, #tpu.memory_space<semaphore_mem>>) src(%dma_wait3A_230 : memref<128xi32, #tpu.memory_space<hbm>>) dst(%dma_wait3A_229 : memref<128xi32, #tpu.memory_space<vmem>>)
      tpu.yield
    }) : () -> ()
    %run_scoped3A_17 = arith.constant 2 : i32
    "tpu.region"() ({
      %run_scoped3A_214 = tpu.sem_alloc : memref<!tpu.dma_semaphore, #tpu.memory_space<semaphore_mem>>
      %dma_start3A_215 = arith.constant 0 : i32
      %dma_start3A_216 = tpu.memref_slice %arg9[%run_scoped3A_17, %dma_start3A_215] : memref<4x128xi32, #tpu.memory_space<vmem>> -> memref<1x128xi32, #tpu.memory_space<vmem>>
      %dma_start3A_217 = tpu.memref_squeeze %dma_start3A_216 : memref<1x128xi32, #tpu.memory_space<vmem>> -> memref<128xi32, #tpu.memory_space<vmem>>
      %dma_start3A_218 = tpu.memref_slice %arg5[%add3A_15] : memref<16384xi32, #tpu.memory_space<hbm>> -> memref<128xi32, #tpu.memory_space<hbm>>
      %dma_start3A_219 = arith.constant 0 : i32
      %dma_start3A_220 = tpu.memref_slice %arg9[%run_scoped3A_17, %dma_start3A_219] : memref<4x128xi32, #tpu.memory_space<vmem>> -> memref<1x128xi32, #tpu.memory_space<vmem>>
      %dma_start3A_221 = tpu.memref_squeeze %dma_start3A_220 : memref<1x128xi32, #tpu.memory_space<vmem>> -> memref<128xi32, #tpu.memory_space<vmem>>
      %dma_start3A_222 = tpu.memref_slice %arg5[%add3A_15] : memref<16384xi32, #tpu.memory_space<hbm>> -> memref<128xi32, #tpu.memory_space<hbm>>
      tpu.enqueue_dma source(%dma_start3A_222 : memref<128xi32, #tpu.memory_space<hbm>>) target(%dma_start3A_221 : memref<128xi32, #tpu.memory_space<vmem>>) target_semaphore(%run_scoped3A_214 : memref<!tpu.dma_semaphore, #tpu.memory_space<semaphore_mem>>)
      %dma_wait3A_223 = arith.constant 0 : i32
      %dma_wait3A_224 = tpu.memref_slice %arg9[%run_scoped3A_17, %dma_wait3A_223] : memref<4x128xi32, #tpu.memory_space<vmem>> -> memref<1x128xi32, #tpu.memory_space<vmem>>
      %dma_wait3A_225 = tpu.memref_squeeze %dma_wait3A_224 : memref<1x128xi32, #tpu.memory_space<vmem>> -> memref<128xi32, #tpu.memory_space<vmem>>
      %dma_wait3A_226 = tpu.memref_slice %arg5[%add3A_15] : memref<16384xi32, #tpu.memory_space<hbm>> -> memref<128xi32, #tpu.memory_space<hbm>>
      %dma_wait3A_227 = arith.constant 0 : i32
      %dma_wait3A_228 = tpu.memref_slice %arg9[%run_scoped3A_17, %dma_wait3A_227] : memref<4x128xi32, #tpu.memory_space<vmem>> -> memref<1x128xi32, #tpu.memory_space<vmem>>
      %dma_wait3A_229 = tpu.memref_squeeze %dma_wait3A_228 : memref<1x128xi32, #tpu.memory_space<vmem>> -> memref<128xi32, #tpu.memory_space<vmem>>
      %dma_wait3A_230 = tpu.memref_slice %arg5[%add3A_15] : memref<16384xi32, #tpu.memory_space<hbm>> -> memref<128xi32, #tpu.memory_space<hbm>>
      tpu.wait_dma2 semaphore(%run_scoped3A_214 : memref<!tpu.dma_semaphore, #tpu.memory_space<semaphore_mem>>) src(%dma_wait3A_230 : memref<128xi32, #tpu.memory_space<hbm>>) dst(%dma_wait3A_229 : memref<128xi32, #tpu.memory_space<vmem>>)
      tpu.yield
    }) : () -> ()
    %mul3A_18 = arith.constant 512 : i32
    %mul3A_19 = arith.muli %add3A, %mul3A_18 : i32
    %add3A_20 = arith.constant 384 : i32
    %add3A_21 = arith.addi %mul3A_19, %add3A_20 : i32
    %run_scoped3A_22 = arith.constant 3 : i32
    "tpu.region"() ({
      %run_scoped3A_214 = tpu.sem_alloc : memref<!tpu.dma_semaphore, #tpu.memory_space<semaphore_mem>>
      %dma_start3A_215 = arith.constant 0 : i32
      %dma_start3A_216 = tpu.memref_slice %arg8[%run_scoped3A_22, %dma_start3A_215] : memref<4x128xi32, #tpu.memory_space<vmem>> -> memref<1x128xi32, #tpu.memory_space<vmem>>
      %dma_start3A_217 = tpu.memref_squeeze %dma_start3A_216 : memref<1x128xi32, #tpu.memory_space<vmem>> -> memref<128xi32, #tpu.memory_space<vmem>>
      %dma_start3A_218 = tpu.memref_slice %arg4[%add3A_21] : memref<16384xi32, #tpu.memory_space<hbm>> -> memref<128xi32, #tpu.memory_space<hbm>>
      %dma_start3A_219 = arith.constant 0 : i32
      %dma_start3A_220 = tpu.memref_slice %arg8[%run_scoped3A_22, %dma_start3A_219] : memref<4x128xi32, #tpu.memory_space<vmem>> -> memref<1x128xi32, #tpu.memory_space<vmem>>
      %dma_start3A_221 = tpu.memref_squeeze %dma_start3A_220 : memref<1x128xi32, #tpu.memory_space<vmem>> -> memref<128xi32, #tpu.memory_space<vmem>>
      %dma_start3A_222 = tpu.memref_slice %arg4[%add3A_21] : memref<16384xi32, #tpu.memory_space<hbm>> -> memref<128xi32, #tpu.memory_space<hbm>>
      tpu.enqueue_dma source(%dma_start3A_222 : memref<128xi32, #tpu.memory_space<hbm>>) target(%dma_start3A_221 : memref<128xi32, #tpu.memory_space<vmem>>) target_semaphore(%run_scoped3A_214 : memref<!tpu.dma_semaphore, #tpu.memory_space<semaphore_mem>>)
      %dma_wait3A_223 = arith.constant 0 : i32
      %dma_wait3A_224 = tpu.memref_slice %arg8[%run_scoped3A_22, %dma_wait3A_223] : memref<4x128xi32, #tpu.memory_space<vmem>> -> memref<1x128xi32, #tpu.memory_space<vmem>>
      %dma_wait3A_225 = tpu.memref_squeeze %dma_wait3A_224 : memref<1x128xi32, #tpu.memory_space<vmem>> -> memref<128xi32, #tpu.memory_space<vmem>>
      %dma_wait3A_226 = tpu.memref_slice %arg4[%add3A_21] : memref<16384xi32, #tpu.memory_space<hbm>> -> memref<128xi32, #tpu.memory_space<hbm>>
      %dma_wait3A_227 = arith.constant 0 : i32
      %dma_wait3A_228 = tpu.memref_slice %arg8[%run_scoped3A_22, %dma_wait3A_227] : memref<4x128xi32, #tpu.memory_space<vmem>> -> memref<1x128xi32, #tpu.memory_space<vmem>>
      %dma_wait3A_229 = tpu.memref_squeeze %dma_wait3A_228 : memref<1x128xi32, #tpu.memory_space<vmem>> -> memref<128xi32, #tpu.memory_space<vmem>>
      %dma_wait3A_230 = tpu.memref_slice %arg4[%add3A_21] : memref<16384xi32, #tpu.memory_space<hbm>> -> memref<128xi32, #tpu.memory_space<hbm>>
      tpu.wait_dma2 semaphore(%run_scoped3A_214 : memref<!tpu.dma_semaphore, #tpu.memory_space<semaphore_mem>>) src(%dma_wait3A_230 : memref<128xi32, #tpu.memory_space<hbm>>) dst(%dma_wait3A_229 : memref<128xi32, #tpu.memory_space<vmem>>)
      tpu.yield
    }) : () -> ()
    %run_scoped3A_23 = arith.constant 3 : i32
    "tpu.region"() ({
      %run_scoped3A_214 = tpu.sem_alloc : memref<!tpu.dma_semaphore, #tpu.memory_space<semaphore_mem>>
      %dma_start3A_215 = arith.constant 0 : i32
      %dma_start3A_216 = tpu.memref_slice %arg9[%run_scoped3A_23, %dma_start3A_215] : memref<4x128xi32, #tpu.memory_space<vmem>> -> memref<1x128xi32, #tpu.memory_space<vmem>>
      %dma_start3A_217 = tpu.memref_squeeze %dma_start3A_216 : memref<1x128xi32, #tpu.memory_space<vmem>> -> memref<128xi32, #tpu.memory_space<vmem>>
      %dma_start3A_218 = tpu.memref_slice %arg5[%add3A_21] : memref<16384xi32, #tpu.memory_space<hbm>> -> memref<128xi32, #tpu.memory_space<hbm>>
      %dma_start3A_219 = arith.constant 0 : i32
      %dma_start3A_220 = tpu.memref_slice %arg9[%run_scoped3A_23, %dma_start3A_219] : memref<4x128xi32, #tpu.memory_space<vmem>> -> memref<1x128xi32, #tpu.memory_space<vmem>>
      %dma_start3A_221 = tpu.memref_squeeze %dma_start3A_220 : memref<1x128xi32, #tpu.memory_space<vmem>> -> memref<128xi32, #tpu.memory_space<vmem>>
      %dma_start3A_222 = tpu.memref_slice %arg5[%add3A_21] : memref<16384xi32, #tpu.memory_space<hbm>> -> memref<128xi32, #tpu.memory_space<hbm>>
      tpu.enqueue_dma source(%dma_start3A_222 : memref<128xi32, #tpu.memory_space<hbm>>) target(%dma_start3A_221 : memref<128xi32, #tpu.memory_space<vmem>>) target_semaphore(%run_scoped3A_214 : memref<!tpu.dma_semaphore, #tpu.memory_space<semaphore_mem>>)
      %dma_wait3A_223 = arith.constant 0 : i32
      %dma_wait3A_224 = tpu.memref_slice %arg9[%run_scoped3A_23, %dma_wait3A_223] : memref<4x128xi32, #tpu.memory_space<vmem>> -> memref<1x128xi32, #tpu.memory_space<vmem>>
      %dma_wait3A_225 = tpu.memref_squeeze %dma_wait3A_224 : memref<1x128xi32, #tpu.memory_space<vmem>> -> memref<128xi32, #tpu.memory_space<vmem>>
      %dma_wait3A_226 = tpu.memref_slice %arg5[%add3A_21] : memref<16384xi32, #tpu.memory_space<hbm>> -> memref<128xi32, #tpu.memory_space<hbm>>
      %dma_wait3A_227 = arith.constant 0 : i32
      %dma_wait3A_228 = tpu.memref_slice %arg9[%run_scoped3A_23, %dma_wait3A_227] : memref<4x128xi32, #tpu.memory_space<vmem>> -> memref<1x128xi32, #tpu.memory_space<vmem>>
      %dma_wait3A_229 = tpu.memref_squeeze %dma_wait3A_228 : memref<1x128xi32, #tpu.memory_space<vmem>> -> memref<128xi32, #tpu.memory_space<vmem>>
      %dma_wait3A_230 = tpu.memref_slice %arg5[%add3A_21] : memref<16384xi32, #tpu.memory_space<hbm>> -> memref<128xi32, #tpu.memory_space<hbm>>
      tpu.wait_dma2 semaphore(%run_scoped3A_214 : memref<!tpu.dma_semaphore, #tpu.memory_space<semaphore_mem>>) src(%dma_wait3A_230 : memref<128xi32, #tpu.memory_space<hbm>>) dst(%dma_wait3A_229 : memref<128xi32, #tpu.memory_space<vmem>>)
      tpu.yield
    }) : () -> ()
    %mul3A_24 = arith.constant 512 : i32
    %mul3A_25 = arith.muli %add3A, %mul3A_24 : i32
    %add3A_26 = arith.constant 0 : i32
    %add3A_27 = arith.addi %mul3A_25, %add3A_26 : i32
    %dma_start3A = arith.constant 0 : i32
    %dma_start3A_28 = arith.constant 0 : i32
    %dma_start3A_29 = tpu.memref_slice %arg8[%dma_start3A, %dma_start3A_28] : memref<4x128xi32, #tpu.memory_space<vmem>> -> memref<1x128xi32, #tpu.memory_space<vmem>>
    %dma_start3A_30 = tpu.memref_squeeze %dma_start3A_29 : memref<1x128xi32, #tpu.memory_space<vmem>> -> memref<128xi32, #tpu.memory_space<vmem>>
    %dma_start3A_31 = arith.constant 0 : i32
    %dma_start3A_32 = arith.constant 0 : i32
    %dma_start3A_33 = tpu.memref_slice %arg2[%dma_start3A_31, %dma_start3A_32] : memref<802816x128xf32, #tpu.memory_space<hbm>> -> memref<802816x128xf32, #tpu.memory_space<hbm>>
    tpu.enqueue_indirect_dma source(%dma_start3A_33 : memref<802816x128xf32, #tpu.memory_space<hbm>>) target(%arg10 : memref<128x128xf32, #tpu.memory_space<vmem>>) offsets(%dma_start3A_30 : memref<128xi32, #tpu.memory_space<vmem>>) semaphore(%arg12 : memref<!tpu.dma_semaphore, #tpu.memory_space<semaphore_mem>>)
    %dma_start3A_34 = arith.constant 0 : i32
    %dma_start3A_35 = arith.constant 0 : i32
    %dma_start3A_36 = tpu.memref_slice %arg9[%dma_start3A_34, %dma_start3A_35] : memref<4x128xi32, #tpu.memory_space<vmem>> -> memref<1x128xi32, #tpu.memory_space<vmem>>
    %dma_start3A_37 = tpu.memref_squeeze %dma_start3A_36 : memref<1x128xi32, #tpu.memory_space<vmem>> -> memref<128xi32, #tpu.memory_space<vmem>>
    %dma_start3A_38 = arith.constant 0 : i32
    %dma_start3A_39 = arith.constant 0 : i32
    %dma_start3A_40 = tpu.memref_slice %arg3[%dma_start3A_38, %dma_start3A_39] : memref<784x128xi32, #tpu.memory_space<hbm>> -> memref<784x128xi32, #tpu.memory_space<hbm>>
    tpu.enqueue_indirect_dma source(%dma_start3A_40 : memref<784x128xi32, #tpu.memory_space<hbm>>) target(%arg11 : memref<128x128xi32, #tpu.memory_space<vmem>>) offsets(%dma_start3A_37 : memref<128xi32, #tpu.memory_space<vmem>>) semaphore(%arg13 : memref<!tpu.dma_semaphore, #tpu.memory_space<semaphore_mem>>)
    %dma_wait3A = arith.constant 0 : i32
    %dma_wait3A_41 = arith.constant 0 : i32
    %dma_wait3A_42 = tpu.memref_slice %arg8[%dma_wait3A, %dma_wait3A_41] : memref<4x128xi32, #tpu.memory_space<vmem>> -> memref<1x128xi32, #tpu.memory_space<vmem>>
    %dma_wait3A_43 = tpu.memref_squeeze %dma_wait3A_42 : memref<1x128xi32, #tpu.memory_space<vmem>> -> memref<128xi32, #tpu.memory_space<vmem>>
    %dma_wait3A_44 = arith.constant 0 : i32
    %dma_wait3A_45 = arith.constant 0 : i32
    %dma_wait3A_46 = tpu.memref_slice %arg2[%dma_wait3A_44, %dma_wait3A_45] : memref<802816x128xf32, #tpu.memory_space<hbm>> -> memref<802816x128xf32, #tpu.memory_space<hbm>>
    tpu.wait_indirect_dma semaphore(%arg12 : memref<!tpu.dma_semaphore, #tpu.memory_space<semaphore_mem>>) src(%dma_wait3A_46 : memref<802816x128xf32, #tpu.memory_space<hbm>>) dst(%arg10 : memref<128x128xf32, #tpu.memory_space<vmem>>)
    %dma_start3A_47 = arith.constant 0 : i32
    %dma_start3A_48 = tpu.memref_slice %arg6[%add3A_27, %dma_start3A_47] : memref<16384x128xf32, #tpu.memory_space<hbm>> -> memref<128x128xf32, #tpu.memory_space<hbm>>
    %dma_start3A_49 = arith.constant 0 : i32
    %dma_start3A_50 = tpu.memref_slice %arg6[%add3A_27, %dma_start3A_49] : memref<16384x128xf32, #tpu.memory_space<hbm>> -> memref<128x128xf32, #tpu.memory_space<hbm>>
    tpu.enqueue_dma source(%arg10 : memref<128x128xf32, #tpu.memory_space<vmem>>) target(%dma_start3A_50 : memref<128x128xf32, #tpu.memory_space<hbm>>) target_semaphore(%arg14 : memref<!tpu.dma_semaphore, #tpu.memory_space<semaphore_mem>>)
    %dma_wait3A_51 = arith.constant 0 : i32
    %dma_wait3A_52 = arith.constant 0 : i32
    %dma_wait3A_53 = tpu.memref_slice %arg9[%dma_wait3A_51, %dma_wait3A_52] : memref<4x128xi32, #tpu.memory_space<vmem>> -> memref<1x128xi32, #tpu.memory_space<vmem>>
    %dma_wait3A_54 = tpu.memref_squeeze %dma_wait3A_53 : memref<1x128xi32, #tpu.memory_space<vmem>> -> memref<128xi32, #tpu.memory_space<vmem>>
    %dma_wait3A_55 = arith.constant 0 : i32
    %dma_wait3A_56 = arith.constant 0 : i32
    %dma_wait3A_57 = tpu.memref_slice %arg3[%dma_wait3A_55, %dma_wait3A_56] : memref<784x128xi32, #tpu.memory_space<hbm>> -> memref<784x128xi32, #tpu.memory_space<hbm>>
    tpu.wait_indirect_dma semaphore(%arg13 : memref<!tpu.dma_semaphore, #tpu.memory_space<semaphore_mem>>) src(%dma_wait3A_57 : memref<784x128xi32, #tpu.memory_space<hbm>>) dst(%arg11 : memref<128x128xi32, #tpu.memory_space<vmem>>)
    %dma_start3A_58 = arith.constant 0 : i32
    %dma_start3A_59 = tpu.memref_slice %arg7[%add3A_27, %dma_start3A_58] : memref<16384x128xi32, #tpu.memory_space<hbm>> -> memref<128x128xi32, #tpu.memory_space<hbm>>
    %dma_start3A_60 = arith.constant 0 : i32
    %dma_start3A_61 = tpu.memref_slice %arg7[%add3A_27, %dma_start3A_60] : memref<16384x128xi32, #tpu.memory_space<hbm>> -> memref<128x128xi32, #tpu.memory_space<hbm>>
    tpu.enqueue_dma source(%arg11 : memref<128x128xi32, #tpu.memory_space<vmem>>) target(%dma_start3A_61 : memref<128x128xi32, #tpu.memory_space<hbm>>) target_semaphore(%arg15 : memref<!tpu.dma_semaphore, #tpu.memory_space<semaphore_mem>>)
    %dma_wait3A_62 = arith.constant 0 : i32
    %dma_wait3A_63 = tpu.memref_slice %arg6[%add3A_27, %dma_wait3A_62] : memref<16384x128xf32, #tpu.memory_space<hbm>> -> memref<128x128xf32, #tpu.memory_space<hbm>>
    %dma_wait3A_64 = arith.constant 0 : i32
    %dma_wait3A_65 = tpu.memref_slice %arg6[%add3A_27, %dma_wait3A_64] : memref<16384x128xf32, #tpu.memory_space<hbm>> -> memref<128x128xf32, #tpu.memory_space<hbm>>
    tpu.wait_dma2 semaphore(%arg14 : memref<!tpu.dma_semaphore, #tpu.memory_space<semaphore_mem>>) src(%arg10 : memref<128x128xf32, #tpu.memory_space<vmem>>) dst(%dma_wait3A_65 : memref<128x128xf32, #tpu.memory_space<hbm>>)
    %dma_wait3A_66 = arith.constant 0 : i32
    %dma_wait3A_67 = tpu.memref_slice %arg7[%add3A_27, %dma_wait3A_66] : memref<16384x128xi32, #tpu.memory_space<hbm>> -> memref<128x128xi32, #tpu.memory_space<hbm>>
    %dma_wait3A_68 = arith.constant 0 : i32
    %dma_wait3A_69 = tpu.memref_slice %arg7[%add3A_27, %dma_wait3A_68] : memref<16384x128xi32, #tpu.memory_space<hbm>> -> memref<128x128xi32, #tpu.memory_space<hbm>>
    tpu.wait_dma2 semaphore(%arg15 : memref<!tpu.dma_semaphore, #tpu.memory_space<semaphore_mem>>) src(%arg11 : memref<128x128xi32, #tpu.memory_space<vmem>>) dst(%dma_wait3A_69 : memref<128x128xi32, #tpu.memory_space<hbm>>)
    %mul3A_70 = arith.constant 512 : i32
    %mul3A_71 = arith.muli %add3A, %mul3A_70 : i32
    %add3A_72 = arith.constant 128 : i32
    %add3A_73 = arith.addi %mul3A_71, %add3A_72 : i32
    %dma_start3A_74 = arith.constant 1 : i32
    %dma_start3A_75 = arith.constant 0 : i32
    %dma_start3A_76 = tpu.memref_slice %arg8[%dma_start3A_74, %dma_start3A_75] : memref<4x128xi32, #tpu.memory_space<vmem>> -> memref<1x128xi32, #tpu.memory_space<vmem>>
    %dma_start3A_77 = tpu.memref_squeeze %dma_start3A_76 : memref<1x128xi32, #tpu.memory_space<vmem>> -> memref<128xi32, #tpu.memory_space<vmem>>
    %dma_start3A_78 = arith.constant 0 : i32
    %dma_start3A_79 = arith.constant 0 : i32
    %dma_start3A_80 = tpu.memref_slice %arg2[%dma_start3A_78, %dma_start3A_79] : memref<802816x128xf32, #tpu.memory_space<hbm>> -> memref<802816x128xf32, #tpu.memory_space<hbm>>
    tpu.enqueue_indirect_dma source(%dma_start3A_80 : memref<802816x128xf32, #tpu.memory_space<hbm>>) target(%arg10 : memref<128x128xf32, #tpu.memory_space<vmem>>) offsets(%dma_start3A_77 : memref<128xi32, #tpu.memory_space<vmem>>) semaphore(%arg12 : memref<!tpu.dma_semaphore, #tpu.memory_space<semaphore_mem>>)
    %dma_start3A_81 = arith.constant 1 : i32
    %dma_start3A_82 = arith.constant 0 : i32
    %dma_start3A_83 = tpu.memref_slice %arg9[%dma_start3A_81, %dma_start3A_82] : memref<4x128xi32, #tpu.memory_space<vmem>> -> memref<1x128xi32, #tpu.memory_space<vmem>>
    %dma_start3A_84 = tpu.memref_squeeze %dma_start3A_83 : memref<1x128xi32, #tpu.memory_space<vmem>> -> memref<128xi32, #tpu.memory_space<vmem>>
    %dma_start3A_85 = arith.constant 0 : i32
    %dma_start3A_86 = arith.constant 0 : i32
    %dma_start3A_87 = tpu.memref_slice %arg3[%dma_start3A_85, %dma_start3A_86] : memref<784x128xi32, #tpu.memory_space<hbm>> -> memref<784x128xi32, #tpu.memory_space<hbm>>
    tpu.enqueue_indirect_dma source(%dma_start3A_87 : memref<784x128xi32, #tpu.memory_space<hbm>>) target(%arg11 : memref<128x128xi32, #tpu.memory_space<vmem>>) offsets(%dma_start3A_84 : memref<128xi32, #tpu.memory_space<vmem>>) semaphore(%arg13 : memref<!tpu.dma_semaphore, #tpu.memory_space<semaphore_mem>>)
    %dma_wait3A_88 = arith.constant 1 : i32
    %dma_wait3A_89 = arith.constant 0 : i32
    %dma_wait3A_90 = tpu.memref_slice %arg8[%dma_wait3A_88, %dma_wait3A_89] : memref<4x128xi32, #tpu.memory_space<vmem>> -> memref<1x128xi32, #tpu.memory_space<vmem>>
    %dma_wait3A_91 = tpu.memref_squeeze %dma_wait3A_90 : memref<1x128xi32, #tpu.memory_space<vmem>> -> memref<128xi32, #tpu.memory_space<vmem>>
    %dma_wait3A_92 = arith.constant 0 : i32
    %dma_wait3A_93 = arith.constant 0 : i32
    %dma_wait3A_94 = tpu.memref_slice %arg2[%dma_wait3A_92, %dma_wait3A_93] : memref<802816x128xf32, #tpu.memory_space<hbm>> -> memref<802816x128xf32, #tpu.memory_space<hbm>>
    tpu.wait_indirect_dma semaphore(%arg12 : memref<!tpu.dma_semaphore, #tpu.memory_space<semaphore_mem>>) src(%dma_wait3A_94 : memref<802816x128xf32, #tpu.memory_space<hbm>>) dst(%arg10 : memref<128x128xf32, #tpu.memory_space<vmem>>)
    %dma_start3A_95 = arith.constant 0 : i32
    %dma_start3A_96 = tpu.memref_slice %arg6[%add3A_73, %dma_start3A_95] : memref<16384x128xf32, #tpu.memory_space<hbm>> -> memref<128x128xf32, #tpu.memory_space<hbm>>
    %dma_start3A_97 = arith.constant 0 : i32
    %dma_start3A_98 = tpu.memref_slice %arg6[%add3A_73, %dma_start3A_97] : memref<16384x128xf32, #tpu.memory_space<hbm>> -> memref<128x128xf32, #tpu.memory_space<hbm>>
    tpu.enqueue_dma source(%arg10 : memref<128x128xf32, #tpu.memory_space<vmem>>) target(%dma_start3A_98 : memref<128x128xf32, #tpu.memory_space<hbm>>) target_semaphore(%arg14 : memref<!tpu.dma_semaphore, #tpu.memory_space<semaphore_mem>>)
    %dma_wait3A_99 = arith.constant 1 : i32
    %dma_wait3A_100 = arith.constant 0 : i32
    %dma_wait3A_101 = tpu.memref_slice %arg9[%dma_wait3A_99, %dma_wait3A_100] : memref<4x128xi32, #tpu.memory_space<vmem>> -> memref<1x128xi32, #tpu.memory_space<vmem>>
    %dma_wait3A_102 = tpu.memref_squeeze %dma_wait3A_101 : memref<1x128xi32, #tpu.memory_space<vmem>> -> memref<128xi32, #tpu.memory_space<vmem>>
    %dma_wait3A_103 = arith.constant 0 : i32
    %dma_wait3A_104 = arith.constant 0 : i32
    %dma_wait3A_105 = tpu.memref_slice %arg3[%dma_wait3A_103, %dma_wait3A_104] : memref<784x128xi32, #tpu.memory_space<hbm>> -> memref<784x128xi32, #tpu.memory_space<hbm>>
    tpu.wait_indirect_dma semaphore(%arg13 : memref<!tpu.dma_semaphore, #tpu.memory_space<semaphore_mem>>) src(%dma_wait3A_105 : memref<784x128xi32, #tpu.memory_space<hbm>>) dst(%arg11 : memref<128x128xi32, #tpu.memory_space<vmem>>)
    %dma_start3A_106 = arith.constant 0 : i32
    %dma_start3A_107 = tpu.memref_slice %arg7[%add3A_73, %dma_start3A_106] : memref<16384x128xi32, #tpu.memory_space<hbm>> -> memref<128x128xi32, #tpu.memory_space<hbm>>
    %dma_start3A_108 = arith.constant 0 : i32
    %dma_start3A_109 = tpu.memref_slice %arg7[%add3A_73, %dma_start3A_108] : memref<16384x128xi32, #tpu.memory_space<hbm>> -> memref<128x128xi32, #tpu.memory_space<hbm>>
    tpu.enqueue_dma source(%arg11 : memref<128x128xi32, #tpu.memory_space<vmem>>) target(%dma_start3A_109 : memref<128x128xi32, #tpu.memory_space<hbm>>) target_semaphore(%arg15 : memref<!tpu.dma_semaphore, #tpu.memory_space<semaphore_mem>>)
    %dma_wait3A_110 = arith.constant 0 : i32
    %dma_wait3A_111 = tpu.memref_slice %arg6[%add3A_73, %dma_wait3A_110] : memref<16384x128xf32, #tpu.memory_space<hbm>> -> memref<128x128xf32, #tpu.memory_space<hbm>>
    %dma_wait3A_112 = arith.constant 0 : i32
    %dma_wait3A_113 = tpu.memref_slice %arg6[%add3A_73, %dma_wait3A_112] : memref<16384x128xf32, #tpu.memory_space<hbm>> -> memref<128x128xf32, #tpu.memory_space<hbm>>
    tpu.wait_dma2 semaphore(%arg14 : memref<!tpu.dma_semaphore, #tpu.memory_space<semaphore_mem>>) src(%arg10 : memref<128x128xf32, #tpu.memory_space<vmem>>) dst(%dma_wait3A_113 : memref<128x128xf32, #tpu.memory_space<hbm>>)
    %dma_wait3A_114 = arith.constant 0 : i32
    %dma_wait3A_115 = tpu.memref_slice %arg7[%add3A_73, %dma_wait3A_114] : memref<16384x128xi32, #tpu.memory_space<hbm>> -> memref<128x128xi32, #tpu.memory_space<hbm>>
    %dma_wait3A_116 = arith.constant 0 : i32
    %dma_wait3A_117 = tpu.memref_slice %arg7[%add3A_73, %dma_wait3A_116] : memref<16384x128xi32, #tpu.memory_space<hbm>> -> memref<128x128xi32, #tpu.memory_space<hbm>>
    tpu.wait_dma2 semaphore(%arg15 : memref<!tpu.dma_semaphore, #tpu.memory_space<semaphore_mem>>) src(%arg11 : memref<128x128xi32, #tpu.memory_space<vmem>>) dst(%dma_wait3A_117 : memref<128x128xi32, #tpu.memory_space<hbm>>)
    %mul3A_118 = arith.constant 512 : i32
    %mul3A_119 = arith.muli %add3A, %mul3A_118 : i32
    %add3A_120 = arith.constant 256 : i32
    %add3A_121 = arith.addi %mul3A_119, %add3A_120 : i32
    %dma_start3A_122 = arith.constant 2 : i32
    %dma_start3A_123 = arith.constant 0 : i32
    %dma_start3A_124 = tpu.memref_slice %arg8[%dma_start3A_122, %dma_start3A_123] : memref<4x128xi32, #tpu.memory_space<vmem>> -> memref<1x128xi32, #tpu.memory_space<vmem>>
    %dma_start3A_125 = tpu.memref_squeeze %dma_start3A_124 : memref<1x128xi32, #tpu.memory_space<vmem>> -> memref<128xi32, #tpu.memory_space<vmem>>
    %dma_start3A_126 = arith.constant 0 : i32
    %dma_start3A_127 = arith.constant 0 : i32
    %dma_start3A_128 = tpu.memref_slice %arg2[%dma_start3A_126, %dma_start3A_127] : memref<802816x128xf32, #tpu.memory_space<hbm>> -> memref<802816x128xf32, #tpu.memory_space<hbm>>
    tpu.enqueue_indirect_dma source(%dma_start3A_128 : memref<802816x128xf32, #tpu.memory_space<hbm>>) target(%arg10 : memref<128x128xf32, #tpu.memory_space<vmem>>) offsets(%dma_start3A_125 : memref<128xi32, #tpu.memory_space<vmem>>) semaphore(%arg12 : memref<!tpu.dma_semaphore, #tpu.memory_space<semaphore_mem>>)
    %dma_start3A_129 = arith.constant 2 : i32
    %dma_start3A_130 = arith.constant 0 : i32
    %dma_start3A_131 = tpu.memref_slice %arg9[%dma_start3A_129, %dma_start3A_130] : memref<4x128xi32, #tpu.memory_space<vmem>> -> memref<1x128xi32, #tpu.memory_space<vmem>>
    %dma_start3A_132 = tpu.memref_squeeze %dma_start3A_131 : memref<1x128xi32, #tpu.memory_space<vmem>> -> memref<128xi32, #tpu.memory_space<vmem>>
    %dma_start3A_133 = arith.constant 0 : i32
    %dma_start3A_134 = arith.constant 0 : i32
    %dma_start3A_135 = tpu.memref_slice %arg3[%dma_start3A_133, %dma_start3A_134] : memref<784x128xi32, #tpu.memory_space<hbm>> -> memref<784x128xi32, #tpu.memory_space<hbm>>
    tpu.enqueue_indirect_dma source(%dma_start3A_135 : memref<784x128xi32, #tpu.memory_space<hbm>>) target(%arg11 : memref<128x128xi32, #tpu.memory_space<vmem>>) offsets(%dma_start3A_132 : memref<128xi32, #tpu.memory_space<vmem>>) semaphore(%arg13 : memref<!tpu.dma_semaphore, #tpu.memory_space<semaphore_mem>>)
    %dma_wait3A_136 = arith.constant 2 : i32
    %dma_wait3A_137 = arith.constant 0 : i32
    %dma_wait3A_138 = tpu.memref_slice %arg8[%dma_wait3A_136, %dma_wait3A_137] : memref<4x128xi32, #tpu.memory_space<vmem>> -> memref<1x128xi32, #tpu.memory_space<vmem>>
    %dma_wait3A_139 = tpu.memref_squeeze %dma_wait3A_138 : memref<1x128xi32, #tpu.memory_space<vmem>> -> memref<128xi32, #tpu.memory_space<vmem>>
    %dma_wait3A_140 = arith.constant 0 : i32
    %dma_wait3A_141 = arith.constant 0 : i32
    %dma_wait3A_142 = tpu.memref_slice %arg2[%dma_wait3A_140, %dma_wait3A_141] : memref<802816x128xf32, #tpu.memory_space<hbm>> -> memref<802816x128xf32, #tpu.memory_space<hbm>>
    tpu.wait_indirect_dma semaphore(%arg12 : memref<!tpu.dma_semaphore, #tpu.memory_space<semaphore_mem>>) src(%dma_wait3A_142 : memref<802816x128xf32, #tpu.memory_space<hbm>>) dst(%arg10 : memref<128x128xf32, #tpu.memory_space<vmem>>)
    %dma_start3A_143 = arith.constant 0 : i32
    %dma_start3A_144 = tpu.memref_slice %arg6[%add3A_121, %dma_start3A_143] : memref<16384x128xf32, #tpu.memory_space<hbm>> -> memref<128x128xf32, #tpu.memory_space<hbm>>
    %dma_start3A_145 = arith.constant 0 : i32
    %dma_start3A_146 = tpu.memref_slice %arg6[%add3A_121, %dma_start3A_145] : memref<16384x128xf32, #tpu.memory_space<hbm>> -> memref<128x128xf32, #tpu.memory_space<hbm>>
    tpu.enqueue_dma source(%arg10 : memref<128x128xf32, #tpu.memory_space<vmem>>) target(%dma_start3A_146 : memref<128x128xf32, #tpu.memory_space<hbm>>) target_semaphore(%arg14 : memref<!tpu.dma_semaphore, #tpu.memory_space<semaphore_mem>>)
    %dma_wait3A_147 = arith.constant 2 : i32
    %dma_wait3A_148 = arith.constant 0 : i32
    %dma_wait3A_149 = tpu.memref_slice %arg9[%dma_wait3A_147, %dma_wait3A_148] : memref<4x128xi32, #tpu.memory_space<vmem>> -> memref<1x128xi32, #tpu.memory_space<vmem>>
    %dma_wait3A_150 = tpu.memref_squeeze %dma_wait3A_149 : memref<1x128xi32, #tpu.memory_space<vmem>> -> memref<128xi32, #tpu.memory_space<vmem>>
    %dma_wait3A_151 = arith.constant 0 : i32
    %dma_wait3A_152 = arith.constant 0 : i32
    %dma_wait3A_153 = tpu.memref_slice %arg3[%dma_wait3A_151, %dma_wait3A_152] : memref<784x128xi32, #tpu.memory_space<hbm>> -> memref<784x128xi32, #tpu.memory_space<hbm>>
    tpu.wait_indirect_dma semaphore(%arg13 : memref<!tpu.dma_semaphore, #tpu.memory_space<semaphore_mem>>) src(%dma_wait3A_153 : memref<784x128xi32, #tpu.memory_space<hbm>>) dst(%arg11 : memref<128x128xi32, #tpu.memory_space<vmem>>)
    %dma_start3A_154 = arith.constant 0 : i32
    %dma_start3A_155 = tpu.memref_slice %arg7[%add3A_121, %dma_start3A_154] : memref<16384x128xi32, #tpu.memory_space<hbm>> -> memref<128x128xi32, #tpu.memory_space<hbm>>
    %dma_start3A_156 = arith.constant 0 : i32
    %dma_start3A_157 = tpu.memref_slice %arg7[%add3A_121, %dma_start3A_156] : memref<16384x128xi32, #tpu.memory_space<hbm>> -> memref<128x128xi32, #tpu.memory_space<hbm>>
    tpu.enqueue_dma source(%arg11 : memref<128x128xi32, #tpu.memory_space<vmem>>) target(%dma_start3A_157 : memref<128x128xi32, #tpu.memory_space<hbm>>) target_semaphore(%arg15 : memref<!tpu.dma_semaphore, #tpu.memory_space<semaphore_mem>>)
    %dma_wait3A_158 = arith.constant 0 : i32
    %dma_wait3A_159 = tpu.memref_slice %arg6[%add3A_121, %dma_wait3A_158] : memref<16384x128xf32, #tpu.memory_space<hbm>> -> memref<128x128xf32, #tpu.memory_space<hbm>>
    %dma_wait3A_160 = arith.constant 0 : i32
    %dma_wait3A_161 = tpu.memref_slice %arg6[%add3A_121, %dma_wait3A_160] : memref<16384x128xf32, #tpu.memory_space<hbm>> -> memref<128x128xf32, #tpu.memory_space<hbm>>
    tpu.wait_dma2 semaphore(%arg14 : memref<!tpu.dma_semaphore, #tpu.memory_space<semaphore_mem>>) src(%arg10 : memref<128x128xf32, #tpu.memory_space<vmem>>) dst(%dma_wait3A_161 : memref<128x128xf32, #tpu.memory_space<hbm>>)
    %dma_wait3A_162 = arith.constant 0 : i32
    %dma_wait3A_163 = tpu.memref_slice %arg7[%add3A_121, %dma_wait3A_162] : memref<16384x128xi32, #tpu.memory_space<hbm>> -> memref<128x128xi32, #tpu.memory_space<hbm>>
    %dma_wait3A_164 = arith.constant 0 : i32
    %dma_wait3A_165 = tpu.memref_slice %arg7[%add3A_121, %dma_wait3A_164] : memref<16384x128xi32, #tpu.memory_space<hbm>> -> memref<128x128xi32, #tpu.memory_space<hbm>>
    tpu.wait_dma2 semaphore(%arg15 : memref<!tpu.dma_semaphore, #tpu.memory_space<semaphore_mem>>) src(%arg11 : memref<128x128xi32, #tpu.memory_space<vmem>>) dst(%dma_wait3A_165 : memref<128x128xi32, #tpu.memory_space<hbm>>)
    %mul3A_166 = arith.constant 512 : i32
    %mul3A_167 = arith.muli %add3A, %mul3A_166 : i32
    %add3A_168 = arith.constant 384 : i32
    %add3A_169 = arith.addi %mul3A_167, %add3A_168 : i32
    %dma_start3A_170 = arith.constant 3 : i32
    %dma_start3A_171 = arith.constant 0 : i32
    %dma_start3A_172 = tpu.memref_slice %arg8[%dma_start3A_170, %dma_start3A_171] : memref<4x128xi32, #tpu.memory_space<vmem>> -> memref<1x128xi32, #tpu.memory_space<vmem>>
    %dma_start3A_173 = tpu.memref_squeeze %dma_start3A_172 : memref<1x128xi32, #tpu.memory_space<vmem>> -> memref<128xi32, #tpu.memory_space<vmem>>
    %dma_start3A_174 = arith.constant 0 : i32
    %dma_start3A_175 = arith.constant 0 : i32
    %dma_start3A_176 = tpu.memref_slice %arg2[%dma_start3A_174, %dma_start3A_175] : memref<802816x128xf32, #tpu.memory_space<hbm>> -> memref<802816x128xf32, #tpu.memory_space<hbm>>
    tpu.enqueue_indirect_dma source(%dma_start3A_176 : memref<802816x128xf32, #tpu.memory_space<hbm>>) target(%arg10 : memref<128x128xf32, #tpu.memory_space<vmem>>) offsets(%dma_start3A_173 : memref<128xi32, #tpu.memory_space<vmem>>) semaphore(%arg12 : memref<!tpu.dma_semaphore, #tpu.memory_space<semaphore_mem>>)
    %dma_start3A_177 = arith.constant 3 : i32
    %dma_start3A_178 = arith.constant 0 : i32
    %dma_start3A_179 = tpu.memref_slice %arg9[%dma_start3A_177, %dma_start3A_178] : memref<4x128xi32, #tpu.memory_space<vmem>> -> memref<1x128xi32, #tpu.memory_space<vmem>>
    %dma_start3A_180 = tpu.memref_squeeze %dma_start3A_179 : memref<1x128xi32, #tpu.memory_space<vmem>> -> memref<128xi32, #tpu.memory_space<vmem>>
    %dma_start3A_181 = arith.constant 0 : i32
    %dma_start3A_182 = arith.constant 0 : i32
    %dma_start3A_183 = tpu.memref_slice %arg3[%dma_start3A_181, %dma_start3A_182] : memref<784x128xi32, #tpu.memory_space<hbm>> -> memref<784x128xi32, #tpu.memory_space<hbm>>
    tpu.enqueue_indirect_dma source(%dma_start3A_183 : memref<784x128xi32, #tpu.memory_space<hbm>>) target(%arg11 : memref<128x128xi32, #tpu.memory_space<vmem>>) offsets(%dma_start3A_180 : memref<128xi32, #tpu.memory_space<vmem>>) semaphore(%arg13 : memref<!tpu.dma_semaphore, #tpu.memory_space<semaphore_mem>>)
    %dma_wait3A_184 = arith.constant 3 : i32
    %dma_wait3A_185 = arith.constant 0 : i32
    %dma_wait3A_186 = tpu.memref_slice %arg8[%dma_wait3A_184, %dma_wait3A_185] : memref<4x128xi32, #tpu.memory_space<vmem>> -> memref<1x128xi32, #tpu.memory_space<vmem>>
    %dma_wait3A_187 = tpu.memref_squeeze %dma_wait3A_186 : memref<1x128xi32, #tpu.memory_space<vmem>> -> memref<128xi32, #tpu.memory_space<vmem>>
    %dma_wait3A_188 = arith.constant 0 : i32
    %dma_wait3A_189 = arith.constant 0 : i32
    %dma_wait3A_190 = tpu.memref_slice %arg2[%dma_wait3A_188, %dma_wait3A_189] : memref<802816x128xf32, #tpu.memory_space<hbm>> -> memref<802816x128xf32, #tpu.memory_space<hbm>>
    tpu.wait_indirect_dma semaphore(%arg12 : memref<!tpu.dma_semaphore, #tpu.memory_space<semaphore_mem>>) src(%dma_wait3A_190 : memref<802816x128xf32, #tpu.memory_space<hbm>>) dst(%arg10 : memref<128x128xf32, #tpu.memory_space<vmem>>)
    %dma_start3A_191 = arith.constant 0 : i32
    %dma_start3A_192 = tpu.memref_slice %arg6[%add3A_169, %dma_start3A_191] : memref<16384x128xf32, #tpu.memory_space<hbm>> -> memref<128x128xf32, #tpu.memory_space<hbm>>
    %dma_start3A_193 = arith.constant 0 : i32
    %dma_start3A_194 = tpu.memref_slice %arg6[%add3A_169, %dma_start3A_193] : memref<16384x128xf32, #tpu.memory_space<hbm>> -> memref<128x128xf32, #tpu.memory_space<hbm>>
    tpu.enqueue_dma source(%arg10 : memref<128x128xf32, #tpu.memory_space<vmem>>) target(%dma_start3A_194 : memref<128x128xf32, #tpu.memory_space<hbm>>) target_semaphore(%arg14 : memref<!tpu.dma_semaphore, #tpu.memory_space<semaphore_mem>>)
    %dma_wait3A_195 = arith.constant 3 : i32
    %dma_wait3A_196 = arith.constant 0 : i32
    %dma_wait3A_197 = tpu.memref_slice %arg9[%dma_wait3A_195, %dma_wait3A_196] : memref<4x128xi32, #tpu.memory_space<vmem>> -> memref<1x128xi32, #tpu.memory_space<vmem>>
    %dma_wait3A_198 = tpu.memref_squeeze %dma_wait3A_197 : memref<1x128xi32, #tpu.memory_space<vmem>> -> memref<128xi32, #tpu.memory_space<vmem>>
    %dma_wait3A_199 = arith.constant 0 : i32
    %dma_wait3A_200 = arith.constant 0 : i32
    %dma_wait3A_201 = tpu.memref_slice %arg3[%dma_wait3A_199, %dma_wait3A_200] : memref<784x128xi32, #tpu.memory_space<hbm>> -> memref<784x128xi32, #tpu.memory_space<hbm>>
    tpu.wait_indirect_dma semaphore(%arg13 : memref<!tpu.dma_semaphore, #tpu.memory_space<semaphore_mem>>) src(%dma_wait3A_201 : memref<784x128xi32, #tpu.memory_space<hbm>>) dst(%arg11 : memref<128x128xi32, #tpu.memory_space<vmem>>)
    %dma_start3A_202 = arith.constant 0 : i32
    %dma_start3A_203 = tpu.memref_slice %arg7[%add3A_169, %dma_start3A_202] : memref<16384x128xi32, #tpu.memory_space<hbm>> -> memref<128x128xi32, #tpu.memory_space<hbm>>
    %dma_start3A_204 = arith.constant 0 : i32
    %dma_start3A_205 = tpu.memref_slice %arg7[%add3A_169, %dma_start3A_204] : memref<16384x128xi32, #tpu.memory_space<hbm>> -> memref<128x128xi32, #tpu.memory_space<hbm>>
    tpu.enqueue_dma source(%arg11 : memref<128x128xi32, #tpu.memory_space<vmem>>) target(%dma_start3A_205 : memref<128x128xi32, #tpu.memory_space<hbm>>) target_semaphore(%arg15 : memref<!tpu.dma_semaphore, #tpu.memory_space<semaphore_mem>>)
    %dma_wait3A_206 = arith.constant 0 : i32
    %dma_wait3A_207 = tpu.memref_slice %arg6[%add3A_169, %dma_wait3A_206] : memref<16384x128xf32, #tpu.memory_space<hbm>> -> memref<128x128xf32, #tpu.memory_space<hbm>>
    %dma_wait3A_208 = arith.constant 0 : i32
    %dma_wait3A_209 = tpu.memref_slice %arg6[%add3A_169, %dma_wait3A_208] : memref<16384x128xf32, #tpu.memory_space<hbm>> -> memref<128x128xf32, #tpu.memory_space<hbm>>
    tpu.wait_dma2 semaphore(%arg14 : memref<!tpu.dma_semaphore, #tpu.memory_space<semaphore_mem>>) src(%arg10 : memref<128x128xf32, #tpu.memory_space<vmem>>) dst(%dma_wait3A_209 : memref<128x128xf32, #tpu.memory_space<hbm>>)
    %dma_wait3A_210 = arith.constant 0 : i32
    %dma_wait3A_211 = tpu.memref_slice %arg7[%add3A_169, %dma_wait3A_210] : memref<16384x128xi32, #tpu.memory_space<hbm>> -> memref<128x128xi32, #tpu.memory_space<hbm>>
    %dma_wait3A_212 = arith.constant 0 : i32
    %dma_wait3A_213 = tpu.memref_slice %arg7[%add3A_169, %dma_wait3A_212] : memref<16384x128xi32, #tpu.memory_space<hbm>> -> memref<128x128xi32, #tpu.memory_space<hbm>>
    tpu.wait_dma2 semaphore(%arg15 : memref<!tpu.dma_semaphore, #tpu.memory_space<semaphore_mem>>) src(%arg11 : memref<128x128xi32, #tpu.memory_space<vmem>>) dst(%dma_wait3A_213 : memref<128x128xi32, #tpu.memory_space<hbm>>)
    return
  }
}

module attributes {stable_mosaic.version = 14 : i64} {
  func.func @_dist_body(%arg0: i32, %arg1: memref<1024x128xf32, #tpu.memory_space<vmem>>, %arg2: memref<2048x128xf32, #tpu.memory_space<vmem>>, %arg3: memref<1024x128xf32, #tpu.memory_space<vmem>>, %arg4: memref<1x1x2048xf32, #tpu.memory_space<vmem>>, %arg5: memref<1024x16x128xf32, #tpu.memory_space<vmem>>, %arg6: memref<16x1024xf32, #tpu.memory_space<vmem>>) attributes {dimension_semantics = [#tpu.dimension_semantics<arbitrary>], iteration_bounds = array<i64: 49>, scalar_prefetch = 0 : i64, scratch_operands = 0 : i64, tpu.core_type = #tpu.core_type<tc>, window_params = [{pipeline_mode = #tpu.pipeline_mode<synchronous>, transform_indices = @transform_0, window_bounds = array<i64: 1024, 128>}, {transform_indices = @transform_1, window_bounds = array<i64: 2048, 128>}, {pipeline_mode = #tpu.pipeline_mode<synchronous>, transform_indices = @transform_2, window_bounds = array<i64: 1024, 128>}, {transform_indices = @transform_3, window_bounds = array<i64: 1, 1, 2048>}, {transform_indices = @transform_4, window_bounds = array<i64: 1024, 16, 128>}, {transform_indices = @transform_5, window_bounds = array<i64: 16, 1024>}]} {
    %get3A = arith.constant 0 : index
    %get3A_0 = arith.constant 0 : index
    %get3A_1 = vector.load %arg1[%get3A, %get3A_0] : memref<1024x128xf32, #tpu.memory_space<vmem>>, vector<1024x128xf32>
    %get3A_2 = arith.constant 0 : index
    %get3A_3 = arith.constant 0 : index
    %get3A_4 = vector.load %arg2[%get3A_2, %get3A_3] : memref<2048x128xf32, #tpu.memory_space<vmem>>, vector<2048x128xf32>
    %dot_general3A = arith.constant dense<0.000000e+00> : vector<1024x2048xf32>
    %dot_general3A_5 = tpu.matmul %get3A_1, %get3A_4, %dot_general3A {dimension_numbers = #tpu.dot_dimension_numbers<[1], [1], [0], [0], [0, 0, 1, 0], [], []>, transpose_lhs_hint = false} : vector<1024x128xf32>, vector<2048x128xf32>, vector<1024x2048xf32> -> vector<1024x2048xf32>
    %get3A_6 = arith.constant 0 : index
    %get3A_7 = arith.constant 0 : index
    %get3A_8 = arith.constant 0 : index
    %get3A_9 = vector.load %arg4[%get3A_6, %get3A_7, %get3A_8] : memref<1x1x2048xf32, #tpu.memory_space<vmem>>, vector<1x1x2048xf32>
    %get3A_10 = vector.shape_cast %get3A_9 : vector<1x1x2048xf32> to vector<2048xf32>
    %broadcast_in_dim3A = vector.shape_cast %get3A_10 : vector<2048xf32> to vector<1x2048xf32>
    %get3A_11 = arith.constant 0 : index
    %get3A_12 = arith.constant 0 : index
    %get3A_13 = vector.load %arg3[%get3A_11, %get3A_12] : memref<1024x128xf32, #tpu.memory_space<vmem>>, vector<1024x1xf32>
    %add3A = vector.broadcast %get3A_13 : vector<1024x1xf32> to vector<1024x2048xf32>
    %add3A_14 = vector.broadcast %broadcast_in_dim3A : vector<1x2048xf32> to vector<1024x2048xf32>
    %add3A_15 = arith.addf %add3A, %add3A_14 : vector<1024x2048xf32>
    %mul3A = arith.constant 2.000000e+00 : f32
    %mul3A_16 = vector.broadcast %mul3A : f32 to vector<1024x2048xf32>
    %mul3A_17 = arith.mulf %mul3A_16, %dot_general3A_5 : vector<1024x2048xf32>
    %sub3A = arith.subf %add3A_15, %mul3A_17 : vector<1024x2048xf32>
    %iota3A = tpu.iota {dimensions = array<i32: 1>} : vector<1024x2048xi32>
    %mul3A_18 = arith.constant 2048 : i32
    %mul3A_19 = arith.muli %arg0, %mul3A_18 : i32
    %add3A_20 = vector.broadcast %mul3A_19 : i32 to vector<1024x2048xi32>
    %add3A_21 = arith.addi %iota3A, %add3A_20 : vector<1024x2048xi32>
    %lt3A = arith.constant 100000 : i32
    %lt3A_22 = vector.broadcast %lt3A : i32 to vector<1024x2048xi32>
    %lt3A_23 = arith.cmpi slt, %add3A_21, %lt3A_22 : vector<1024x2048xi32>
    %jit3A = arith.constant 1.000000e+09 : f32
    %broadcast_in_dim3A_24 = vector.broadcast %jit3A : f32 to vector<1024x2048xf32>
    %select_n3A = arith.select %lt3A_23, %sub3A, %broadcast_in_dim3A_24 : vector<1024x2048xi1>, vector<1024x2048xf32>
    %reshape3A = vector.shape_cast %select_n3A : vector<1024x2048xf32> to vector<1024x16x128xf32>
    %swap3A = arith.constant 0 : index
    %swap3A_25 = arith.constant 0 : index
    %swap3A_26 = arith.constant 0 : index
    %swap3A_27 = vector.load %arg5[%swap3A, %swap3A_25, %swap3A_26] : memref<1024x16x128xf32, #tpu.memory_space<vmem>>, vector<1024x16x128xf32>
    tpu.vector_store %arg5[%swap3A, %swap3A_25, %swap3A_26], %reshape3A {strides = array<i32>} : memref<1024x16x128xf32, #tpu.memory_space<vmem>>, vector<1024x16x128xf32>,
    %iota3A_28 = tpu.iota {dimensions = array<i32: 0>} : vector<16x1024xi32>
    %broadcast_in_dim3A_29 = arith.constant 0.000000e+00 : f32
    %broadcast_in_dim3A_30 = vector.broadcast %broadcast_in_dim3A_29 : f32 to vector<16x1024xf32>
    %slice3A = vector.extract_strided_slice %select_n3A {offsets = [0, 0], sizes = [1024, 128], strides = [1, 1]} : vector<1024x2048xf32> to vector<1024x128xf32>
    %reduce_min3A = arith.constant dense<0x7F800000> : vector<1024xf32>
    %reduce_min3A_31 = vector.multi_reduction <minimumf>, %slice3A, %reduce_min3A [1] : vector<1024x128xf32> to vector<1024xf32>
    %eq3A = arith.constant 0 : i32
    %eq3A_32 = vector.broadcast %eq3A : i32 to vector<16x1024xi32>
    %eq3A_33 = arith.cmpi eq, %iota3A_28, %eq3A_32 : vector<16x1024xi32>
    %broadcast_in_dim3A_34 = vector.shape_cast %reduce_min3A_31 : vector<1024xf32> to vector<1x1024xf32>
    %jit3A_35 = arith.constant 0.000000e+00 : f32
    %broadcast_in_dim3A_36 = vector.shape_cast %broadcast_in_dim3A_34 : vector<1x1024xf32> to vector<1x1024xf32>
    %broadcast_in_dim3A_37 = vector.broadcast %broadcast_in_dim3A_36 : vector<1x1024xf32> to vector<16x1024xf32>
    %broadcast_in_dim3A_38 = vector.broadcast %jit3A_35 : f32 to vector<16x1024xf32>
    %select_n3A_39 = arith.select %eq3A_33, %broadcast_in_dim3A_37, %broadcast_in_dim3A_38 : vector<16x1024xi1>, vector<16x1024xf32>
    %add3A_40 = arith.addf %broadcast_in_dim3A_30, %select_n3A_39 : vector<16x1024xf32>
    %slice3A_41 = vector.extract_strided_slice %select_n3A {offsets = [0, 128], sizes = [1024, 128], strides = [1, 1]} : vector<1024x2048xf32> to vector<1024x128xf32>
    %reduce_min3A_42 = arith.constant dense<0x7F800000> : vector<1024xf32>
    %reduce_min3A_43 = vector.multi_reduction <minimumf>, %slice3A_41, %reduce_min3A_42 [1] : vector<1024x128xf32> to vector<1024xf32>
    %eq3A_44 = arith.constant 1 : i32
    %eq3A_45 = vector.broadcast %eq3A_44 : i32 to vector<16x1024xi32>
    %eq3A_46 = arith.cmpi eq, %iota3A_28, %eq3A_45 : vector<16x1024xi32>
    %broadcast_in_dim3A_47 = vector.shape_cast %reduce_min3A_43 : vector<1024xf32> to vector<1x1024xf32>
    %jit3A_48 = arith.constant 0.000000e+00 : f32
    %broadcast_in_dim3A_49 = vector.shape_cast %broadcast_in_dim3A_47 : vector<1x1024xf32> to vector<1x1024xf32>
    %broadcast_in_dim3A_50 = vector.broadcast %broadcast_in_dim3A_49 : vector<1x1024xf32> to vector<16x1024xf32>
    %broadcast_in_dim3A_51 = vector.broadcast %jit3A_48 : f32 to vector<16x1024xf32>
    %select_n3A_52 = arith.select %eq3A_46, %broadcast_in_dim3A_50, %broadcast_in_dim3A_51 : vector<16x1024xi1>, vector<16x1024xf32>
    %add3A_53 = arith.addf %add3A_40, %select_n3A_52 : vector<16x1024xf32>
    %slice3A_54 = vector.extract_strided_slice %select_n3A {offsets = [0, 256], sizes = [1024, 128], strides = [1, 1]} : vector<1024x2048xf32> to vector<1024x128xf32>
    %reduce_min3A_55 = arith.constant dense<0x7F800000> : vector<1024xf32>
    %reduce_min3A_56 = vector.multi_reduction <minimumf>, %slice3A_54, %reduce_min3A_55 [1] : vector<1024x128xf32> to vector<1024xf32>
    %eq3A_57 = arith.constant 2 : i32
    %eq3A_58 = vector.broadcast %eq3A_57 : i32 to vector<16x1024xi32>
    %eq3A_59 = arith.cmpi eq, %iota3A_28, %eq3A_58 : vector<16x1024xi32>
    %broadcast_in_dim3A_60 = vector.shape_cast %reduce_min3A_56 : vector<1024xf32> to vector<1x1024xf32>
    %jit3A_61 = arith.constant 0.000000e+00 : f32
    %broadcast_in_dim3A_62 = vector.shape_cast %broadcast_in_dim3A_60 : vector<1x1024xf32> to vector<1x1024xf32>
    %broadcast_in_dim3A_63 = vector.broadcast %broadcast_in_dim3A_62 : vector<1x1024xf32> to vector<16x1024xf32>
    %broadcast_in_dim3A_64 = vector.broadcast %jit3A_61 : f32 to vector<16x1024xf32>
    %select_n3A_65 = arith.select %eq3A_59, %broadcast_in_dim3A_63, %broadcast_in_dim3A_64 : vector<16x1024xi1>, vector<16x1024xf32>
    %add3A_66 = arith.addf %add3A_53, %select_n3A_65 : vector<16x1024xf32>
    %slice3A_67 = vector.extract_strided_slice %select_n3A {offsets = [0, 384], sizes = [1024, 128], strides = [1, 1]} : vector<1024x2048xf32> to vector<1024x128xf32>
    %reduce_min3A_68 = arith.constant dense<0x7F800000> : vector<1024xf32>
    %reduce_min3A_69 = vector.multi_reduction <minimumf>, %slice3A_67, %reduce_min3A_68 [1] : vector<1024x128xf32> to vector<1024xf32>
    %eq3A_70 = arith.constant 3 : i32
    %eq3A_71 = vector.broadcast %eq3A_70 : i32 to vector<16x1024xi32>
    %eq3A_72 = arith.cmpi eq, %iota3A_28, %eq3A_71 : vector<16x1024xi32>
    %broadcast_in_dim3A_73 = vector.shape_cast %reduce_min3A_69 : vector<1024xf32> to vector<1x1024xf32>
    %jit3A_74 = arith.constant 0.000000e+00 : f32
    %broadcast_in_dim3A_75 = vector.shape_cast %broadcast_in_dim3A_73 : vector<1x1024xf32> to vector<1x1024xf32>
    %broadcast_in_dim3A_76 = vector.broadcast %broadcast_in_dim3A_75 : vector<1x1024xf32> to vector<16x1024xf32>
    %broadcast_in_dim3A_77 = vector.broadcast %jit3A_74 : f32 to vector<16x1024xf32>
    %select_n3A_78 = arith.select %eq3A_72, %broadcast_in_dim3A_76, %broadcast_in_dim3A_77 : vector<16x1024xi1>, vector<16x1024xf32>
    %add3A_79 = arith.addf %add3A_66, %select_n3A_78 : vector<16x1024xf32>
    %slice3A_80 = vector.extract_strided_slice %select_n3A {offsets = [0, 512], sizes = [1024, 128], strides = [1, 1]} : vector<1024x2048xf32> to vector<1024x128xf32>
    %reduce_min3A_81 = arith.constant dense<0x7F800000> : vector<1024xf32>
    %reduce_min3A_82 = vector.multi_reduction <minimumf>, %slice3A_80, %reduce_min3A_81 [1] : vector<1024x128xf32> to vector<1024xf32>
    %eq3A_83 = arith.constant 4 : i32
    %eq3A_84 = vector.broadcast %eq3A_83 : i32 to vector<16x1024xi32>
    %eq3A_85 = arith.cmpi eq, %iota3A_28, %eq3A_84 : vector<16x1024xi32>
    %broadcast_in_dim3A_86 = vector.shape_cast %reduce_min3A_82 : vector<1024xf32> to vector<1x1024xf32>
    %jit3A_87 = arith.constant 0.000000e+00 : f32
    %broadcast_in_dim3A_88 = vector.shape_cast %broadcast_in_dim3A_86 : vector<1x1024xf32> to vector<1x1024xf32>
    %broadcast_in_dim3A_89 = vector.broadcast %broadcast_in_dim3A_88 : vector<1x1024xf32> to vector<16x1024xf32>
    %broadcast_in_dim3A_90 = vector.broadcast %jit3A_87 : f32 to vector<16x1024xf32>
    %select_n3A_91 = arith.select %eq3A_85, %broadcast_in_dim3A_89, %broadcast_in_dim3A_90 : vector<16x1024xi1>, vector<16x1024xf32>
    %add3A_92 = arith.addf %add3A_79, %select_n3A_91 : vector<16x1024xf32>
    %slice3A_93 = vector.extract_strided_slice %select_n3A {offsets = [0, 640], sizes = [1024, 128], strides = [1, 1]} : vector<1024x2048xf32> to vector<1024x128xf32>
    %reduce_min3A_94 = arith.constant dense<0x7F800000> : vector<1024xf32>
    %reduce_min3A_95 = vector.multi_reduction <minimumf>, %slice3A_93, %reduce_min3A_94 [1] : vector<1024x128xf32> to vector<1024xf32>
    %eq3A_96 = arith.constant 5 : i32
    %eq3A_97 = vector.broadcast %eq3A_96 : i32 to vector<16x1024xi32>
    %eq3A_98 = arith.cmpi eq, %iota3A_28, %eq3A_97 : vector<16x1024xi32>
    %broadcast_in_dim3A_99 = vector.shape_cast %reduce_min3A_95 : vector<1024xf32> to vector<1x1024xf32>
    %jit3A_100 = arith.constant 0.000000e+00 : f32
    %broadcast_in_dim3A_101 = vector.shape_cast %broadcast_in_dim3A_99 : vector<1x1024xf32> to vector<1x1024xf32>
    %broadcast_in_dim3A_102 = vector.broadcast %broadcast_in_dim3A_101 : vector<1x1024xf32> to vector<16x1024xf32>
    %broadcast_in_dim3A_103 = vector.broadcast %jit3A_100 : f32 to vector<16x1024xf32>
    %select_n3A_104 = arith.select %eq3A_98, %broadcast_in_dim3A_102, %broadcast_in_dim3A_103 : vector<16x1024xi1>, vector<16x1024xf32>
    %add3A_105 = arith.addf %add3A_92, %select_n3A_104 : vector<16x1024xf32>
    %slice3A_106 = vector.extract_strided_slice %select_n3A {offsets = [0, 768], sizes = [1024, 128], strides = [1, 1]} : vector<1024x2048xf32> to vector<1024x128xf32>
    %reduce_min3A_107 = arith.constant dense<0x7F800000> : vector<1024xf32>
    %reduce_min3A_108 = vector.multi_reduction <minimumf>, %slice3A_106, %reduce_min3A_107 [1] : vector<1024x128xf32> to vector<1024xf32>
    %eq3A_109 = arith.constant 6 : i32
    %eq3A_110 = vector.broadcast %eq3A_109 : i32 to vector<16x1024xi32>
    %eq3A_111 = arith.cmpi eq, %iota3A_28, %eq3A_110 : vector<16x1024xi32>
    %broadcast_in_dim3A_112 = vector.shape_cast %reduce_min3A_108 : vector<1024xf32> to vector<1x1024xf32>
    %jit3A_113 = arith.constant 0.000000e+00 : f32
    %broadcast_in_dim3A_114 = vector.shape_cast %broadcast_in_dim3A_112 : vector<1x1024xf32> to vector<1x1024xf32>
    %broadcast_in_dim3A_115 = vector.broadcast %broadcast_in_dim3A_114 : vector<1x1024xf32> to vector<16x1024xf32>
    %broadcast_in_dim3A_116 = vector.broadcast %jit3A_113 : f32 to vector<16x1024xf32>
    %select_n3A_117 = arith.select %eq3A_111, %broadcast_in_dim3A_115, %broadcast_in_dim3A_116 : vector<16x1024xi1>, vector<16x1024xf32>
    %add3A_118 = arith.addf %add3A_105, %select_n3A_117 : vector<16x1024xf32>
    %slice3A_119 = vector.extract_strided_slice %select_n3A {offsets = [0, 896], sizes = [1024, 128], strides = [1, 1]} : vector<1024x2048xf32> to vector<1024x128xf32>
    %reduce_min3A_120 = arith.constant dense<0x7F800000> : vector<1024xf32>
    %reduce_min3A_121 = vector.multi_reduction <minimumf>, %slice3A_119, %reduce_min3A_120 [1] : vector<1024x128xf32> to vector<1024xf32>
    %eq3A_122 = arith.constant 7 : i32
    %eq3A_123 = vector.broadcast %eq3A_122 : i32 to vector<16x1024xi32>
    %eq3A_124 = arith.cmpi eq, %iota3A_28, %eq3A_123 : vector<16x1024xi32>
    %broadcast_in_dim3A_125 = vector.shape_cast %reduce_min3A_121 : vector<1024xf32> to vector<1x1024xf32>
    %jit3A_126 = arith.constant 0.000000e+00 : f32
    %broadcast_in_dim3A_127 = vector.shape_cast %broadcast_in_dim3A_125 : vector<1x1024xf32> to vector<1x1024xf32>
    %broadcast_in_dim3A_128 = vector.broadcast %broadcast_in_dim3A_127 : vector<1x1024xf32> to vector<16x1024xf32>
    %broadcast_in_dim3A_129 = vector.broadcast %jit3A_126 : f32 to vector<16x1024xf32>
    %select_n3A_130 = arith.select %eq3A_124, %broadcast_in_dim3A_128, %broadcast_in_dim3A_129 : vector<16x1024xi1>, vector<16x1024xf32>
    %add3A_131 = arith.addf %add3A_118, %select_n3A_130 : vector<16x1024xf32>
    %slice3A_132 = vector.extract_strided_slice %select_n3A {offsets = [0, 1024], sizes = [1024, 128], strides = [1, 1]} : vector<1024x2048xf32> to vector<1024x128xf32>
    %reduce_min3A_133 = arith.constant dense<0x7F800000> : vector<1024xf32>
    %reduce_min3A_134 = vector.multi_reduction <minimumf>, %slice3A_132, %reduce_min3A_133 [1] : vector<1024x128xf32> to vector<1024xf32>
    %eq3A_135 = arith.constant 8 : i32
    %eq3A_136 = vector.broadcast %eq3A_135 : i32 to vector<16x1024xi32>
    %eq3A_137 = arith.cmpi eq, %iota3A_28, %eq3A_136 : vector<16x1024xi32>
    %broadcast_in_dim3A_138 = vector.shape_cast %reduce_min3A_134 : vector<1024xf32> to vector<1x1024xf32>
    %jit3A_139 = arith.constant 0.000000e+00 : f32
    %broadcast_in_dim3A_140 = vector.shape_cast %broadcast_in_dim3A_138 : vector<1x1024xf32> to vector<1x1024xf32>
    %broadcast_in_dim3A_141 = vector.broadcast %broadcast_in_dim3A_140 : vector<1x1024xf32> to vector<16x1024xf32>
    %broadcast_in_dim3A_142 = vector.broadcast %jit3A_139 : f32 to vector<16x1024xf32>
    %select_n3A_143 = arith.select %eq3A_137, %broadcast_in_dim3A_141, %broadcast_in_dim3A_142 : vector<16x1024xi1>, vector<16x1024xf32>
    %add3A_144 = arith.addf %add3A_131, %select_n3A_143 : vector<16x1024xf32>
    %slice3A_145 = vector.extract_strided_slice %select_n3A {offsets = [0, 1152], sizes = [1024, 128], strides = [1, 1]} : vector<1024x2048xf32> to vector<1024x128xf32>
    %reduce_min3A_146 = arith.constant dense<0x7F800000> : vector<1024xf32>
    %reduce_min3A_147 = vector.multi_reduction <minimumf>, %slice3A_145, %reduce_min3A_146 [1] : vector<1024x128xf32> to vector<1024xf32>
    %eq3A_148 = arith.constant 9 : i32
    %eq3A_149 = vector.broadcast %eq3A_148 : i32 to vector<16x1024xi32>
    %eq3A_150 = arith.cmpi eq, %iota3A_28, %eq3A_149 : vector<16x1024xi32>
    %broadcast_in_dim3A_151 = vector.shape_cast %reduce_min3A_147 : vector<1024xf32> to vector<1x1024xf32>
    %jit3A_152 = arith.constant 0.000000e+00 : f32
    %broadcast_in_dim3A_153 = vector.shape_cast %broadcast_in_dim3A_151 : vector<1x1024xf32> to vector<1x1024xf32>
    %broadcast_in_dim3A_154 = vector.broadcast %broadcast_in_dim3A_153 : vector<1x1024xf32> to vector<16x1024xf32>
    %broadcast_in_dim3A_155 = vector.broadcast %jit3A_152 : f32 to vector<16x1024xf32>
    %select_n3A_156 = arith.select %eq3A_150, %broadcast_in_dim3A_154, %broadcast_in_dim3A_155 : vector<16x1024xi1>, vector<16x1024xf32>
    %add3A_157 = arith.addf %add3A_144, %select_n3A_156 : vector<16x1024xf32>
    %slice3A_158 = vector.extract_strided_slice %select_n3A {offsets = [0, 1280], sizes = [1024, 128], strides = [1, 1]} : vector<1024x2048xf32> to vector<1024x128xf32>
    %reduce_min3A_159 = arith.constant dense<0x7F800000> : vector<1024xf32>
    %reduce_min3A_160 = vector.multi_reduction <minimumf>, %slice3A_158, %reduce_min3A_159 [1] : vector<1024x128xf32> to vector<1024xf32>
    %eq3A_161 = arith.constant 10 : i32
    %eq3A_162 = vector.broadcast %eq3A_161 : i32 to vector<16x1024xi32>
    %eq3A_163 = arith.cmpi eq, %iota3A_28, %eq3A_162 : vector<16x1024xi32>
    %broadcast_in_dim3A_164 = vector.shape_cast %reduce_min3A_160 : vector<1024xf32> to vector<1x1024xf32>
    %jit3A_165 = arith.constant 0.000000e+00 : f32
    %broadcast_in_dim3A_166 = vector.shape_cast %broadcast_in_dim3A_164 : vector<1x1024xf32> to vector<1x1024xf32>
    %broadcast_in_dim3A_167 = vector.broadcast %broadcast_in_dim3A_166 : vector<1x1024xf32> to vector<16x1024xf32>
    %broadcast_in_dim3A_168 = vector.broadcast %jit3A_165 : f32 to vector<16x1024xf32>
    %select_n3A_169 = arith.select %eq3A_163, %broadcast_in_dim3A_167, %broadcast_in_dim3A_168 : vector<16x1024xi1>, vector<16x1024xf32>
    %add3A_170 = arith.addf %add3A_157, %select_n3A_169 : vector<16x1024xf32>
    %slice3A_171 = vector.extract_strided_slice %select_n3A {offsets = [0, 1408], sizes = [1024, 128], strides = [1, 1]} : vector<1024x2048xf32> to vector<1024x128xf32>
    %reduce_min3A_172 = arith.constant dense<0x7F800000> : vector<1024xf32>
    %reduce_min3A_173 = vector.multi_reduction <minimumf>, %slice3A_171, %reduce_min3A_172 [1] : vector<1024x128xf32> to vector<1024xf32>
    %eq3A_174 = arith.constant 11 : i32
    %eq3A_175 = vector.broadcast %eq3A_174 : i32 to vector<16x1024xi32>
    %eq3A_176 = arith.cmpi eq, %iota3A_28, %eq3A_175 : vector<16x1024xi32>
    %broadcast_in_dim3A_177 = vector.shape_cast %reduce_min3A_173 : vector<1024xf32> to vector<1x1024xf32>
    %jit3A_178 = arith.constant 0.000000e+00 : f32
    %broadcast_in_dim3A_179 = vector.shape_cast %broadcast_in_dim3A_177 : vector<1x1024xf32> to vector<1x1024xf32>
    %broadcast_in_dim3A_180 = vector.broadcast %broadcast_in_dim3A_179 : vector<1x1024xf32> to vector<16x1024xf32>
    %broadcast_in_dim3A_181 = vector.broadcast %jit3A_178 : f32 to vector<16x1024xf32>
    %select_n3A_182 = arith.select %eq3A_176, %broadcast_in_dim3A_180, %broadcast_in_dim3A_181 : vector<16x1024xi1>, vector<16x1024xf32>
    %add3A_183 = arith.addf %add3A_170, %select_n3A_182 : vector<16x1024xf32>
    %slice3A_184 = vector.extract_strided_slice %select_n3A {offsets = [0, 1536], sizes = [1024, 128], strides = [1, 1]} : vector<1024x2048xf32> to vector<1024x128xf32>
    %reduce_min3A_185 = arith.constant dense<0x7F800000> : vector<1024xf32>
    %reduce_min3A_186 = vector.multi_reduction <minimumf>, %slice3A_184, %reduce_min3A_185 [1] : vector<1024x128xf32> to vector<1024xf32>
    %eq3A_187 = arith.constant 12 : i32
    %eq3A_188 = vector.broadcast %eq3A_187 : i32 to vector<16x1024xi32>
    %eq3A_189 = arith.cmpi eq, %iota3A_28, %eq3A_188 : vector<16x1024xi32>
    %broadcast_in_dim3A_190 = vector.shape_cast %reduce_min3A_186 : vector<1024xf32> to vector<1x1024xf32>
    %jit3A_191 = arith.constant 0.000000e+00 : f32
    %broadcast_in_dim3A_192 = vector.shape_cast %broadcast_in_dim3A_190 : vector<1x1024xf32> to vector<1x1024xf32>
    %broadcast_in_dim3A_193 = vector.broadcast %broadcast_in_dim3A_192 : vector<1x1024xf32> to vector<16x1024xf32>
    %broadcast_in_dim3A_194 = vector.broadcast %jit3A_191 : f32 to vector<16x1024xf32>
    %select_n3A_195 = arith.select %eq3A_189, %broadcast_in_dim3A_193, %broadcast_in_dim3A_194 : vector<16x1024xi1>, vector<16x1024xf32>
    %add3A_196 = arith.addf %add3A_183, %select_n3A_195 : vector<16x1024xf32>
    %slice3A_197 = vector.extract_strided_slice %select_n3A {offsets = [0, 1664], sizes = [1024, 128], strides = [1, 1]} : vector<1024x2048xf32> to vector<1024x128xf32>
    %reduce_min3A_198 = arith.constant dense<0x7F800000> : vector<1024xf32>
    %reduce_min3A_199 = vector.multi_reduction <minimumf>, %slice3A_197, %reduce_min3A_198 [1] : vector<1024x128xf32> to vector<1024xf32>
    %eq3A_200 = arith.constant 13 : i32
    %eq3A_201 = vector.broadcast %eq3A_200 : i32 to vector<16x1024xi32>
    %eq3A_202 = arith.cmpi eq, %iota3A_28, %eq3A_201 : vector<16x1024xi32>
    %broadcast_in_dim3A_203 = vector.shape_cast %reduce_min3A_199 : vector<1024xf32> to vector<1x1024xf32>
    %jit3A_204 = arith.constant 0.000000e+00 : f32
    %broadcast_in_dim3A_205 = vector.shape_cast %broadcast_in_dim3A_203 : vector<1x1024xf32> to vector<1x1024xf32>
    %broadcast_in_dim3A_206 = vector.broadcast %broadcast_in_dim3A_205 : vector<1x1024xf32> to vector<16x1024xf32>
    %broadcast_in_dim3A_207 = vector.broadcast %jit3A_204 : f32 to vector<16x1024xf32>
    %select_n3A_208 = arith.select %eq3A_202, %broadcast_in_dim3A_206, %broadcast_in_dim3A_207 : vector<16x1024xi1>, vector<16x1024xf32>
    %add3A_209 = arith.addf %add3A_196, %select_n3A_208 : vector<16x1024xf32>
    %slice3A_210 = vector.extract_strided_slice %select_n3A {offsets = [0, 1792], sizes = [1024, 128], strides = [1, 1]} : vector<1024x2048xf32> to vector<1024x128xf32>
    %reduce_min3A_211 = arith.constant dense<0x7F800000> : vector<1024xf32>
    %reduce_min3A_212 = vector.multi_reduction <minimumf>, %slice3A_210, %reduce_min3A_211 [1] : vector<1024x128xf32> to vector<1024xf32>
    %eq3A_213 = arith.constant 14 : i32
    %eq3A_214 = vector.broadcast %eq3A_213 : i32 to vector<16x1024xi32>
    %eq3A_215 = arith.cmpi eq, %iota3A_28, %eq3A_214 : vector<16x1024xi32>
    %broadcast_in_dim3A_216 = vector.shape_cast %reduce_min3A_212 : vector<1024xf32> to vector<1x1024xf32>
    %jit3A_217 = arith.constant 0.000000e+00 : f32
    %broadcast_in_dim3A_218 = vector.shape_cast %broadcast_in_dim3A_216 : vector<1x1024xf32> to vector<1x1024xf32>
    %broadcast_in_dim3A_219 = vector.broadcast %broadcast_in_dim3A_218 : vector<1x1024xf32> to vector<16x1024xf32>
    %broadcast_in_dim3A_220 = vector.broadcast %jit3A_217 : f32 to vector<16x1024xf32>
    %select_n3A_221 = arith.select %eq3A_215, %broadcast_in_dim3A_219, %broadcast_in_dim3A_220 : vector<16x1024xi1>, vector<16x1024xf32>
    %add3A_222 = arith.addf %add3A_209, %select_n3A_221 : vector<16x1024xf32>
    %slice3A_223 = vector.extract_strided_slice %select_n3A {offsets = [0, 1920], sizes = [1024, 128], strides = [1, 1]} : vector<1024x2048xf32> to vector<1024x128xf32>
    %reduce_min3A_224 = arith.constant dense<0x7F800000> : vector<1024xf32>
    %reduce_min3A_225 = vector.multi_reduction <minimumf>, %slice3A_223, %reduce_min3A_224 [1] : vector<1024x128xf32> to vector<1024xf32>
    %eq3A_226 = arith.constant 15 : i32
    %eq3A_227 = vector.broadcast %eq3A_226 : i32 to vector<16x1024xi32>
    %eq3A_228 = arith.cmpi eq, %iota3A_28, %eq3A_227 : vector<16x1024xi32>
    %broadcast_in_dim3A_229 = vector.shape_cast %reduce_min3A_225 : vector<1024xf32> to vector<1x1024xf32>
    %jit3A_230 = arith.constant 0.000000e+00 : f32
    %broadcast_in_dim3A_231 = vector.shape_cast %broadcast_in_dim3A_229 : vector<1x1024xf32> to vector<1x1024xf32>
    %broadcast_in_dim3A_232 = vector.broadcast %broadcast_in_dim3A_231 : vector<1x1024xf32> to vector<16x1024xf32>
    %broadcast_in_dim3A_233 = vector.broadcast %jit3A_230 : f32 to vector<16x1024xf32>
    %select_n3A_234 = arith.select %eq3A_228, %broadcast_in_dim3A_232, %broadcast_in_dim3A_233 : vector<16x1024xi1>, vector<16x1024xf32>
    %add3A_235 = arith.addf %add3A_222, %select_n3A_234 : vector<16x1024xf32>
    %swap3A_236 = arith.constant 0 : index
    %swap3A_237 = arith.constant 0 : index
    %swap3A_238 = vector.load %arg6[%swap3A_236, %swap3A_237] : memref<16x1024xf32, #tpu.memory_space<vmem>>, vector<16x1024xf32>
    tpu.vector_store %arg6[%swap3A_236, %swap3A_237], %add3A_235 {strides = array<i32>} : memref<16x1024xf32, #tpu.memory_space<vmem>>, vector<16x1024xf32>,
    return
  }
  func.func @transform_0(%arg0: i32) -> (i32, i32) {
    %c0_i32 = arith.constant 0 : i32
    %c0_i32_0 = arith.constant 0 : i32
    %c0_i32_1 = arith.constant 0 : i32
    return %c0_i32, %c0_i32_0 : i32, i32
  }
  func.func @transform_1(%arg0: i32) -> (i32, i32) {
    %c0_i32 = arith.constant 0 : i32
    %c0_i32_0 = arith.constant 0 : i32
    return %arg0, %c0_i32 : i32, i32
  }
  func.func @transform_2(%arg0: i32) -> (i32, i32) {
    %c0_i32 = arith.constant 0 : i32
    %c0_i32_0 = arith.constant 0 : i32
    %c0_i32_1 = arith.constant 0 : i32
    return %c0_i32, %c0_i32_0 : i32, i32
  }
  func.func @transform_3(%arg0: i32) -> (i32, i32, i32) {
    %c0_i32 = arith.constant 0 : i32
    %c0_i32_0 = arith.constant 0 : i32
    %c0_i32_1 = arith.constant 0 : i32
    return %arg0, %c0_i32, %c0_i32_0 : i32, i32, i32
  }
  func.func @transform_4(%arg0: i32) -> (i32, i32, i32) {
    %c0_i32 = arith.constant 0 : i32
    %c0_i32_0 = arith.constant 0 : i32
    %c0_i32_1 = arith.constant 0 : i32
    return %c0_i32, %arg0, %c0_i32_0 : i32, i32, i32
  }
  func.func @transform_5(%arg0: i32) -> (i32, i32) {
    %c0_i32 = arith.constant 0 : i32
    %c0_i32_0 = arith.constant 0 : i32
    return %arg0, %c0_i32 : i32, i32
  }
}

module attributes {stable_mosaic.version = 14 : i64} {
  func.func @_select_body(%arg0: i32, %arg1: memref<784x256xf32, #tpu.memory_space<vmem>>, %arg2: memref<16x256xi32, #tpu.memory_space<vmem>>, %arg3: memref<16x256xi32, #tpu.memory_space<vmem>>) attributes {dimension_semantics = [#tpu.dimension_semantics<arbitrary>], iteration_bounds = array<i64: 4>, scalar_prefetch = 0 : i64, scratch_operands = 0 : i64, tpu.core_type = #tpu.core_type<tc>, window_params = [{transform_indices = @transform_0, window_bounds = array<i64: 784, 256>}, {transform_indices = @transform_1, window_bounds = array<i64: 16, 256>}, {transform_indices = @transform_2, window_bounds = array<i64: 16, 256>}]} {
    %get3A = arith.constant 0 : index
    %get3A_0 = arith.constant 0 : index
    %get3A_1 = vector.load %arg1[%get3A, %get3A_0] : memref<784x256xf32, #tpu.memory_space<vmem>>, vector<784x256xf32>
    %iota3A = tpu.iota {dimensions = array<i32: 0>} : vector<784x256xi32>
    %iota3A_2 = tpu.iota {dimensions = array<i32: 0>} : vector<16x256xi32>
    %broadcast_in_dim3A = arith.constant 0 : i32
    %broadcast_in_dim3A_3 = vector.broadcast %broadcast_in_dim3A : i32 to vector<16x256xi32>
    %reduce_min3A = arith.constant dense<0x7F800000> : vector<256xf32>
    %reduce_min3A_4 = vector.multi_reduction <minimumf>, %get3A_1, %reduce_min3A [0] : vector<784x256xf32> to vector<256xf32>
    %broadcast_in_dim3A_5 = vector.shape_cast %reduce_min3A_4 : vector<256xf32> to vector<1x256xf32>
    %eq3A = vector.broadcast %broadcast_in_dim3A_5 : vector<1x256xf32> to vector<784x256xf32>
    %eq3A_6 = arith.cmpf oeq, %get3A_1, %eq3A : vector<784x256xf32>
    %jit3A = arith.constant 1073741824 : i32
    %broadcast_in_dim3A_7 = vector.broadcast %jit3A : i32 to vector<784x256xi32>
    %select_n3A = arith.select %eq3A_6, %iota3A, %broadcast_in_dim3A_7 : vector<784x256xi1>, vector<784x256xi32>
    %reduce_min3A_8 = arith.constant dense<2147483647> : vector<256xi32>
    %reduce_min3A_9 = vector.multi_reduction <minsi>, %select_n3A, %reduce_min3A_8 [0] : vector<784x256xi32> to vector<256xi32>
    %broadcast_in_dim3A_10 = vector.shape_cast %reduce_min3A_9 : vector<256xi32> to vector<1x256xi32>
    %eq3A_11 = arith.constant 0 : i32
    %eq3A_12 = vector.broadcast %eq3A_11 : i32 to vector<16x256xi32>
    %eq3A_13 = arith.cmpi eq, %iota3A_2, %eq3A_12 : vector<16x256xi32>
    %jit3A_14 = arith.constant 0 : i32
    %broadcast_in_dim3A_15 = vector.shape_cast %broadcast_in_dim3A_10 : vector<1x256xi32> to vector<1x256xi32>
    %broadcast_in_dim3A_16 = vector.broadcast %broadcast_in_dim3A_15 : vector<1x256xi32> to vector<16x256xi32>
    %broadcast_in_dim3A_17 = vector.broadcast %jit3A_14 : i32 to vector<16x256xi32>
    %select_n3A_18 = arith.select %eq3A_13, %broadcast_in_dim3A_16, %broadcast_in_dim3A_17 : vector<16x256xi1>, vector<16x256xi32>
    %add3A = arith.addi %broadcast_in_dim3A_3, %select_n3A_18 : vector<16x256xi32>
    %eq3A_19 = vector.broadcast %broadcast_in_dim3A_10 : vector<1x256xi32> to vector<784x256xi32>
    %eq3A_20 = arith.cmpi eq, %iota3A, %eq3A_19 : vector<784x256xi32>
    %jit3A_21 = arith.constant 3.000000e+38 : f32
    %broadcast_in_dim3A_22 = vector.broadcast %jit3A_21 : f32 to vector<784x256xf32>
    %select_n3A_23 = arith.select %eq3A_20, %broadcast_in_dim3A_22, %get3A_1 : vector<784x256xi1>, vector<784x256xf32>
    %reduce_min3A_24 = arith.constant dense<0x7F800000> : vector<256xf32>
    %reduce_min3A_25 = vector.multi_reduction <minimumf>, %select_n3A_23, %reduce_min3A_24 [0] : vector<784x256xf32> to vector<256xf32>
    %broadcast_in_dim3A_26 = vector.shape_cast %reduce_min3A_25 : vector<256xf32> to vector<1x256xf32>
    %eq3A_27 = vector.broadcast %broadcast_in_dim3A_26 : vector<1x256xf32> to vector<784x256xf32>
    %eq3A_28 = arith.cmpf oeq, %select_n3A_23, %eq3A_27 : vector<784x256xf32>
    %jit3A_29 = arith.constant 1073741824 : i32
    %broadcast_in_dim3A_30 = vector.broadcast %jit3A_29 : i32 to vector<784x256xi32>
    %select_n3A_31 = arith.select %eq3A_28, %iota3A, %broadcast_in_dim3A_30 : vector<784x256xi1>, vector<784x256xi32>
    %reduce_min3A_32 = arith.constant dense<2147483647> : vector<256xi32>
    %reduce_min3A_33 = vector.multi_reduction <minsi>, %select_n3A_31, %reduce_min3A_32 [0] : vector<784x256xi32> to vector<256xi32>
    %broadcast_in_dim3A_34 = vector.shape_cast %reduce_min3A_33 : vector<256xi32> to vector<1x256xi32>
    %eq3A_35 = arith.constant 1 : i32
    %eq3A_36 = vector.broadcast %eq3A_35 : i32 to vector<16x256xi32>
    %eq3A_37 = arith.cmpi eq, %iota3A_2, %eq3A_36 : vector<16x256xi32>
    %jit3A_38 = arith.constant 0 : i32
    %broadcast_in_dim3A_39 = vector.shape_cast %broadcast_in_dim3A_34 : vector<1x256xi32> to vector<1x256xi32>
    %broadcast_in_dim3A_40 = vector.broadcast %broadcast_in_dim3A_39 : vector<1x256xi32> to vector<16x256xi32>
    %broadcast_in_dim3A_41 = vector.broadcast %jit3A_38 : i32 to vector<16x256xi32>
    %select_n3A_42 = arith.select %eq3A_37, %broadcast_in_dim3A_40, %broadcast_in_dim3A_41 : vector<16x256xi1>, vector<16x256xi32>
    %add3A_43 = arith.addi %add3A, %select_n3A_42 : vector<16x256xi32>
    %eq3A_44 = vector.broadcast %broadcast_in_dim3A_34 : vector<1x256xi32> to vector<784x256xi32>
    %eq3A_45 = arith.cmpi eq, %iota3A, %eq3A_44 : vector<784x256xi32>
    %jit3A_46 = arith.constant 3.000000e+38 : f32
    %broadcast_in_dim3A_47 = vector.broadcast %jit3A_46 : f32 to vector<784x256xf32>
    %select_n3A_48 = arith.select %eq3A_45, %broadcast_in_dim3A_47, %select_n3A_23 : vector<784x256xi1>, vector<784x256xf32>
    %reduce_min3A_49 = arith.constant dense<0x7F800000> : vector<256xf32>
    %reduce_min3A_50 = vector.multi_reduction <minimumf>, %select_n3A_48, %reduce_min3A_49 [0] : vector<784x256xf32> to vector<256xf32>
    %broadcast_in_dim3A_51 = vector.shape_cast %reduce_min3A_50 : vector<256xf32> to vector<1x256xf32>
    %eq3A_52 = vector.broadcast %broadcast_in_dim3A_51 : vector<1x256xf32> to vector<784x256xf32>
    %eq3A_53 = arith.cmpf oeq, %select_n3A_48, %eq3A_52 : vector<784x256xf32>
    %jit3A_54 = arith.constant 1073741824 : i32
    %broadcast_in_dim3A_55 = vector.broadcast %jit3A_54 : i32 to vector<784x256xi32>
    %select_n3A_56 = arith.select %eq3A_53, %iota3A, %broadcast_in_dim3A_55 : vector<784x256xi1>, vector<784x256xi32>
    %reduce_min3A_57 = arith.constant dense<2147483647> : vector<256xi32>
    %reduce_min3A_58 = vector.multi_reduction <minsi>, %select_n3A_56, %reduce_min3A_57 [0] : vector<784x256xi32> to vector<256xi32>
    %broadcast_in_dim3A_59 = vector.shape_cast %reduce_min3A_58 : vector<256xi32> to vector<1x256xi32>
    %eq3A_60 = arith.constant 2 : i32
    %eq3A_61 = vector.broadcast %eq3A_60 : i32 to vector<16x256xi32>
    %eq3A_62 = arith.cmpi eq, %iota3A_2, %eq3A_61 : vector<16x256xi32>
    %jit3A_63 = arith.constant 0 : i32
    %broadcast_in_dim3A_64 = vector.shape_cast %broadcast_in_dim3A_59 : vector<1x256xi32> to vector<1x256xi32>
    %broadcast_in_dim3A_65 = vector.broadcast %broadcast_in_dim3A_64 : vector<1x256xi32> to vector<16x256xi32>
    %broadcast_in_dim3A_66 = vector.broadcast %jit3A_63 : i32 to vector<16x256xi32>
    %select_n3A_67 = arith.select %eq3A_62, %broadcast_in_dim3A_65, %broadcast_in_dim3A_66 : vector<16x256xi1>, vector<16x256xi32>
    %add3A_68 = arith.addi %add3A_43, %select_n3A_67 : vector<16x256xi32>
    %eq3A_69 = vector.broadcast %broadcast_in_dim3A_59 : vector<1x256xi32> to vector<784x256xi32>
    %eq3A_70 = arith.cmpi eq, %iota3A, %eq3A_69 : vector<784x256xi32>
    %jit3A_71 = arith.constant 3.000000e+38 : f32
    %broadcast_in_dim3A_72 = vector.broadcast %jit3A_71 : f32 to vector<784x256xf32>
    %select_n3A_73 = arith.select %eq3A_70, %broadcast_in_dim3A_72, %select_n3A_48 : vector<784x256xi1>, vector<784x256xf32>
    %reduce_min3A_74 = arith.constant dense<0x7F800000> : vector<256xf32>
    %reduce_min3A_75 = vector.multi_reduction <minimumf>, %select_n3A_73, %reduce_min3A_74 [0] : vector<784x256xf32> to vector<256xf32>
    %broadcast_in_dim3A_76 = vector.shape_cast %reduce_min3A_75 : vector<256xf32> to vector<1x256xf32>
    %eq3A_77 = vector.broadcast %broadcast_in_dim3A_76 : vector<1x256xf32> to vector<784x256xf32>
    %eq3A_78 = arith.cmpf oeq, %select_n3A_73, %eq3A_77 : vector<784x256xf32>
    %jit3A_79 = arith.constant 1073741824 : i32
    %broadcast_in_dim3A_80 = vector.broadcast %jit3A_79 : i32 to vector<784x256xi32>
    %select_n3A_81 = arith.select %eq3A_78, %iota3A, %broadcast_in_dim3A_80 : vector<784x256xi1>, vector<784x256xi32>
    %reduce_min3A_82 = arith.constant dense<2147483647> : vector<256xi32>
    %reduce_min3A_83 = vector.multi_reduction <minsi>, %select_n3A_81, %reduce_min3A_82 [0] : vector<784x256xi32> to vector<256xi32>
    %broadcast_in_dim3A_84 = vector.shape_cast %reduce_min3A_83 : vector<256xi32> to vector<1x256xi32>
    %eq3A_85 = arith.constant 3 : i32
    %eq3A_86 = vector.broadcast %eq3A_85 : i32 to vector<16x256xi32>
    %eq3A_87 = arith.cmpi eq, %iota3A_2, %eq3A_86 : vector<16x256xi32>
    %jit3A_88 = arith.constant 0 : i32
    %broadcast_in_dim3A_89 = vector.shape_cast %broadcast_in_dim3A_84 : vector<1x256xi32> to vector<1x256xi32>
    %broadcast_in_dim3A_90 = vector.broadcast %broadcast_in_dim3A_89 : vector<1x256xi32> to vector<16x256xi32>
    %broadcast_in_dim3A_91 = vector.broadcast %jit3A_88 : i32 to vector<16x256xi32>
    %select_n3A_92 = arith.select %eq3A_87, %broadcast_in_dim3A_90, %broadcast_in_dim3A_91 : vector<16x256xi1>, vector<16x256xi32>
    %add3A_93 = arith.addi %add3A_68, %select_n3A_92 : vector<16x256xi32>
    %eq3A_94 = vector.broadcast %broadcast_in_dim3A_84 : vector<1x256xi32> to vector<784x256xi32>
    %eq3A_95 = arith.cmpi eq, %iota3A, %eq3A_94 : vector<784x256xi32>
    %jit3A_96 = arith.constant 3.000000e+38 : f32
    %broadcast_in_dim3A_97 = vector.broadcast %jit3A_96 : f32 to vector<784x256xf32>
    %select_n3A_98 = arith.select %eq3A_95, %broadcast_in_dim3A_97, %select_n3A_73 : vector<784x256xi1>, vector<784x256xf32>
    %reduce_min3A_99 = arith.constant dense<0x7F800000> : vector<256xf32>
    %reduce_min3A_100 = vector.multi_reduction <minimumf>, %select_n3A_98, %reduce_min3A_99 [0] : vector<784x256xf32> to vector<256xf32>
    %broadcast_in_dim3A_101 = vector.shape_cast %reduce_min3A_100 : vector<256xf32> to vector<1x256xf32>
    %eq3A_102 = vector.broadcast %broadcast_in_dim3A_101 : vector<1x256xf32> to vector<784x256xf32>
    %eq3A_103 = arith.cmpf oeq, %select_n3A_98, %eq3A_102 : vector<784x256xf32>
    %jit3A_104 = arith.constant 1073741824 : i32
    %broadcast_in_dim3A_105 = vector.broadcast %jit3A_104 : i32 to vector<784x256xi32>
    %select_n3A_106 = arith.select %eq3A_103, %iota3A, %broadcast_in_dim3A_105 : vector<784x256xi1>, vector<784x256xi32>
    %reduce_min3A_107 = arith.constant dense<2147483647> : vector<256xi32>
    %reduce_min3A_108 = vector.multi_reduction <minsi>, %select_n3A_106, %reduce_min3A_107 [0] : vector<784x256xi32> to vector<256xi32>
    %broadcast_in_dim3A_109 = vector.shape_cast %reduce_min3A_108 : vector<256xi32> to vector<1x256xi32>
    %eq3A_110 = arith.constant 4 : i32
    %eq3A_111 = vector.broadcast %eq3A_110 : i32 to vector<16x256xi32>
    %eq3A_112 = arith.cmpi eq, %iota3A_2, %eq3A_111 : vector<16x256xi32>
    %jit3A_113 = arith.constant 0 : i32
    %broadcast_in_dim3A_114 = vector.shape_cast %broadcast_in_dim3A_109 : vector<1x256xi32> to vector<1x256xi32>
    %broadcast_in_dim3A_115 = vector.broadcast %broadcast_in_dim3A_114 : vector<1x256xi32> to vector<16x256xi32>
    %broadcast_in_dim3A_116 = vector.broadcast %jit3A_113 : i32 to vector<16x256xi32>
    %select_n3A_117 = arith.select %eq3A_112, %broadcast_in_dim3A_115, %broadcast_in_dim3A_116 : vector<16x256xi1>, vector<16x256xi32>
    %add3A_118 = arith.addi %add3A_93, %select_n3A_117 : vector<16x256xi32>
    %eq3A_119 = vector.broadcast %broadcast_in_dim3A_109 : vector<1x256xi32> to vector<784x256xi32>
    %eq3A_120 = arith.cmpi eq, %iota3A, %eq3A_119 : vector<784x256xi32>
    %jit3A_121 = arith.constant 3.000000e+38 : f32
    %broadcast_in_dim3A_122 = vector.broadcast %jit3A_121 : f32 to vector<784x256xf32>
    %select_n3A_123 = arith.select %eq3A_120, %broadcast_in_dim3A_122, %select_n3A_98 : vector<784x256xi1>, vector<784x256xf32>
    %reduce_min3A_124 = arith.constant dense<0x7F800000> : vector<256xf32>
    %reduce_min3A_125 = vector.multi_reduction <minimumf>, %select_n3A_123, %reduce_min3A_124 [0] : vector<784x256xf32> to vector<256xf32>
    %broadcast_in_dim3A_126 = vector.shape_cast %reduce_min3A_125 : vector<256xf32> to vector<1x256xf32>
    %eq3A_127 = vector.broadcast %broadcast_in_dim3A_126 : vector<1x256xf32> to vector<784x256xf32>
    %eq3A_128 = arith.cmpf oeq, %select_n3A_123, %eq3A_127 : vector<784x256xf32>
    %jit3A_129 = arith.constant 1073741824 : i32
    %broadcast_in_dim3A_130 = vector.broadcast %jit3A_129 : i32 to vector<784x256xi32>
    %select_n3A_131 = arith.select %eq3A_128, %iota3A, %broadcast_in_dim3A_130 : vector<784x256xi1>, vector<784x256xi32>
    %reduce_min3A_132 = arith.constant dense<2147483647> : vector<256xi32>
    %reduce_min3A_133 = vector.multi_reduction <minsi>, %select_n3A_131, %reduce_min3A_132 [0] : vector<784x256xi32> to vector<256xi32>
    %broadcast_in_dim3A_134 = vector.shape_cast %reduce_min3A_133 : vector<256xi32> to vector<1x256xi32>
    %eq3A_135 = arith.constant 5 : i32
    %eq3A_136 = vector.broadcast %eq3A_135 : i32 to vector<16x256xi32>
    %eq3A_137 = arith.cmpi eq, %iota3A_2, %eq3A_136 : vector<16x256xi32>
    %jit3A_138 = arith.constant 0 : i32
    %broadcast_in_dim3A_139 = vector.shape_cast %broadcast_in_dim3A_134 : vector<1x256xi32> to vector<1x256xi32>
    %broadcast_in_dim3A_140 = vector.broadcast %broadcast_in_dim3A_139 : vector<1x256xi32> to vector<16x256xi32>
    %broadcast_in_dim3A_141 = vector.broadcast %jit3A_138 : i32 to vector<16x256xi32>
    %select_n3A_142 = arith.select %eq3A_137, %broadcast_in_dim3A_140, %broadcast_in_dim3A_141 : vector<16x256xi1>, vector<16x256xi32>
    %add3A_143 = arith.addi %add3A_118, %select_n3A_142 : vector<16x256xi32>
    %eq3A_144 = vector.broadcast %broadcast_in_dim3A_134 : vector<1x256xi32> to vector<784x256xi32>
    %eq3A_145 = arith.cmpi eq, %iota3A, %eq3A_144 : vector<784x256xi32>
    %jit3A_146 = arith.constant 3.000000e+38 : f32
    %broadcast_in_dim3A_147 = vector.broadcast %jit3A_146 : f32 to vector<784x256xf32>
    %select_n3A_148 = arith.select %eq3A_145, %broadcast_in_dim3A_147, %select_n3A_123 : vector<784x256xi1>, vector<784x256xf32>
    %reduce_min3A_149 = arith.constant dense<0x7F800000> : vector<256xf32>
    %reduce_min3A_150 = vector.multi_reduction <minimumf>, %select_n3A_148, %reduce_min3A_149 [0] : vector<784x256xf32> to vector<256xf32>
    %broadcast_in_dim3A_151 = vector.shape_cast %reduce_min3A_150 : vector<256xf32> to vector<1x256xf32>
    %eq3A_152 = vector.broadcast %broadcast_in_dim3A_151 : vector<1x256xf32> to vector<784x256xf32>
    %eq3A_153 = arith.cmpf oeq, %select_n3A_148, %eq3A_152 : vector<784x256xf32>
    %jit3A_154 = arith.constant 1073741824 : i32
    %broadcast_in_dim3A_155 = vector.broadcast %jit3A_154 : i32 to vector<784x256xi32>
    %select_n3A_156 = arith.select %eq3A_153, %iota3A, %broadcast_in_dim3A_155 : vector<784x256xi1>, vector<784x256xi32>
    %reduce_min3A_157 = arith.constant dense<2147483647> : vector<256xi32>
    %reduce_min3A_158 = vector.multi_reduction <minsi>, %select_n3A_156, %reduce_min3A_157 [0] : vector<784x256xi32> to vector<256xi32>
    %broadcast_in_dim3A_159 = vector.shape_cast %reduce_min3A_158 : vector<256xi32> to vector<1x256xi32>
    %eq3A_160 = arith.constant 6 : i32
    %eq3A_161 = vector.broadcast %eq3A_160 : i32 to vector<16x256xi32>
    %eq3A_162 = arith.cmpi eq, %iota3A_2, %eq3A_161 : vector<16x256xi32>
    %jit3A_163 = arith.constant 0 : i32
    %broadcast_in_dim3A_164 = vector.shape_cast %broadcast_in_dim3A_159 : vector<1x256xi32> to vector<1x256xi32>
    %broadcast_in_dim3A_165 = vector.broadcast %broadcast_in_dim3A_164 : vector<1x256xi32> to vector<16x256xi32>
    %broadcast_in_dim3A_166 = vector.broadcast %jit3A_163 : i32 to vector<16x256xi32>
    %select_n3A_167 = arith.select %eq3A_162, %broadcast_in_dim3A_165, %broadcast_in_dim3A_166 : vector<16x256xi1>, vector<16x256xi32>
    %add3A_168 = arith.addi %add3A_143, %select_n3A_167 : vector<16x256xi32>
    %eq3A_169 = vector.broadcast %broadcast_in_dim3A_159 : vector<1x256xi32> to vector<784x256xi32>
    %eq3A_170 = arith.cmpi eq, %iota3A, %eq3A_169 : vector<784x256xi32>
    %jit3A_171 = arith.constant 3.000000e+38 : f32
    %broadcast_in_dim3A_172 = vector.broadcast %jit3A_171 : f32 to vector<784x256xf32>
    %select_n3A_173 = arith.select %eq3A_170, %broadcast_in_dim3A_172, %select_n3A_148 : vector<784x256xi1>, vector<784x256xf32>
    %reduce_min3A_174 = arith.constant dense<0x7F800000> : vector<256xf32>
    %reduce_min3A_175 = vector.multi_reduction <minimumf>, %select_n3A_173, %reduce_min3A_174 [0] : vector<784x256xf32> to vector<256xf32>
    %broadcast_in_dim3A_176 = vector.shape_cast %reduce_min3A_175 : vector<256xf32> to vector<1x256xf32>
    %eq3A_177 = vector.broadcast %broadcast_in_dim3A_176 : vector<1x256xf32> to vector<784x256xf32>
    %eq3A_178 = arith.cmpf oeq, %select_n3A_173, %eq3A_177 : vector<784x256xf32>
    %jit3A_179 = arith.constant 1073741824 : i32
    %broadcast_in_dim3A_180 = vector.broadcast %jit3A_179 : i32 to vector<784x256xi32>
    %select_n3A_181 = arith.select %eq3A_178, %iota3A, %broadcast_in_dim3A_180 : vector<784x256xi1>, vector<784x256xi32>
    %reduce_min3A_182 = arith.constant dense<2147483647> : vector<256xi32>
    %reduce_min3A_183 = vector.multi_reduction <minsi>, %select_n3A_181, %reduce_min3A_182 [0] : vector<784x256xi32> to vector<256xi32>
    %broadcast_in_dim3A_184 = vector.shape_cast %reduce_min3A_183 : vector<256xi32> to vector<1x256xi32>
    %eq3A_185 = arith.constant 7 : i32
    %eq3A_186 = vector.broadcast %eq3A_185 : i32 to vector<16x256xi32>
    %eq3A_187 = arith.cmpi eq, %iota3A_2, %eq3A_186 : vector<16x256xi32>
    %jit3A_188 = arith.constant 0 : i32
    %broadcast_in_dim3A_189 = vector.shape_cast %broadcast_in_dim3A_184 : vector<1x256xi32> to vector<1x256xi32>
    %broadcast_in_dim3A_190 = vector.broadcast %broadcast_in_dim3A_189 : vector<1x256xi32> to vector<16x256xi32>
    %broadcast_in_dim3A_191 = vector.broadcast %jit3A_188 : i32 to vector<16x256xi32>
    %select_n3A_192 = arith.select %eq3A_187, %broadcast_in_dim3A_190, %broadcast_in_dim3A_191 : vector<16x256xi1>, vector<16x256xi32>
    %add3A_193 = arith.addi %add3A_168, %select_n3A_192 : vector<16x256xi32>
    %eq3A_194 = vector.broadcast %broadcast_in_dim3A_184 : vector<1x256xi32> to vector<784x256xi32>
    %eq3A_195 = arith.cmpi eq, %iota3A, %eq3A_194 : vector<784x256xi32>
    %jit3A_196 = arith.constant 3.000000e+38 : f32
    %broadcast_in_dim3A_197 = vector.broadcast %jit3A_196 : f32 to vector<784x256xf32>
    %select_n3A_198 = arith.select %eq3A_195, %broadcast_in_dim3A_197, %select_n3A_173 : vector<784x256xi1>, vector<784x256xf32>
    %reduce_min3A_199 = arith.constant dense<0x7F800000> : vector<256xf32>
    %reduce_min3A_200 = vector.multi_reduction <minimumf>, %select_n3A_198, %reduce_min3A_199 [0] : vector<784x256xf32> to vector<256xf32>
    %broadcast_in_dim3A_201 = vector.shape_cast %reduce_min3A_200 : vector<256xf32> to vector<1x256xf32>
    %eq3A_202 = vector.broadcast %broadcast_in_dim3A_201 : vector<1x256xf32> to vector<784x256xf32>
    %eq3A_203 = arith.cmpf oeq, %select_n3A_198, %eq3A_202 : vector<784x256xf32>
    %jit3A_204 = arith.constant 1073741824 : i32
    %broadcast_in_dim3A_205 = vector.broadcast %jit3A_204 : i32 to vector<784x256xi32>
    %select_n3A_206 = arith.select %eq3A_203, %iota3A, %broadcast_in_dim3A_205 : vector<784x256xi1>, vector<784x256xi32>
    %reduce_min3A_207 = arith.constant dense<2147483647> : vector<256xi32>
    %reduce_min3A_208 = vector.multi_reduction <minsi>, %select_n3A_206, %reduce_min3A_207 [0] : vector<784x256xi32> to vector<256xi32>
    %broadcast_in_dim3A_209 = vector.shape_cast %reduce_min3A_208 : vector<256xi32> to vector<1x256xi32>
    %eq3A_210 = arith.constant 8 : i32
    %eq3A_211 = vector.broadcast %eq3A_210 : i32 to vector<16x256xi32>
    %eq3A_212 = arith.cmpi eq, %iota3A_2, %eq3A_211 : vector<16x256xi32>
    %jit3A_213 = arith.constant 0 : i32
    %broadcast_in_dim3A_214 = vector.shape_cast %broadcast_in_dim3A_209 : vector<1x256xi32> to vector<1x256xi32>
    %broadcast_in_dim3A_215 = vector.broadcast %broadcast_in_dim3A_214 : vector<1x256xi32> to vector<16x256xi32>
    %broadcast_in_dim3A_216 = vector.broadcast %jit3A_213 : i32 to vector<16x256xi32>
    %select_n3A_217 = arith.select %eq3A_212, %broadcast_in_dim3A_215, %broadcast_in_dim3A_216 : vector<16x256xi1>, vector<16x256xi32>
    %add3A_218 = arith.addi %add3A_193, %select_n3A_217 : vector<16x256xi32>
    %eq3A_219 = vector.broadcast %broadcast_in_dim3A_209 : vector<1x256xi32> to vector<784x256xi32>
    %eq3A_220 = arith.cmpi eq, %iota3A, %eq3A_219 : vector<784x256xi32>
    %jit3A_221 = arith.constant 3.000000e+38 : f32
    %broadcast_in_dim3A_222 = vector.broadcast %jit3A_221 : f32 to vector<784x256xf32>
    %select_n3A_223 = arith.select %eq3A_220, %broadcast_in_dim3A_222, %select_n3A_198 : vector<784x256xi1>, vector<784x256xf32>
    %reduce_min3A_224 = arith.constant dense<0x7F800000> : vector<256xf32>
    %reduce_min3A_225 = vector.multi_reduction <minimumf>, %select_n3A_223, %reduce_min3A_224 [0] : vector<784x256xf32> to vector<256xf32>
    %broadcast_in_dim3A_226 = vector.shape_cast %reduce_min3A_225 : vector<256xf32> to vector<1x256xf32>
    %eq3A_227 = vector.broadcast %broadcast_in_dim3A_226 : vector<1x256xf32> to vector<784x256xf32>
    %eq3A_228 = arith.cmpf oeq, %select_n3A_223, %eq3A_227 : vector<784x256xf32>
    %jit3A_229 = arith.constant 1073741824 : i32
    %broadcast_in_dim3A_230 = vector.broadcast %jit3A_229 : i32 to vector<784x256xi32>
    %select_n3A_231 = arith.select %eq3A_228, %iota3A, %broadcast_in_dim3A_230 : vector<784x256xi1>, vector<784x256xi32>
    %reduce_min3A_232 = arith.constant dense<2147483647> : vector<256xi32>
    %reduce_min3A_233 = vector.multi_reduction <minsi>, %select_n3A_231, %reduce_min3A_232 [0] : vector<784x256xi32> to vector<256xi32>
    %broadcast_in_dim3A_234 = vector.shape_cast %reduce_min3A_233 : vector<256xi32> to vector<1x256xi32>
    %eq3A_235 = arith.constant 9 : i32
    %eq3A_236 = vector.broadcast %eq3A_235 : i32 to vector<16x256xi32>
    %eq3A_237 = arith.cmpi eq, %iota3A_2, %eq3A_236 : vector<16x256xi32>
    %jit3A_238 = arith.constant 0 : i32
    %broadcast_in_dim3A_239 = vector.shape_cast %broadcast_in_dim3A_234 : vector<1x256xi32> to vector<1x256xi32>
    %broadcast_in_dim3A_240 = vector.broadcast %broadcast_in_dim3A_239 : vector<1x256xi32> to vector<16x256xi32>
    %broadcast_in_dim3A_241 = vector.broadcast %jit3A_238 : i32 to vector<16x256xi32>
    %select_n3A_242 = arith.select %eq3A_237, %broadcast_in_dim3A_240, %broadcast_in_dim3A_241 : vector<16x256xi1>, vector<16x256xi32>
    %add3A_243 = arith.addi %add3A_218, %select_n3A_242 : vector<16x256xi32>
    %eq3A_244 = vector.broadcast %broadcast_in_dim3A_234 : vector<1x256xi32> to vector<784x256xi32>
    %eq3A_245 = arith.cmpi eq, %iota3A, %eq3A_244 : vector<784x256xi32>
    %jit3A_246 = arith.constant 3.000000e+38 : f32
    %broadcast_in_dim3A_247 = vector.broadcast %jit3A_246 : f32 to vector<784x256xf32>
    %select_n3A_248 = arith.select %eq3A_245, %broadcast_in_dim3A_247, %select_n3A_223 : vector<784x256xi1>, vector<784x256xf32>
    %reduce_min3A_249 = arith.constant dense<0x7F800000> : vector<256xf32>
    %reduce_min3A_250 = vector.multi_reduction <minimumf>, %select_n3A_248, %reduce_min3A_249 [0] : vector<784x256xf32> to vector<256xf32>
    %broadcast_in_dim3A_251 = vector.shape_cast %reduce_min3A_250 : vector<256xf32> to vector<1x256xf32>
    %eq3A_252 = vector.broadcast %broadcast_in_dim3A_251 : vector<1x256xf32> to vector<784x256xf32>
    %eq3A_253 = arith.cmpf oeq, %select_n3A_248, %eq3A_252 : vector<784x256xf32>
    %jit3A_254 = arith.constant 1073741824 : i32
    %broadcast_in_dim3A_255 = vector.broadcast %jit3A_254 : i32 to vector<784x256xi32>
    %select_n3A_256 = arith.select %eq3A_253, %iota3A, %broadcast_in_dim3A_255 : vector<784x256xi1>, vector<784x256xi32>
    %reduce_min3A_257 = arith.constant dense<2147483647> : vector<256xi32>
    %reduce_min3A_258 = vector.multi_reduction <minsi>, %select_n3A_256, %reduce_min3A_257 [0] : vector<784x256xi32> to vector<256xi32>
    %broadcast_in_dim3A_259 = vector.shape_cast %reduce_min3A_258 : vector<256xi32> to vector<1x256xi32>
    %eq3A_260 = arith.constant 10 : i32
    %eq3A_261 = vector.broadcast %eq3A_260 : i32 to vector<16x256xi32>
    %eq3A_262 = arith.cmpi eq, %iota3A_2, %eq3A_261 : vector<16x256xi32>
    %jit3A_263 = arith.constant 0 : i32
    %broadcast_in_dim3A_264 = vector.shape_cast %broadcast_in_dim3A_259 : vector<1x256xi32> to vector<1x256xi32>
    %broadcast_in_dim3A_265 = vector.broadcast %broadcast_in_dim3A_264 : vector<1x256xi32> to vector<16x256xi32>
    %broadcast_in_dim3A_266 = vector.broadcast %jit3A_263 : i32 to vector<16x256xi32>
    %select_n3A_267 = arith.select %eq3A_262, %broadcast_in_dim3A_265, %broadcast_in_dim3A_266 : vector<16x256xi1>, vector<16x256xi32>
    %add3A_268 = arith.addi %add3A_243, %select_n3A_267 : vector<16x256xi32>
    %eq3A_269 = vector.broadcast %broadcast_in_dim3A_259 : vector<1x256xi32> to vector<784x256xi32>
    %eq3A_270 = arith.cmpi eq, %iota3A, %eq3A_269 : vector<784x256xi32>
    %jit3A_271 = arith.constant 3.000000e+38 : f32
    %broadcast_in_dim3A_272 = vector.broadcast %jit3A_271 : f32 to vector<784x256xf32>
    %select_n3A_273 = arith.select %eq3A_270, %broadcast_in_dim3A_272, %select_n3A_248 : vector<784x256xi1>, vector<784x256xf32>
    %reduce_min3A_274 = arith.constant dense<0x7F800000> : vector<256xf32>
    %reduce_min3A_275 = vector.multi_reduction <minimumf>, %select_n3A_273, %reduce_min3A_274 [0] : vector<784x256xf32> to vector<256xf32>
    %broadcast_in_dim3A_276 = vector.shape_cast %reduce_min3A_275 : vector<256xf32> to vector<1x256xf32>
    %eq3A_277 = vector.broadcast %broadcast_in_dim3A_276 : vector<1x256xf32> to vector<784x256xf32>
    %eq3A_278 = arith.cmpf oeq, %select_n3A_273, %eq3A_277 : vector<784x256xf32>
    %jit3A_279 = arith.constant 1073741824 : i32
    %broadcast_in_dim3A_280 = vector.broadcast %jit3A_279 : i32 to vector<784x256xi32>
    %select_n3A_281 = arith.select %eq3A_278, %iota3A, %broadcast_in_dim3A_280 : vector<784x256xi1>, vector<784x256xi32>
    %reduce_min3A_282 = arith.constant dense<2147483647> : vector<256xi32>
    %reduce_min3A_283 = vector.multi_reduction <minsi>, %select_n3A_281, %reduce_min3A_282 [0] : vector<784x256xi32> to vector<256xi32>
    %broadcast_in_dim3A_284 = vector.shape_cast %reduce_min3A_283 : vector<256xi32> to vector<1x256xi32>
    %eq3A_285 = arith.constant 11 : i32
    %eq3A_286 = vector.broadcast %eq3A_285 : i32 to vector<16x256xi32>
    %eq3A_287 = arith.cmpi eq, %iota3A_2, %eq3A_286 : vector<16x256xi32>
    %jit3A_288 = arith.constant 0 : i32
    %broadcast_in_dim3A_289 = vector.shape_cast %broadcast_in_dim3A_284 : vector<1x256xi32> to vector<1x256xi32>
    %broadcast_in_dim3A_290 = vector.broadcast %broadcast_in_dim3A_289 : vector<1x256xi32> to vector<16x256xi32>
    %broadcast_in_dim3A_291 = vector.broadcast %jit3A_288 : i32 to vector<16x256xi32>
    %select_n3A_292 = arith.select %eq3A_287, %broadcast_in_dim3A_290, %broadcast_in_dim3A_291 : vector<16x256xi1>, vector<16x256xi32>
    %add3A_293 = arith.addi %add3A_268, %select_n3A_292 : vector<16x256xi32>
    %eq3A_294 = vector.broadcast %broadcast_in_dim3A_284 : vector<1x256xi32> to vector<784x256xi32>
    %eq3A_295 = arith.cmpi eq, %iota3A, %eq3A_294 : vector<784x256xi32>
    %jit3A_296 = arith.constant 3.000000e+38 : f32
    %broadcast_in_dim3A_297 = vector.broadcast %jit3A_296 : f32 to vector<784x256xf32>
    %select_n3A_298 = arith.select %eq3A_295, %broadcast_in_dim3A_297, %select_n3A_273 : vector<784x256xi1>, vector<784x256xf32>
    %reduce_min3A_299 = arith.constant dense<0x7F800000> : vector<256xf32>
    %reduce_min3A_300 = vector.multi_reduction <minimumf>, %select_n3A_298, %reduce_min3A_299 [0] : vector<784x256xf32> to vector<256xf32>
    %broadcast_in_dim3A_301 = vector.shape_cast %reduce_min3A_300 : vector<256xf32> to vector<1x256xf32>
    %eq3A_302 = vector.broadcast %broadcast_in_dim3A_301 : vector<1x256xf32> to vector<784x256xf32>
    %eq3A_303 = arith.cmpf oeq, %select_n3A_298, %eq3A_302 : vector<784x256xf32>
    %jit3A_304 = arith.constant 1073741824 : i32
    %broadcast_in_dim3A_305 = vector.broadcast %jit3A_304 : i32 to vector<784x256xi32>
    %select_n3A_306 = arith.select %eq3A_303, %iota3A, %broadcast_in_dim3A_305 : vector<784x256xi1>, vector<784x256xi32>
    %reduce_min3A_307 = arith.constant dense<2147483647> : vector<256xi32>
    %reduce_min3A_308 = vector.multi_reduction <minsi>, %select_n3A_306, %reduce_min3A_307 [0] : vector<784x256xi32> to vector<256xi32>
    %broadcast_in_dim3A_309 = vector.shape_cast %reduce_min3A_308 : vector<256xi32> to vector<1x256xi32>
    %eq3A_310 = arith.constant 12 : i32
    %eq3A_311 = vector.broadcast %eq3A_310 : i32 to vector<16x256xi32>
    %eq3A_312 = arith.cmpi eq, %iota3A_2, %eq3A_311 : vector<16x256xi32>
    %jit3A_313 = arith.constant 0 : i32
    %broadcast_in_dim3A_314 = vector.shape_cast %broadcast_in_dim3A_309 : vector<1x256xi32> to vector<1x256xi32>
    %broadcast_in_dim3A_315 = vector.broadcast %broadcast_in_dim3A_314 : vector<1x256xi32> to vector<16x256xi32>
    %broadcast_in_dim3A_316 = vector.broadcast %jit3A_313 : i32 to vector<16x256xi32>
    %select_n3A_317 = arith.select %eq3A_312, %broadcast_in_dim3A_315, %broadcast_in_dim3A_316 : vector<16x256xi1>, vector<16x256xi32>
    %add3A_318 = arith.addi %add3A_293, %select_n3A_317 : vector<16x256xi32>
    %eq3A_319 = vector.broadcast %broadcast_in_dim3A_309 : vector<1x256xi32> to vector<784x256xi32>
    %eq3A_320 = arith.cmpi eq, %iota3A, %eq3A_319 : vector<784x256xi32>
    %jit3A_321 = arith.constant 3.000000e+38 : f32
    %broadcast_in_dim3A_322 = vector.broadcast %jit3A_321 : f32 to vector<784x256xf32>
    %select_n3A_323 = arith.select %eq3A_320, %broadcast_in_dim3A_322, %select_n3A_298 : vector<784x256xi1>, vector<784x256xf32>
    %reduce_min3A_324 = arith.constant dense<0x7F800000> : vector<256xf32>
    %reduce_min3A_325 = vector.multi_reduction <minimumf>, %select_n3A_323, %reduce_min3A_324 [0] : vector<784x256xf32> to vector<256xf32>
    %broadcast_in_dim3A_326 = vector.shape_cast %reduce_min3A_325 : vector<256xf32> to vector<1x256xf32>
    %eq3A_327 = vector.broadcast %broadcast_in_dim3A_326 : vector<1x256xf32> to vector<784x256xf32>
    %eq3A_328 = arith.cmpf oeq, %select_n3A_323, %eq3A_327 : vector<784x256xf32>
    %jit3A_329 = arith.constant 1073741824 : i32
    %broadcast_in_dim3A_330 = vector.broadcast %jit3A_329 : i32 to vector<784x256xi32>
    %select_n3A_331 = arith.select %eq3A_328, %iota3A, %broadcast_in_dim3A_330 : vector<784x256xi1>, vector<784x256xi32>
    %reduce_min3A_332 = arith.constant dense<2147483647> : vector<256xi32>
    %reduce_min3A_333 = vector.multi_reduction <minsi>, %select_n3A_331, %reduce_min3A_332 [0] : vector<784x256xi32> to vector<256xi32>
    %broadcast_in_dim3A_334 = vector.shape_cast %reduce_min3A_333 : vector<256xi32> to vector<1x256xi32>
    %eq3A_335 = arith.constant 13 : i32
    %eq3A_336 = vector.broadcast %eq3A_335 : i32 to vector<16x256xi32>
    %eq3A_337 = arith.cmpi eq, %iota3A_2, %eq3A_336 : vector<16x256xi32>
    %jit3A_338 = arith.constant 0 : i32
    %broadcast_in_dim3A_339 = vector.shape_cast %broadcast_in_dim3A_334 : vector<1x256xi32> to vector<1x256xi32>
    %broadcast_in_dim3A_340 = vector.broadcast %broadcast_in_dim3A_339 : vector<1x256xi32> to vector<16x256xi32>
    %broadcast_in_dim3A_341 = vector.broadcast %jit3A_338 : i32 to vector<16x256xi32>
    %select_n3A_342 = arith.select %eq3A_337, %broadcast_in_dim3A_340, %broadcast_in_dim3A_341 : vector<16x256xi1>, vector<16x256xi32>
    %add3A_343 = arith.addi %add3A_318, %select_n3A_342 : vector<16x256xi32>
    %eq3A_344 = vector.broadcast %broadcast_in_dim3A_334 : vector<1x256xi32> to vector<784x256xi32>
    %eq3A_345 = arith.cmpi eq, %iota3A, %eq3A_344 : vector<784x256xi32>
    %jit3A_346 = arith.constant 3.000000e+38 : f32
    %broadcast_in_dim3A_347 = vector.broadcast %jit3A_346 : f32 to vector<784x256xf32>
    %select_n3A_348 = arith.select %eq3A_345, %broadcast_in_dim3A_347, %select_n3A_323 : vector<784x256xi1>, vector<784x256xf32>
    %reduce_min3A_349 = arith.constant dense<0x7F800000> : vector<256xf32>
    %reduce_min3A_350 = vector.multi_reduction <minimumf>, %select_n3A_348, %reduce_min3A_349 [0] : vector<784x256xf32> to vector<256xf32>
    %broadcast_in_dim3A_351 = vector.shape_cast %reduce_min3A_350 : vector<256xf32> to vector<1x256xf32>
    %eq3A_352 = vector.broadcast %broadcast_in_dim3A_351 : vector<1x256xf32> to vector<784x256xf32>
    %eq3A_353 = arith.cmpf oeq, %select_n3A_348, %eq3A_352 : vector<784x256xf32>
    %jit3A_354 = arith.constant 1073741824 : i32
    %broadcast_in_dim3A_355 = vector.broadcast %jit3A_354 : i32 to vector<784x256xi32>
    %select_n3A_356 = arith.select %eq3A_353, %iota3A, %broadcast_in_dim3A_355 : vector<784x256xi1>, vector<784x256xi32>
    %reduce_min3A_357 = arith.constant dense<2147483647> : vector<256xi32>
    %reduce_min3A_358 = vector.multi_reduction <minsi>, %select_n3A_356, %reduce_min3A_357 [0] : vector<784x256xi32> to vector<256xi32>
    %broadcast_in_dim3A_359 = vector.shape_cast %reduce_min3A_358 : vector<256xi32> to vector<1x256xi32>
    %eq3A_360 = arith.constant 14 : i32
    %eq3A_361 = vector.broadcast %eq3A_360 : i32 to vector<16x256xi32>
    %eq3A_362 = arith.cmpi eq, %iota3A_2, %eq3A_361 : vector<16x256xi32>
    %jit3A_363 = arith.constant 0 : i32
    %broadcast_in_dim3A_364 = vector.shape_cast %broadcast_in_dim3A_359 : vector<1x256xi32> to vector<1x256xi32>
    %broadcast_in_dim3A_365 = vector.broadcast %broadcast_in_dim3A_364 : vector<1x256xi32> to vector<16x256xi32>
    %broadcast_in_dim3A_366 = vector.broadcast %jit3A_363 : i32 to vector<16x256xi32>
    %select_n3A_367 = arith.select %eq3A_362, %broadcast_in_dim3A_365, %broadcast_in_dim3A_366 : vector<16x256xi1>, vector<16x256xi32>
    %add3A_368 = arith.addi %add3A_343, %select_n3A_367 : vector<16x256xi32>
    %eq3A_369 = vector.broadcast %broadcast_in_dim3A_359 : vector<1x256xi32> to vector<784x256xi32>
    %eq3A_370 = arith.cmpi eq, %iota3A, %eq3A_369 : vector<784x256xi32>
    %jit3A_371 = arith.constant 3.000000e+38 : f32
    %broadcast_in_dim3A_372 = vector.broadcast %jit3A_371 : f32 to vector<784x256xf32>
    %select_n3A_373 = arith.select %eq3A_370, %broadcast_in_dim3A_372, %select_n3A_348 : vector<784x256xi1>, vector<784x256xf32>
    %reduce_min3A_374 = arith.constant dense<0x7F800000> : vector<256xf32>
    %reduce_min3A_375 = vector.multi_reduction <minimumf>, %select_n3A_373, %reduce_min3A_374 [0] : vector<784x256xf32> to vector<256xf32>
    %broadcast_in_dim3A_376 = vector.shape_cast %reduce_min3A_375 : vector<256xf32> to vector<1x256xf32>
    %eq3A_377 = vector.broadcast %broadcast_in_dim3A_376 : vector<1x256xf32> to vector<784x256xf32>
    %eq3A_378 = arith.cmpf oeq, %select_n3A_373, %eq3A_377 : vector<784x256xf32>
    %jit3A_379 = arith.constant 1073741824 : i32
    %broadcast_in_dim3A_380 = vector.broadcast %jit3A_379 : i32 to vector<784x256xi32>
    %select_n3A_381 = arith.select %eq3A_378, %iota3A, %broadcast_in_dim3A_380 : vector<784x256xi1>, vector<784x256xi32>
    %reduce_min3A_382 = arith.constant dense<2147483647> : vector<256xi32>
    %reduce_min3A_383 = vector.multi_reduction <minsi>, %select_n3A_381, %reduce_min3A_382 [0] : vector<784x256xi32> to vector<256xi32>
    %broadcast_in_dim3A_384 = vector.shape_cast %reduce_min3A_383 : vector<256xi32> to vector<1x256xi32>
    %eq3A_385 = arith.constant 15 : i32
    %eq3A_386 = vector.broadcast %eq3A_385 : i32 to vector<16x256xi32>
    %eq3A_387 = arith.cmpi eq, %iota3A_2, %eq3A_386 : vector<16x256xi32>
    %jit3A_388 = arith.constant 0 : i32
    %broadcast_in_dim3A_389 = vector.shape_cast %broadcast_in_dim3A_384 : vector<1x256xi32> to vector<1x256xi32>
    %broadcast_in_dim3A_390 = vector.broadcast %broadcast_in_dim3A_389 : vector<1x256xi32> to vector<16x256xi32>
    %broadcast_in_dim3A_391 = vector.broadcast %jit3A_388 : i32 to vector<16x256xi32>
    %select_n3A_392 = arith.select %eq3A_387, %broadcast_in_dim3A_390, %broadcast_in_dim3A_391 : vector<16x256xi1>, vector<16x256xi32>
    %add3A_393 = arith.addi %add3A_368, %select_n3A_392 : vector<16x256xi32>
    %broadcast_in_dim3A_394 = arith.constant 0 : i32
    %broadcast_in_dim3A_395 = vector.broadcast %broadcast_in_dim3A_394 : i32 to vector<16x256xi32>
    %reduce_min3A_396 = arith.constant dense<2147483647> : vector<256xi32>
    %reduce_min3A_397 = vector.multi_reduction <minsi>, %add3A_393, %reduce_min3A_396 [0] : vector<16x256xi32> to vector<256xi32>
    %broadcast_in_dim3A_398 = vector.shape_cast %reduce_min3A_397 : vector<256xi32> to vector<1x256xi32>
    %eq3A_399 = arith.constant 0 : i32
    %eq3A_400 = vector.broadcast %eq3A_399 : i32 to vector<16x256xi32>
    %eq3A_401 = arith.cmpi eq, %iota3A_2, %eq3A_400 : vector<16x256xi32>
    %jit3A_402 = arith.constant 0 : i32
    %broadcast_in_dim3A_403 = vector.shape_cast %broadcast_in_dim3A_398 : vector<1x256xi32> to vector<1x256xi32>
    %broadcast_in_dim3A_404 = vector.broadcast %broadcast_in_dim3A_403 : vector<1x256xi32> to vector<16x256xi32>
    %broadcast_in_dim3A_405 = vector.broadcast %jit3A_402 : i32 to vector<16x256xi32>
    %select_n3A_406 = arith.select %eq3A_401, %broadcast_in_dim3A_404, %broadcast_in_dim3A_405 : vector<16x256xi1>, vector<16x256xi32>
    %add3A_407 = arith.addi %broadcast_in_dim3A_395, %select_n3A_406 : vector<16x256xi32>
    %eq3A_408 = vector.broadcast %broadcast_in_dim3A_398 : vector<1x256xi32> to vector<16x256xi32>
    %eq3A_409 = arith.cmpi eq, %add3A_393, %eq3A_408 : vector<16x256xi32>
    %jit3A_410 = arith.constant 1073741824 : i32
    %broadcast_in_dim3A_411 = vector.broadcast %jit3A_410 : i32 to vector<16x256xi32>
    %select_n3A_412 = arith.select %eq3A_409, %broadcast_in_dim3A_411, %add3A_393 : vector<16x256xi1>, vector<16x256xi32>
    %reduce_min3A_413 = arith.constant dense<2147483647> : vector<256xi32>
    %reduce_min3A_414 = vector.multi_reduction <minsi>, %select_n3A_412, %reduce_min3A_413 [0] : vector<16x256xi32> to vector<256xi32>
    %broadcast_in_dim3A_415 = vector.shape_cast %reduce_min3A_414 : vector<256xi32> to vector<1x256xi32>
    %eq3A_416 = arith.constant 1 : i32
    %eq3A_417 = vector.broadcast %eq3A_416 : i32 to vector<16x256xi32>
    %eq3A_418 = arith.cmpi eq, %iota3A_2, %eq3A_417 : vector<16x256xi32>
    %jit3A_419 = arith.constant 0 : i32
    %broadcast_in_dim3A_420 = vector.shape_cast %broadcast_in_dim3A_415 : vector<1x256xi32> to vector<1x256xi32>
    %broadcast_in_dim3A_421 = vector.broadcast %broadcast_in_dim3A_420 : vector<1x256xi32> to vector<16x256xi32>
    %broadcast_in_dim3A_422 = vector.broadcast %jit3A_419 : i32 to vector<16x256xi32>
    %select_n3A_423 = arith.select %eq3A_418, %broadcast_in_dim3A_421, %broadcast_in_dim3A_422 : vector<16x256xi1>, vector<16x256xi32>
    %add3A_424 = arith.addi %add3A_407, %select_n3A_423 : vector<16x256xi32>
    %eq3A_425 = vector.broadcast %broadcast_in_dim3A_415 : vector<1x256xi32> to vector<16x256xi32>
    %eq3A_426 = arith.cmpi eq, %select_n3A_412, %eq3A_425 : vector<16x256xi32>
    %jit3A_427 = arith.constant 1073741824 : i32
    %broadcast_in_dim3A_428 = vector.broadcast %jit3A_427 : i32 to vector<16x256xi32>
    %select_n3A_429 = arith.select %eq3A_426, %broadcast_in_dim3A_428, %select_n3A_412 : vector<16x256xi1>, vector<16x256xi32>
    %reduce_min3A_430 = arith.constant dense<2147483647> : vector<256xi32>
    %reduce_min3A_431 = vector.multi_reduction <minsi>, %select_n3A_429, %reduce_min3A_430 [0] : vector<16x256xi32> to vector<256xi32>
    %broadcast_in_dim3A_432 = vector.shape_cast %reduce_min3A_431 : vector<256xi32> to vector<1x256xi32>
    %eq3A_433 = arith.constant 2 : i32
    %eq3A_434 = vector.broadcast %eq3A_433 : i32 to vector<16x256xi32>
    %eq3A_435 = arith.cmpi eq, %iota3A_2, %eq3A_434 : vector<16x256xi32>
    %jit3A_436 = arith.constant 0 : i32
    %broadcast_in_dim3A_437 = vector.shape_cast %broadcast_in_dim3A_432 : vector<1x256xi32> to vector<1x256xi32>
    %broadcast_in_dim3A_438 = vector.broadcast %broadcast_in_dim3A_437 : vector<1x256xi32> to vector<16x256xi32>
    %broadcast_in_dim3A_439 = vector.broadcast %jit3A_436 : i32 to vector<16x256xi32>
    %select_n3A_440 = arith.select %eq3A_435, %broadcast_in_dim3A_438, %broadcast_in_dim3A_439 : vector<16x256xi1>, vector<16x256xi32>
    %add3A_441 = arith.addi %add3A_424, %select_n3A_440 : vector<16x256xi32>
    %eq3A_442 = vector.broadcast %broadcast_in_dim3A_432 : vector<1x256xi32> to vector<16x256xi32>
    %eq3A_443 = arith.cmpi eq, %select_n3A_429, %eq3A_442 : vector<16x256xi32>
    %jit3A_444 = arith.constant 1073741824 : i32
    %broadcast_in_dim3A_445 = vector.broadcast %jit3A_444 : i32 to vector<16x256xi32>
    %select_n3A_446 = arith.select %eq3A_443, %broadcast_in_dim3A_445, %select_n3A_429 : vector<16x256xi1>, vector<16x256xi32>
    %reduce_min3A_447 = arith.constant dense<2147483647> : vector<256xi32>
    %reduce_min3A_448 = vector.multi_reduction <minsi>, %select_n3A_446, %reduce_min3A_447 [0] : vector<16x256xi32> to vector<256xi32>
    %broadcast_in_dim3A_449 = vector.shape_cast %reduce_min3A_448 : vector<256xi32> to vector<1x256xi32>
    %eq3A_450 = arith.constant 3 : i32
    %eq3A_451 = vector.broadcast %eq3A_450 : i32 to vector<16x256xi32>
    %eq3A_452 = arith.cmpi eq, %iota3A_2, %eq3A_451 : vector<16x256xi32>
    %jit3A_453 = arith.constant 0 : i32
    %broadcast_in_dim3A_454 = vector.shape_cast %broadcast_in_dim3A_449 : vector<1x256xi32> to vector<1x256xi32>
    %broadcast_in_dim3A_455 = vector.broadcast %broadcast_in_dim3A_454 : vector<1x256xi32> to vector<16x256xi32>
    %broadcast_in_dim3A_456 = vector.broadcast %jit3A_453 : i32 to vector<16x256xi32>
    %select_n3A_457 = arith.select %eq3A_452, %broadcast_in_dim3A_455, %broadcast_in_dim3A_456 : vector<16x256xi1>, vector<16x256xi32>
    %add3A_458 = arith.addi %add3A_441, %select_n3A_457 : vector<16x256xi32>
    %eq3A_459 = vector.broadcast %broadcast_in_dim3A_449 : vector<1x256xi32> to vector<16x256xi32>
    %eq3A_460 = arith.cmpi eq, %select_n3A_446, %eq3A_459 : vector<16x256xi32>
    %jit3A_461 = arith.constant 1073741824 : i32
    %broadcast_in_dim3A_462 = vector.broadcast %jit3A_461 : i32 to vector<16x256xi32>
    %select_n3A_463 = arith.select %eq3A_460, %broadcast_in_dim3A_462, %select_n3A_446 : vector<16x256xi1>, vector<16x256xi32>
    %reduce_min3A_464 = arith.constant dense<2147483647> : vector<256xi32>
    %reduce_min3A_465 = vector.multi_reduction <minsi>, %select_n3A_463, %reduce_min3A_464 [0] : vector<16x256xi32> to vector<256xi32>
    %broadcast_in_dim3A_466 = vector.shape_cast %reduce_min3A_465 : vector<256xi32> to vector<1x256xi32>
    %eq3A_467 = arith.constant 4 : i32
    %eq3A_468 = vector.broadcast %eq3A_467 : i32 to vector<16x256xi32>
    %eq3A_469 = arith.cmpi eq, %iota3A_2, %eq3A_468 : vector<16x256xi32>
    %jit3A_470 = arith.constant 0 : i32
    %broadcast_in_dim3A_471 = vector.shape_cast %broadcast_in_dim3A_466 : vector<1x256xi32> to vector<1x256xi32>
    %broadcast_in_dim3A_472 = vector.broadcast %broadcast_in_dim3A_471 : vector<1x256xi32> to vector<16x256xi32>
    %broadcast_in_dim3A_473 = vector.broadcast %jit3A_470 : i32 to vector<16x256xi32>
    %select_n3A_474 = arith.select %eq3A_469, %broadcast_in_dim3A_472, %broadcast_in_dim3A_473 : vector<16x256xi1>, vector<16x256xi32>
    %add3A_475 = arith.addi %add3A_458, %select_n3A_474 : vector<16x256xi32>
    %eq3A_476 = vector.broadcast %broadcast_in_dim3A_466 : vector<1x256xi32> to vector<16x256xi32>
    %eq3A_477 = arith.cmpi eq, %select_n3A_463, %eq3A_476 : vector<16x256xi32>
    %jit3A_478 = arith.constant 1073741824 : i32
    %broadcast_in_dim3A_479 = vector.broadcast %jit3A_478 : i32 to vector<16x256xi32>
    %select_n3A_480 = arith.select %eq3A_477, %broadcast_in_dim3A_479, %select_n3A_463 : vector<16x256xi1>, vector<16x256xi32>
    %reduce_min3A_481 = arith.constant dense<2147483647> : vector<256xi32>
    %reduce_min3A_482 = vector.multi_reduction <minsi>, %select_n3A_480, %reduce_min3A_481 [0] : vector<16x256xi32> to vector<256xi32>
    %broadcast_in_dim3A_483 = vector.shape_cast %reduce_min3A_482 : vector<256xi32> to vector<1x256xi32>
    %eq3A_484 = arith.constant 5 : i32
    %eq3A_485 = vector.broadcast %eq3A_484 : i32 to vector<16x256xi32>
    %eq3A_486 = arith.cmpi eq, %iota3A_2, %eq3A_485 : vector<16x256xi32>
    %jit3A_487 = arith.constant 0 : i32
    %broadcast_in_dim3A_488 = vector.shape_cast %broadcast_in_dim3A_483 : vector<1x256xi32> to vector<1x256xi32>
    %broadcast_in_dim3A_489 = vector.broadcast %broadcast_in_dim3A_488 : vector<1x256xi32> to vector<16x256xi32>
    %broadcast_in_dim3A_490 = vector.broadcast %jit3A_487 : i32 to vector<16x256xi32>
    %select_n3A_491 = arith.select %eq3A_486, %broadcast_in_dim3A_489, %broadcast_in_dim3A_490 : vector<16x256xi1>, vector<16x256xi32>
    %add3A_492 = arith.addi %add3A_475, %select_n3A_491 : vector<16x256xi32>
    %eq3A_493 = vector.broadcast %broadcast_in_dim3A_483 : vector<1x256xi32> to vector<16x256xi32>
    %eq3A_494 = arith.cmpi eq, %select_n3A_480, %eq3A_493 : vector<16x256xi32>
    %jit3A_495 = arith.constant 1073741824 : i32
    %broadcast_in_dim3A_496 = vector.broadcast %jit3A_495 : i32 to vector<16x256xi32>
    %select_n3A_497 = arith.select %eq3A_494, %broadcast_in_dim3A_496, %select_n3A_480 : vector<16x256xi1>, vector<16x256xi32>
    %reduce_min3A_498 = arith.constant dense<2147483647> : vector<256xi32>
    %reduce_min3A_499 = vector.multi_reduction <minsi>, %select_n3A_497, %reduce_min3A_498 [0] : vector<16x256xi32> to vector<256xi32>
    %broadcast_in_dim3A_500 = vector.shape_cast %reduce_min3A_499 : vector<256xi32> to vector<1x256xi32>
    %eq3A_501 = arith.constant 6 : i32
    %eq3A_502 = vector.broadcast %eq3A_501 : i32 to vector<16x256xi32>
    %eq3A_503 = arith.cmpi eq, %iota3A_2, %eq3A_502 : vector<16x256xi32>
    %jit3A_504 = arith.constant 0 : i32
    %broadcast_in_dim3A_505 = vector.shape_cast %broadcast_in_dim3A_500 : vector<1x256xi32> to vector<1x256xi32>
    %broadcast_in_dim3A_506 = vector.broadcast %broadcast_in_dim3A_505 : vector<1x256xi32> to vector<16x256xi32>
    %broadcast_in_dim3A_507 = vector.broadcast %jit3A_504 : i32 to vector<16x256xi32>
    %select_n3A_508 = arith.select %eq3A_503, %broadcast_in_dim3A_506, %broadcast_in_dim3A_507 : vector<16x256xi1>, vector<16x256xi32>
    %add3A_509 = arith.addi %add3A_492, %select_n3A_508 : vector<16x256xi32>
    %eq3A_510 = vector.broadcast %broadcast_in_dim3A_500 : vector<1x256xi32> to vector<16x256xi32>
    %eq3A_511 = arith.cmpi eq, %select_n3A_497, %eq3A_510 : vector<16x256xi32>
    %jit3A_512 = arith.constant 1073741824 : i32
    %broadcast_in_dim3A_513 = vector.broadcast %jit3A_512 : i32 to vector<16x256xi32>
    %select_n3A_514 = arith.select %eq3A_511, %broadcast_in_dim3A_513, %select_n3A_497 : vector<16x256xi1>, vector<16x256xi32>
    %reduce_min3A_515 = arith.constant dense<2147483647> : vector<256xi32>
    %reduce_min3A_516 = vector.multi_reduction <minsi>, %select_n3A_514, %reduce_min3A_515 [0] : vector<16x256xi32> to vector<256xi32>
    %broadcast_in_dim3A_517 = vector.shape_cast %reduce_min3A_516 : vector<256xi32> to vector<1x256xi32>
    %eq3A_518 = arith.constant 7 : i32
    %eq3A_519 = vector.broadcast %eq3A_518 : i32 to vector<16x256xi32>
    %eq3A_520 = arith.cmpi eq, %iota3A_2, %eq3A_519 : vector<16x256xi32>
    %jit3A_521 = arith.constant 0 : i32
    %broadcast_in_dim3A_522 = vector.shape_cast %broadcast_in_dim3A_517 : vector<1x256xi32> to vector<1x256xi32>
    %broadcast_in_dim3A_523 = vector.broadcast %broadcast_in_dim3A_522 : vector<1x256xi32> to vector<16x256xi32>
    %broadcast_in_dim3A_524 = vector.broadcast %jit3A_521 : i32 to vector<16x256xi32>
    %select_n3A_525 = arith.select %eq3A_520, %broadcast_in_dim3A_523, %broadcast_in_dim3A_524 : vector<16x256xi1>, vector<16x256xi32>
    %add3A_526 = arith.addi %add3A_509, %select_n3A_525 : vector<16x256xi32>
    %eq3A_527 = vector.broadcast %broadcast_in_dim3A_517 : vector<1x256xi32> to vector<16x256xi32>
    %eq3A_528 = arith.cmpi eq, %select_n3A_514, %eq3A_527 : vector<16x256xi32>
    %jit3A_529 = arith.constant 1073741824 : i32
    %broadcast_in_dim3A_530 = vector.broadcast %jit3A_529 : i32 to vector<16x256xi32>
    %select_n3A_531 = arith.select %eq3A_528, %broadcast_in_dim3A_530, %select_n3A_514 : vector<16x256xi1>, vector<16x256xi32>
    %reduce_min3A_532 = arith.constant dense<2147483647> : vector<256xi32>
    %reduce_min3A_533 = vector.multi_reduction <minsi>, %select_n3A_531, %reduce_min3A_532 [0] : vector<16x256xi32> to vector<256xi32>
    %broadcast_in_dim3A_534 = vector.shape_cast %reduce_min3A_533 : vector<256xi32> to vector<1x256xi32>
    %eq3A_535 = arith.constant 8 : i32
    %eq3A_536 = vector.broadcast %eq3A_535 : i32 to vector<16x256xi32>
    %eq3A_537 = arith.cmpi eq, %iota3A_2, %eq3A_536 : vector<16x256xi32>
    %jit3A_538 = arith.constant 0 : i32
    %broadcast_in_dim3A_539 = vector.shape_cast %broadcast_in_dim3A_534 : vector<1x256xi32> to vector<1x256xi32>
    %broadcast_in_dim3A_540 = vector.broadcast %broadcast_in_dim3A_539 : vector<1x256xi32> to vector<16x256xi32>
    %broadcast_in_dim3A_541 = vector.broadcast %jit3A_538 : i32 to vector<16x256xi32>
    %select_n3A_542 = arith.select %eq3A_537, %broadcast_in_dim3A_540, %broadcast_in_dim3A_541 : vector<16x256xi1>, vector<16x256xi32>
    %add3A_543 = arith.addi %add3A_526, %select_n3A_542 : vector<16x256xi32>
    %eq3A_544 = vector.broadcast %broadcast_in_dim3A_534 : vector<1x256xi32> to vector<16x256xi32>
    %eq3A_545 = arith.cmpi eq, %select_n3A_531, %eq3A_544 : vector<16x256xi32>
    %jit3A_546 = arith.constant 1073741824 : i32
    %broadcast_in_dim3A_547 = vector.broadcast %jit3A_546 : i32 to vector<16x256xi32>
    %select_n3A_548 = arith.select %eq3A_545, %broadcast_in_dim3A_547, %select_n3A_531 : vector<16x256xi1>, vector<16x256xi32>
    %reduce_min3A_549 = arith.constant dense<2147483647> : vector<256xi32>
    %reduce_min3A_550 = vector.multi_reduction <minsi>, %select_n3A_548, %reduce_min3A_549 [0] : vector<16x256xi32> to vector<256xi32>
    %broadcast_in_dim3A_551 = vector.shape_cast %reduce_min3A_550 : vector<256xi32> to vector<1x256xi32>
    %eq3A_552 = arith.constant 9 : i32
    %eq3A_553 = vector.broadcast %eq3A_552 : i32 to vector<16x256xi32>
    %eq3A_554 = arith.cmpi eq, %iota3A_2, %eq3A_553 : vector<16x256xi32>
    %jit3A_555 = arith.constant 0 : i32
    %broadcast_in_dim3A_556 = vector.shape_cast %broadcast_in_dim3A_551 : vector<1x256xi32> to vector<1x256xi32>
    %broadcast_in_dim3A_557 = vector.broadcast %broadcast_in_dim3A_556 : vector<1x256xi32> to vector<16x256xi32>
    %broadcast_in_dim3A_558 = vector.broadcast %jit3A_555 : i32 to vector<16x256xi32>
    %select_n3A_559 = arith.select %eq3A_554, %broadcast_in_dim3A_557, %broadcast_in_dim3A_558 : vector<16x256xi1>, vector<16x256xi32>
    %add3A_560 = arith.addi %add3A_543, %select_n3A_559 : vector<16x256xi32>
    %eq3A_561 = vector.broadcast %broadcast_in_dim3A_551 : vector<1x256xi32> to vector<16x256xi32>
    %eq3A_562 = arith.cmpi eq, %select_n3A_548, %eq3A_561 : vector<16x256xi32>
    %jit3A_563 = arith.constant 1073741824 : i32
    %broadcast_in_dim3A_564 = vector.broadcast %jit3A_563 : i32 to vector<16x256xi32>
    %select_n3A_565 = arith.select %eq3A_562, %broadcast_in_dim3A_564, %select_n3A_548 : vector<16x256xi1>, vector<16x256xi32>
    %reduce_min3A_566 = arith.constant dense<2147483647> : vector<256xi32>
    %reduce_min3A_567 = vector.multi_reduction <minsi>, %select_n3A_565, %reduce_min3A_566 [0] : vector<16x256xi32> to vector<256xi32>
    %broadcast_in_dim3A_568 = vector.shape_cast %reduce_min3A_567 : vector<256xi32> to vector<1x256xi32>
    %eq3A_569 = arith.constant 10 : i32
    %eq3A_570 = vector.broadcast %eq3A_569 : i32 to vector<16x256xi32>
    %eq3A_571 = arith.cmpi eq, %iota3A_2, %eq3A_570 : vector<16x256xi32>
    %jit3A_572 = arith.constant 0 : i32
    %broadcast_in_dim3A_573 = vector.shape_cast %broadcast_in_dim3A_568 : vector<1x256xi32> to vector<1x256xi32>
    %broadcast_in_dim3A_574 = vector.broadcast %broadcast_in_dim3A_573 : vector<1x256xi32> to vector<16x256xi32>
    %broadcast_in_dim3A_575 = vector.broadcast %jit3A_572 : i32 to vector<16x256xi32>
    %select_n3A_576 = arith.select %eq3A_571, %broadcast_in_dim3A_574, %broadcast_in_dim3A_575 : vector<16x256xi1>, vector<16x256xi32>
    %add3A_577 = arith.addi %add3A_560, %select_n3A_576 : vector<16x256xi32>
    %eq3A_578 = vector.broadcast %broadcast_in_dim3A_568 : vector<1x256xi32> to vector<16x256xi32>
    %eq3A_579 = arith.cmpi eq, %select_n3A_565, %eq3A_578 : vector<16x256xi32>
    %jit3A_580 = arith.constant 1073741824 : i32
    %broadcast_in_dim3A_581 = vector.broadcast %jit3A_580 : i32 to vector<16x256xi32>
    %select_n3A_582 = arith.select %eq3A_579, %broadcast_in_dim3A_581, %select_n3A_565 : vector<16x256xi1>, vector<16x256xi32>
    %reduce_min3A_583 = arith.constant dense<2147483647> : vector<256xi32>
    %reduce_min3A_584 = vector.multi_reduction <minsi>, %select_n3A_582, %reduce_min3A_583 [0] : vector<16x256xi32> to vector<256xi32>
    %broadcast_in_dim3A_585 = vector.shape_cast %reduce_min3A_584 : vector<256xi32> to vector<1x256xi32>
    %eq3A_586 = arith.constant 11 : i32
    %eq3A_587 = vector.broadcast %eq3A_586 : i32 to vector<16x256xi32>
    %eq3A_588 = arith.cmpi eq, %iota3A_2, %eq3A_587 : vector<16x256xi32>
    %jit3A_589 = arith.constant 0 : i32
    %broadcast_in_dim3A_590 = vector.shape_cast %broadcast_in_dim3A_585 : vector<1x256xi32> to vector<1x256xi32>
    %broadcast_in_dim3A_591 = vector.broadcast %broadcast_in_dim3A_590 : vector<1x256xi32> to vector<16x256xi32>
    %broadcast_in_dim3A_592 = vector.broadcast %jit3A_589 : i32 to vector<16x256xi32>
    %select_n3A_593 = arith.select %eq3A_588, %broadcast_in_dim3A_591, %broadcast_in_dim3A_592 : vector<16x256xi1>, vector<16x256xi32>
    %add3A_594 = arith.addi %add3A_577, %select_n3A_593 : vector<16x256xi32>
    %eq3A_595 = vector.broadcast %broadcast_in_dim3A_585 : vector<1x256xi32> to vector<16x256xi32>
    %eq3A_596 = arith.cmpi eq, %select_n3A_582, %eq3A_595 : vector<16x256xi32>
    %jit3A_597 = arith.constant 1073741824 : i32
    %broadcast_in_dim3A_598 = vector.broadcast %jit3A_597 : i32 to vector<16x256xi32>
    %select_n3A_599 = arith.select %eq3A_596, %broadcast_in_dim3A_598, %select_n3A_582 : vector<16x256xi1>, vector<16x256xi32>
    %reduce_min3A_600 = arith.constant dense<2147483647> : vector<256xi32>
    %reduce_min3A_601 = vector.multi_reduction <minsi>, %select_n3A_599, %reduce_min3A_600 [0] : vector<16x256xi32> to vector<256xi32>
    %broadcast_in_dim3A_602 = vector.shape_cast %reduce_min3A_601 : vector<256xi32> to vector<1x256xi32>
    %eq3A_603 = arith.constant 12 : i32
    %eq3A_604 = vector.broadcast %eq3A_603 : i32 to vector<16x256xi32>
    %eq3A_605 = arith.cmpi eq, %iota3A_2, %eq3A_604 : vector<16x256xi32>
    %jit3A_606 = arith.constant 0 : i32
    %broadcast_in_dim3A_607 = vector.shape_cast %broadcast_in_dim3A_602 : vector<1x256xi32> to vector<1x256xi32>
    %broadcast_in_dim3A_608 = vector.broadcast %broadcast_in_dim3A_607 : vector<1x256xi32> to vector<16x256xi32>
    %broadcast_in_dim3A_609 = vector.broadcast %jit3A_606 : i32 to vector<16x256xi32>
    %select_n3A_610 = arith.select %eq3A_605, %broadcast_in_dim3A_608, %broadcast_in_dim3A_609 : vector<16x256xi1>, vector<16x256xi32>
    %add3A_611 = arith.addi %add3A_594, %select_n3A_610 : vector<16x256xi32>
    %eq3A_612 = vector.broadcast %broadcast_in_dim3A_602 : vector<1x256xi32> to vector<16x256xi32>
    %eq3A_613 = arith.cmpi eq, %select_n3A_599, %eq3A_612 : vector<16x256xi32>
    %jit3A_614 = arith.constant 1073741824 : i32
    %broadcast_in_dim3A_615 = vector.broadcast %jit3A_614 : i32 to vector<16x256xi32>
    %select_n3A_616 = arith.select %eq3A_613, %broadcast_in_dim3A_615, %select_n3A_599 : vector<16x256xi1>, vector<16x256xi32>
    %reduce_min3A_617 = arith.constant dense<2147483647> : vector<256xi32>
    %reduce_min3A_618 = vector.multi_reduction <minsi>, %select_n3A_616, %reduce_min3A_617 [0] : vector<16x256xi32> to vector<256xi32>
    %broadcast_in_dim3A_619 = vector.shape_cast %reduce_min3A_618 : vector<256xi32> to vector<1x256xi32>
    %eq3A_620 = arith.constant 13 : i32
    %eq3A_621 = vector.broadcast %eq3A_620 : i32 to vector<16x256xi32>
    %eq3A_622 = arith.cmpi eq, %iota3A_2, %eq3A_621 : vector<16x256xi32>
    %jit3A_623 = arith.constant 0 : i32
    %broadcast_in_dim3A_624 = vector.shape_cast %broadcast_in_dim3A_619 : vector<1x256xi32> to vector<1x256xi32>
    %broadcast_in_dim3A_625 = vector.broadcast %broadcast_in_dim3A_624 : vector<1x256xi32> to vector<16x256xi32>
    %broadcast_in_dim3A_626 = vector.broadcast %jit3A_623 : i32 to vector<16x256xi32>
    %select_n3A_627 = arith.select %eq3A_622, %broadcast_in_dim3A_625, %broadcast_in_dim3A_626 : vector<16x256xi1>, vector<16x256xi32>
    %add3A_628 = arith.addi %add3A_611, %select_n3A_627 : vector<16x256xi32>
    %eq3A_629 = vector.broadcast %broadcast_in_dim3A_619 : vector<1x256xi32> to vector<16x256xi32>
    %eq3A_630 = arith.cmpi eq, %select_n3A_616, %eq3A_629 : vector<16x256xi32>
    %jit3A_631 = arith.constant 1073741824 : i32
    %broadcast_in_dim3A_632 = vector.broadcast %jit3A_631 : i32 to vector<16x256xi32>
    %select_n3A_633 = arith.select %eq3A_630, %broadcast_in_dim3A_632, %select_n3A_616 : vector<16x256xi1>, vector<16x256xi32>
    %reduce_min3A_634 = arith.constant dense<2147483647> : vector<256xi32>
    %reduce_min3A_635 = vector.multi_reduction <minsi>, %select_n3A_633, %reduce_min3A_634 [0] : vector<16x256xi32> to vector<256xi32>
    %broadcast_in_dim3A_636 = vector.shape_cast %reduce_min3A_635 : vector<256xi32> to vector<1x256xi32>
    %eq3A_637 = arith.constant 14 : i32
    %eq3A_638 = vector.broadcast %eq3A_637 : i32 to vector<16x256xi32>
    %eq3A_639 = arith.cmpi eq, %iota3A_2, %eq3A_638 : vector<16x256xi32>
    %jit3A_640 = arith.constant 0 : i32
    %broadcast_in_dim3A_641 = vector.shape_cast %broadcast_in_dim3A_636 : vector<1x256xi32> to vector<1x256xi32>
    %broadcast_in_dim3A_642 = vector.broadcast %broadcast_in_dim3A_641 : vector<1x256xi32> to vector<16x256xi32>
    %broadcast_in_dim3A_643 = vector.broadcast %jit3A_640 : i32 to vector<16x256xi32>
    %select_n3A_644 = arith.select %eq3A_639, %broadcast_in_dim3A_642, %broadcast_in_dim3A_643 : vector<16x256xi1>, vector<16x256xi32>
    %add3A_645 = arith.addi %add3A_628, %select_n3A_644 : vector<16x256xi32>
    %eq3A_646 = vector.broadcast %broadcast_in_dim3A_636 : vector<1x256xi32> to vector<16x256xi32>
    %eq3A_647 = arith.cmpi eq, %select_n3A_633, %eq3A_646 : vector<16x256xi32>
    %jit3A_648 = arith.constant 1073741824 : i32
    %broadcast_in_dim3A_649 = vector.broadcast %jit3A_648 : i32 to vector<16x256xi32>
    %select_n3A_650 = arith.select %eq3A_647, %broadcast_in_dim3A_649, %select_n3A_633 : vector<16x256xi1>, vector<16x256xi32>
    %reduce_min3A_651 = arith.constant dense<2147483647> : vector<256xi32>
    %reduce_min3A_652 = vector.multi_reduction <minsi>, %select_n3A_650, %reduce_min3A_651 [0] : vector<16x256xi32> to vector<256xi32>
    %broadcast_in_dim3A_653 = vector.shape_cast %reduce_min3A_652 : vector<256xi32> to vector<1x256xi32>
    %eq3A_654 = arith.constant 15 : i32
    %eq3A_655 = vector.broadcast %eq3A_654 : i32 to vector<16x256xi32>
    %eq3A_656 = arith.cmpi eq, %iota3A_2, %eq3A_655 : vector<16x256xi32>
    %jit3A_657 = arith.constant 0 : i32
    %broadcast_in_dim3A_658 = vector.shape_cast %broadcast_in_dim3A_653 : vector<1x256xi32> to vector<1x256xi32>
    %broadcast_in_dim3A_659 = vector.broadcast %broadcast_in_dim3A_658 : vector<1x256xi32> to vector<16x256xi32>
    %broadcast_in_dim3A_660 = vector.broadcast %jit3A_657 : i32 to vector<16x256xi32>
    %select_n3A_661 = arith.select %eq3A_656, %broadcast_in_dim3A_659, %broadcast_in_dim3A_660 : vector<16x256xi1>, vector<16x256xi32>
    %add3A_662 = arith.addi %add3A_645, %select_n3A_661 : vector<16x256xi32>
    %iota3A_663 = tpu.iota {dimensions = array<i32: 1>} : vector<16x256xi32>
    %mul3A = arith.constant 256 : i32
    %mul3A_664 = arith.muli %arg0, %mul3A : i32
    %add3A_665 = vector.broadcast %mul3A_664 : i32 to vector<16x256xi32>
    %add3A_666 = arith.addi %iota3A_663, %add3A_665 : vector<16x256xi32>
    %swap3A = arith.constant 0 : index
    %swap3A_667 = arith.constant 0 : index
    %swap3A_668 = vector.load %arg2[%swap3A, %swap3A_667] : memref<16x256xi32, #tpu.memory_space<vmem>>, vector<16x256xi32>
    tpu.vector_store %arg2[%swap3A, %swap3A_667], %add3A_662 {strides = array<i32>} : memref<16x256xi32, #tpu.memory_space<vmem>>, vector<16x256xi32>,
    %mul3A_669 = arith.constant 784 : i32
    %mul3A_670 = vector.broadcast %mul3A_669 : i32 to vector<16x256xi32>
    %mul3A_671 = arith.muli %add3A_666, %mul3A_670 : vector<16x256xi32>
    %add3A_672 = arith.addi %add3A_662, %mul3A_671 : vector<16x256xi32>
    %swap3A_673 = arith.constant 0 : index
    %swap3A_674 = arith.constant 0 : index
    %swap3A_675 = vector.load %arg3[%swap3A_673, %swap3A_674] : memref<16x256xi32, #tpu.memory_space<vmem>>, vector<16x256xi32>
    tpu.vector_store %arg3[%swap3A_673, %swap3A_674], %add3A_672 {strides = array<i32>} : memref<16x256xi32, #tpu.memory_space<vmem>>, vector<16x256xi32>,
    return
  }
  func.func @transform_0(%arg0: i32) -> (i32, i32) {
    %c0_i32 = arith.constant 0 : i32
    %c0_i32_0 = arith.constant 0 : i32
    return %c0_i32, %arg0 : i32, i32
  }
  func.func @transform_1(%arg0: i32) -> (i32, i32) {
    %c0_i32 = arith.constant 0 : i32
    %c0_i32_0 = arith.constant 0 : i32
    return %c0_i32, %arg0 : i32, i32
  }
  func.func @transform_2(%arg0: i32) -> (i32, i32) {
    %c0_i32 = arith.constant 0 : i32
    %c0_i32_0 = arith.constant 0 : i32
    return %c0_i32, %arg0 : i32, i32
  }
}

module attributes {stable_mosaic.version = 14 : i64} {
  func.func @_vote_body(%arg0: i32, %arg1: memref<256x2048xf32, #tpu.memory_space<vmem>>, %arg2: memref<256x2048xi32, #tpu.memory_space<vmem>>, %arg3: memref<256x128xi32, #tpu.memory_space<vmem>>, %arg4: memref<256x128xf32, #tpu.memory_space<vmem>>) attributes {dimension_semantics = [#tpu.dimension_semantics<arbitrary>], iteration_bounds = array<i64: 4>, scalar_prefetch = 0 : i64, scratch_operands = 0 : i64, tpu.core_type = #tpu.core_type<tc>, window_params = [{transform_indices = @transform_0, window_bounds = array<i64: 256, 2048>}, {transform_indices = @transform_1, window_bounds = array<i64: 256, 2048>}, {transform_indices = @transform_2, window_bounds = array<i64: 256, 128>}, {transform_indices = @transform_3, window_bounds = array<i64: 256, 128>}]} {
    %get3A = arith.constant 0 : index
    %get3A_0 = arith.constant 0 : index
    %get3A_1 = vector.load %arg1[%get3A, %get3A_0] : memref<256x2048xf32, #tpu.memory_space<vmem>>, vector<256x2048xf32>
    %get3A_2 = arith.constant 0 : index
    %get3A_3 = arith.constant 0 : index
    %get3A_4 = vector.load %arg2[%get3A_2, %get3A_3] : memref<256x2048xi32, #tpu.memory_space<vmem>>, vector<256x2048xi32>
    %iota3A = tpu.iota {dimensions = array<i32: 1>} : vector<256x2048xi32>
    %iota3A_5 = tpu.iota {dimensions = array<i32: 1>} : vector<256x128xi32>
    %broadcast_in_dim3A = arith.constant 0.000000e+00 : f32
    %broadcast_in_dim3A_6 = vector.broadcast %broadcast_in_dim3A : f32 to vector<256x128xf32>
    %reduce_min3A = arith.constant dense<0x7F800000> : vector<256xf32>
    %reduce_min3A_7 = vector.multi_reduction <minimumf>, %get3A_1, %reduce_min3A [1] : vector<256x2048xf32> to vector<256xf32>
    %broadcast_in_dim3A_8 = vector.shape_cast %reduce_min3A_7 : vector<256xf32> to vector<256x1xf32>
    %eq3A = vector.broadcast %broadcast_in_dim3A_8 : vector<256x1xf32> to vector<256x2048xf32>
    %eq3A_9 = arith.cmpf oeq, %get3A_1, %eq3A : vector<256x2048xf32>
    %jit3A = arith.constant 1073741824 : i32
    %broadcast_in_dim3A_10 = vector.broadcast %jit3A : i32 to vector<256x2048xi32>
    %select_n3A = arith.select %eq3A_9, %iota3A, %broadcast_in_dim3A_10 : vector<256x2048xi1>, vector<256x2048xi32>
    %reduce_min3A_11 = arith.constant dense<2147483647> : vector<256xi32>
    %reduce_min3A_12 = vector.multi_reduction <minsi>, %select_n3A, %reduce_min3A_11 [1] : vector<256x2048xi32> to vector<256xi32>
    %broadcast_in_dim3A_13 = vector.shape_cast %reduce_min3A_12 : vector<256xi32> to vector<256x1xi32>
    %eq3A_14 = vector.broadcast %broadcast_in_dim3A_13 : vector<256x1xi32> to vector<256x2048xi32>
    %eq3A_15 = arith.cmpi eq, %iota3A, %eq3A_14 : vector<256x2048xi32>
    %jit3A_16 = arith.constant 0 : i32
    %broadcast_in_dim3A_17 = vector.broadcast %jit3A_16 : i32 to vector<256x2048xi32>
    %select_n3A_18 = arith.select %eq3A_15, %get3A_4, %broadcast_in_dim3A_17 : vector<256x2048xi1>, vector<256x2048xi32>
    %reduce_sum3A = arith.constant dense<0> : vector<256xi32>
    %reduce_sum3A_19 = vector.multi_reduction <add>, %select_n3A_18, %reduce_sum3A [1] : vector<256x2048xi32> to vector<256xi32>
    %broadcast_in_dim3A_20 = vector.shape_cast %reduce_sum3A_19 : vector<256xi32> to vector<256x1xi32>
    %eq3A_21 = vector.broadcast %broadcast_in_dim3A_20 : vector<256x1xi32> to vector<256x128xi32>
    %eq3A_22 = arith.cmpi eq, %iota3A_5, %eq3A_21 : vector<256x128xi32>
    %jit3A_23 = arith.constant 1.000000e+00 : f32
    %jit3A_24 = arith.constant 0.000000e+00 : f32
    %broadcast_in_dim3A_25 = vector.broadcast %jit3A_23 : f32 to vector<256x128xf32>
    %broadcast_in_dim3A_26 = vector.broadcast %jit3A_24 : f32 to vector<256x128xf32>
    %select_n3A_27 = arith.select %eq3A_22, %broadcast_in_dim3A_25, %broadcast_in_dim3A_26 : vector<256x128xi1>, vector<256x128xf32>
    %add3A = arith.addf %broadcast_in_dim3A_6, %select_n3A_27 : vector<256x128xf32>
    %jit3A_28 = arith.constant 3.000000e+38 : f32
    %broadcast_in_dim3A_29 = vector.broadcast %jit3A_28 : f32 to vector<256x2048xf32>
    %select_n3A_30 = arith.select %eq3A_15, %broadcast_in_dim3A_29, %get3A_1 : vector<256x2048xi1>, vector<256x2048xf32>
    %reduce_min3A_31 = arith.constant dense<0x7F800000> : vector<256xf32>
    %reduce_min3A_32 = vector.multi_reduction <minimumf>, %select_n3A_30, %reduce_min3A_31 [1] : vector<256x2048xf32> to vector<256xf32>
    %broadcast_in_dim3A_33 = vector.shape_cast %reduce_min3A_32 : vector<256xf32> to vector<256x1xf32>
    %eq3A_34 = vector.broadcast %broadcast_in_dim3A_33 : vector<256x1xf32> to vector<256x2048xf32>
    %eq3A_35 = arith.cmpf oeq, %select_n3A_30, %eq3A_34 : vector<256x2048xf32>
    %jit3A_36 = arith.constant 1073741824 : i32
    %broadcast_in_dim3A_37 = vector.broadcast %jit3A_36 : i32 to vector<256x2048xi32>
    %select_n3A_38 = arith.select %eq3A_35, %iota3A, %broadcast_in_dim3A_37 : vector<256x2048xi1>, vector<256x2048xi32>
    %reduce_min3A_39 = arith.constant dense<2147483647> : vector<256xi32>
    %reduce_min3A_40 = vector.multi_reduction <minsi>, %select_n3A_38, %reduce_min3A_39 [1] : vector<256x2048xi32> to vector<256xi32>
    %broadcast_in_dim3A_41 = vector.shape_cast %reduce_min3A_40 : vector<256xi32> to vector<256x1xi32>
    %eq3A_42 = vector.broadcast %broadcast_in_dim3A_41 : vector<256x1xi32> to vector<256x2048xi32>
    %eq3A_43 = arith.cmpi eq, %iota3A, %eq3A_42 : vector<256x2048xi32>
    %jit3A_44 = arith.constant 0 : i32
    %broadcast_in_dim3A_45 = vector.broadcast %jit3A_44 : i32 to vector<256x2048xi32>
    %select_n3A_46 = arith.select %eq3A_43, %get3A_4, %broadcast_in_dim3A_45 : vector<256x2048xi1>, vector<256x2048xi32>
    %reduce_sum3A_47 = arith.constant dense<0> : vector<256xi32>
    %reduce_sum3A_48 = vector.multi_reduction <add>, %select_n3A_46, %reduce_sum3A_47 [1] : vector<256x2048xi32> to vector<256xi32>
    %broadcast_in_dim3A_49 = vector.shape_cast %reduce_sum3A_48 : vector<256xi32> to vector<256x1xi32>
    %eq3A_50 = vector.broadcast %broadcast_in_dim3A_49 : vector<256x1xi32> to vector<256x128xi32>
    %eq3A_51 = arith.cmpi eq, %iota3A_5, %eq3A_50 : vector<256x128xi32>
    %jit3A_52 = arith.constant 1.000000e+00 : f32
    %jit3A_53 = arith.constant 0.000000e+00 : f32
    %broadcast_in_dim3A_54 = vector.broadcast %jit3A_52 : f32 to vector<256x128xf32>
    %broadcast_in_dim3A_55 = vector.broadcast %jit3A_53 : f32 to vector<256x128xf32>
    %select_n3A_56 = arith.select %eq3A_51, %broadcast_in_dim3A_54, %broadcast_in_dim3A_55 : vector<256x128xi1>, vector<256x128xf32>
    %add3A_57 = arith.addf %add3A, %select_n3A_56 : vector<256x128xf32>
    %jit3A_58 = arith.constant 3.000000e+38 : f32
    %broadcast_in_dim3A_59 = vector.broadcast %jit3A_58 : f32 to vector<256x2048xf32>
    %select_n3A_60 = arith.select %eq3A_43, %broadcast_in_dim3A_59, %select_n3A_30 : vector<256x2048xi1>, vector<256x2048xf32>
    %reduce_min3A_61 = arith.constant dense<0x7F800000> : vector<256xf32>
    %reduce_min3A_62 = vector.multi_reduction <minimumf>, %select_n3A_60, %reduce_min3A_61 [1] : vector<256x2048xf32> to vector<256xf32>
    %broadcast_in_dim3A_63 = vector.shape_cast %reduce_min3A_62 : vector<256xf32> to vector<256x1xf32>
    %eq3A_64 = vector.broadcast %broadcast_in_dim3A_63 : vector<256x1xf32> to vector<256x2048xf32>
    %eq3A_65 = arith.cmpf oeq, %select_n3A_60, %eq3A_64 : vector<256x2048xf32>
    %jit3A_66 = arith.constant 1073741824 : i32
    %broadcast_in_dim3A_67 = vector.broadcast %jit3A_66 : i32 to vector<256x2048xi32>
    %select_n3A_68 = arith.select %eq3A_65, %iota3A, %broadcast_in_dim3A_67 : vector<256x2048xi1>, vector<256x2048xi32>
    %reduce_min3A_69 = arith.constant dense<2147483647> : vector<256xi32>
    %reduce_min3A_70 = vector.multi_reduction <minsi>, %select_n3A_68, %reduce_min3A_69 [1] : vector<256x2048xi32> to vector<256xi32>
    %broadcast_in_dim3A_71 = vector.shape_cast %reduce_min3A_70 : vector<256xi32> to vector<256x1xi32>
    %eq3A_72 = vector.broadcast %broadcast_in_dim3A_71 : vector<256x1xi32> to vector<256x2048xi32>
    %eq3A_73 = arith.cmpi eq, %iota3A, %eq3A_72 : vector<256x2048xi32>
    %jit3A_74 = arith.constant 0 : i32
    %broadcast_in_dim3A_75 = vector.broadcast %jit3A_74 : i32 to vector<256x2048xi32>
    %select_n3A_76 = arith.select %eq3A_73, %get3A_4, %broadcast_in_dim3A_75 : vector<256x2048xi1>, vector<256x2048xi32>
    %reduce_sum3A_77 = arith.constant dense<0> : vector<256xi32>
    %reduce_sum3A_78 = vector.multi_reduction <add>, %select_n3A_76, %reduce_sum3A_77 [1] : vector<256x2048xi32> to vector<256xi32>
    %broadcast_in_dim3A_79 = vector.shape_cast %reduce_sum3A_78 : vector<256xi32> to vector<256x1xi32>
    %eq3A_80 = vector.broadcast %broadcast_in_dim3A_79 : vector<256x1xi32> to vector<256x128xi32>
    %eq3A_81 = arith.cmpi eq, %iota3A_5, %eq3A_80 : vector<256x128xi32>
    %jit3A_82 = arith.constant 1.000000e+00 : f32
    %jit3A_83 = arith.constant 0.000000e+00 : f32
    %broadcast_in_dim3A_84 = vector.broadcast %jit3A_82 : f32 to vector<256x128xf32>
    %broadcast_in_dim3A_85 = vector.broadcast %jit3A_83 : f32 to vector<256x128xf32>
    %select_n3A_86 = arith.select %eq3A_81, %broadcast_in_dim3A_84, %broadcast_in_dim3A_85 : vector<256x128xi1>, vector<256x128xf32>
    %add3A_87 = arith.addf %add3A_57, %select_n3A_86 : vector<256x128xf32>
    %jit3A_88 = arith.constant 3.000000e+38 : f32
    %broadcast_in_dim3A_89 = vector.broadcast %jit3A_88 : f32 to vector<256x2048xf32>
    %select_n3A_90 = arith.select %eq3A_73, %broadcast_in_dim3A_89, %select_n3A_60 : vector<256x2048xi1>, vector<256x2048xf32>
    %reduce_min3A_91 = arith.constant dense<0x7F800000> : vector<256xf32>
    %reduce_min3A_92 = vector.multi_reduction <minimumf>, %select_n3A_90, %reduce_min3A_91 [1] : vector<256x2048xf32> to vector<256xf32>
    %broadcast_in_dim3A_93 = vector.shape_cast %reduce_min3A_92 : vector<256xf32> to vector<256x1xf32>
    %eq3A_94 = vector.broadcast %broadcast_in_dim3A_93 : vector<256x1xf32> to vector<256x2048xf32>
    %eq3A_95 = arith.cmpf oeq, %select_n3A_90, %eq3A_94 : vector<256x2048xf32>
    %jit3A_96 = arith.constant 1073741824 : i32
    %broadcast_in_dim3A_97 = vector.broadcast %jit3A_96 : i32 to vector<256x2048xi32>
    %select_n3A_98 = arith.select %eq3A_95, %iota3A, %broadcast_in_dim3A_97 : vector<256x2048xi1>, vector<256x2048xi32>
    %reduce_min3A_99 = arith.constant dense<2147483647> : vector<256xi32>
    %reduce_min3A_100 = vector.multi_reduction <minsi>, %select_n3A_98, %reduce_min3A_99 [1] : vector<256x2048xi32> to vector<256xi32>
    %broadcast_in_dim3A_101 = vector.shape_cast %reduce_min3A_100 : vector<256xi32> to vector<256x1xi32>
    %eq3A_102 = vector.broadcast %broadcast_in_dim3A_101 : vector<256x1xi32> to vector<256x2048xi32>
    %eq3A_103 = arith.cmpi eq, %iota3A, %eq3A_102 : vector<256x2048xi32>
    %jit3A_104 = arith.constant 0 : i32
    %broadcast_in_dim3A_105 = vector.broadcast %jit3A_104 : i32 to vector<256x2048xi32>
    %select_n3A_106 = arith.select %eq3A_103, %get3A_4, %broadcast_in_dim3A_105 : vector<256x2048xi1>, vector<256x2048xi32>
    %reduce_sum3A_107 = arith.constant dense<0> : vector<256xi32>
    %reduce_sum3A_108 = vector.multi_reduction <add>, %select_n3A_106, %reduce_sum3A_107 [1] : vector<256x2048xi32> to vector<256xi32>
    %broadcast_in_dim3A_109 = vector.shape_cast %reduce_sum3A_108 : vector<256xi32> to vector<256x1xi32>
    %eq3A_110 = vector.broadcast %broadcast_in_dim3A_109 : vector<256x1xi32> to vector<256x128xi32>
    %eq3A_111 = arith.cmpi eq, %iota3A_5, %eq3A_110 : vector<256x128xi32>
    %jit3A_112 = arith.constant 1.000000e+00 : f32
    %jit3A_113 = arith.constant 0.000000e+00 : f32
    %broadcast_in_dim3A_114 = vector.broadcast %jit3A_112 : f32 to vector<256x128xf32>
    %broadcast_in_dim3A_115 = vector.broadcast %jit3A_113 : f32 to vector<256x128xf32>
    %select_n3A_116 = arith.select %eq3A_111, %broadcast_in_dim3A_114, %broadcast_in_dim3A_115 : vector<256x128xi1>, vector<256x128xf32>
    %add3A_117 = arith.addf %add3A_87, %select_n3A_116 : vector<256x128xf32>
    %jit3A_118 = arith.constant 3.000000e+38 : f32
    %broadcast_in_dim3A_119 = vector.broadcast %jit3A_118 : f32 to vector<256x2048xf32>
    %select_n3A_120 = arith.select %eq3A_103, %broadcast_in_dim3A_119, %select_n3A_90 : vector<256x2048xi1>, vector<256x2048xf32>
    %reduce_min3A_121 = arith.constant dense<0x7F800000> : vector<256xf32>
    %reduce_min3A_122 = vector.multi_reduction <minimumf>, %select_n3A_120, %reduce_min3A_121 [1] : vector<256x2048xf32> to vector<256xf32>
    %broadcast_in_dim3A_123 = vector.shape_cast %reduce_min3A_122 : vector<256xf32> to vector<256x1xf32>
    %eq3A_124 = vector.broadcast %broadcast_in_dim3A_123 : vector<256x1xf32> to vector<256x2048xf32>
    %eq3A_125 = arith.cmpf oeq, %select_n3A_120, %eq3A_124 : vector<256x2048xf32>
    %jit3A_126 = arith.constant 1073741824 : i32
    %broadcast_in_dim3A_127 = vector.broadcast %jit3A_126 : i32 to vector<256x2048xi32>
    %select_n3A_128 = arith.select %eq3A_125, %iota3A, %broadcast_in_dim3A_127 : vector<256x2048xi1>, vector<256x2048xi32>
    %reduce_min3A_129 = arith.constant dense<2147483647> : vector<256xi32>
    %reduce_min3A_130 = vector.multi_reduction <minsi>, %select_n3A_128, %reduce_min3A_129 [1] : vector<256x2048xi32> to vector<256xi32>
    %broadcast_in_dim3A_131 = vector.shape_cast %reduce_min3A_130 : vector<256xi32> to vector<256x1xi32>
    %eq3A_132 = vector.broadcast %broadcast_in_dim3A_131 : vector<256x1xi32> to vector<256x2048xi32>
    %eq3A_133 = arith.cmpi eq, %iota3A, %eq3A_132 : vector<256x2048xi32>
    %jit3A_134 = arith.constant 0 : i32
    %broadcast_in_dim3A_135 = vector.broadcast %jit3A_134 : i32 to vector<256x2048xi32>
    %select_n3A_136 = arith.select %eq3A_133, %get3A_4, %broadcast_in_dim3A_135 : vector<256x2048xi1>, vector<256x2048xi32>
    %reduce_sum3A_137 = arith.constant dense<0> : vector<256xi32>
    %reduce_sum3A_138 = vector.multi_reduction <add>, %select_n3A_136, %reduce_sum3A_137 [1] : vector<256x2048xi32> to vector<256xi32>
    %broadcast_in_dim3A_139 = vector.shape_cast %reduce_sum3A_138 : vector<256xi32> to vector<256x1xi32>
    %eq3A_140 = vector.broadcast %broadcast_in_dim3A_139 : vector<256x1xi32> to vector<256x128xi32>
    %eq3A_141 = arith.cmpi eq, %iota3A_5, %eq3A_140 : vector<256x128xi32>
    %jit3A_142 = arith.constant 1.000000e+00 : f32
    %jit3A_143 = arith.constant 0.000000e+00 : f32
    %broadcast_in_dim3A_144 = vector.broadcast %jit3A_142 : f32 to vector<256x128xf32>
    %broadcast_in_dim3A_145 = vector.broadcast %jit3A_143 : f32 to vector<256x128xf32>
    %select_n3A_146 = arith.select %eq3A_141, %broadcast_in_dim3A_144, %broadcast_in_dim3A_145 : vector<256x128xi1>, vector<256x128xf32>
    %add3A_147 = arith.addf %add3A_117, %select_n3A_146 : vector<256x128xf32>
    %jit3A_148 = arith.constant 3.000000e+38 : f32
    %broadcast_in_dim3A_149 = vector.broadcast %jit3A_148 : f32 to vector<256x2048xf32>
    %select_n3A_150 = arith.select %eq3A_133, %broadcast_in_dim3A_149, %select_n3A_120 : vector<256x2048xi1>, vector<256x2048xf32>
    %reduce_min3A_151 = arith.constant dense<0x7F800000> : vector<256xf32>
    %reduce_min3A_152 = vector.multi_reduction <minimumf>, %select_n3A_150, %reduce_min3A_151 [1] : vector<256x2048xf32> to vector<256xf32>
    %broadcast_in_dim3A_153 = vector.shape_cast %reduce_min3A_152 : vector<256xf32> to vector<256x1xf32>
    %eq3A_154 = vector.broadcast %broadcast_in_dim3A_153 : vector<256x1xf32> to vector<256x2048xf32>
    %eq3A_155 = arith.cmpf oeq, %select_n3A_150, %eq3A_154 : vector<256x2048xf32>
    %jit3A_156 = arith.constant 1073741824 : i32
    %broadcast_in_dim3A_157 = vector.broadcast %jit3A_156 : i32 to vector<256x2048xi32>
    %select_n3A_158 = arith.select %eq3A_155, %iota3A, %broadcast_in_dim3A_157 : vector<256x2048xi1>, vector<256x2048xi32>
    %reduce_min3A_159 = arith.constant dense<2147483647> : vector<256xi32>
    %reduce_min3A_160 = vector.multi_reduction <minsi>, %select_n3A_158, %reduce_min3A_159 [1] : vector<256x2048xi32> to vector<256xi32>
    %broadcast_in_dim3A_161 = vector.shape_cast %reduce_min3A_160 : vector<256xi32> to vector<256x1xi32>
    %eq3A_162 = vector.broadcast %broadcast_in_dim3A_161 : vector<256x1xi32> to vector<256x2048xi32>
    %eq3A_163 = arith.cmpi eq, %iota3A, %eq3A_162 : vector<256x2048xi32>
    %jit3A_164 = arith.constant 0 : i32
    %broadcast_in_dim3A_165 = vector.broadcast %jit3A_164 : i32 to vector<256x2048xi32>
    %select_n3A_166 = arith.select %eq3A_163, %get3A_4, %broadcast_in_dim3A_165 : vector<256x2048xi1>, vector<256x2048xi32>
    %reduce_sum3A_167 = arith.constant dense<0> : vector<256xi32>
    %reduce_sum3A_168 = vector.multi_reduction <add>, %select_n3A_166, %reduce_sum3A_167 [1] : vector<256x2048xi32> to vector<256xi32>
    %broadcast_in_dim3A_169 = vector.shape_cast %reduce_sum3A_168 : vector<256xi32> to vector<256x1xi32>
    %eq3A_170 = vector.broadcast %broadcast_in_dim3A_169 : vector<256x1xi32> to vector<256x128xi32>
    %eq3A_171 = arith.cmpi eq, %iota3A_5, %eq3A_170 : vector<256x128xi32>
    %jit3A_172 = arith.constant 1.000000e+00 : f32
    %jit3A_173 = arith.constant 0.000000e+00 : f32
    %broadcast_in_dim3A_174 = vector.broadcast %jit3A_172 : f32 to vector<256x128xf32>
    %broadcast_in_dim3A_175 = vector.broadcast %jit3A_173 : f32 to vector<256x128xf32>
    %select_n3A_176 = arith.select %eq3A_171, %broadcast_in_dim3A_174, %broadcast_in_dim3A_175 : vector<256x128xi1>, vector<256x128xf32>
    %add3A_177 = arith.addf %add3A_147, %select_n3A_176 : vector<256x128xf32>
    %jit3A_178 = arith.constant 3.000000e+38 : f32
    %broadcast_in_dim3A_179 = vector.broadcast %jit3A_178 : f32 to vector<256x2048xf32>
    %select_n3A_180 = arith.select %eq3A_163, %broadcast_in_dim3A_179, %select_n3A_150 : vector<256x2048xi1>, vector<256x2048xf32>
    %reduce_min3A_181 = arith.constant dense<0x7F800000> : vector<256xf32>
    %reduce_min3A_182 = vector.multi_reduction <minimumf>, %select_n3A_180, %reduce_min3A_181 [1] : vector<256x2048xf32> to vector<256xf32>
    %broadcast_in_dim3A_183 = vector.shape_cast %reduce_min3A_182 : vector<256xf32> to vector<256x1xf32>
    %eq3A_184 = vector.broadcast %broadcast_in_dim3A_183 : vector<256x1xf32> to vector<256x2048xf32>
    %eq3A_185 = arith.cmpf oeq, %select_n3A_180, %eq3A_184 : vector<256x2048xf32>
    %jit3A_186 = arith.constant 1073741824 : i32
    %broadcast_in_dim3A_187 = vector.broadcast %jit3A_186 : i32 to vector<256x2048xi32>
    %select_n3A_188 = arith.select %eq3A_185, %iota3A, %broadcast_in_dim3A_187 : vector<256x2048xi1>, vector<256x2048xi32>
    %reduce_min3A_189 = arith.constant dense<2147483647> : vector<256xi32>
    %reduce_min3A_190 = vector.multi_reduction <minsi>, %select_n3A_188, %reduce_min3A_189 [1] : vector<256x2048xi32> to vector<256xi32>
    %broadcast_in_dim3A_191 = vector.shape_cast %reduce_min3A_190 : vector<256xi32> to vector<256x1xi32>
    %eq3A_192 = vector.broadcast %broadcast_in_dim3A_191 : vector<256x1xi32> to vector<256x2048xi32>
    %eq3A_193 = arith.cmpi eq, %iota3A, %eq3A_192 : vector<256x2048xi32>
    %jit3A_194 = arith.constant 0 : i32
    %broadcast_in_dim3A_195 = vector.broadcast %jit3A_194 : i32 to vector<256x2048xi32>
    %select_n3A_196 = arith.select %eq3A_193, %get3A_4, %broadcast_in_dim3A_195 : vector<256x2048xi1>, vector<256x2048xi32>
    %reduce_sum3A_197 = arith.constant dense<0> : vector<256xi32>
    %reduce_sum3A_198 = vector.multi_reduction <add>, %select_n3A_196, %reduce_sum3A_197 [1] : vector<256x2048xi32> to vector<256xi32>
    %broadcast_in_dim3A_199 = vector.shape_cast %reduce_sum3A_198 : vector<256xi32> to vector<256x1xi32>
    %eq3A_200 = vector.broadcast %broadcast_in_dim3A_199 : vector<256x1xi32> to vector<256x128xi32>
    %eq3A_201 = arith.cmpi eq, %iota3A_5, %eq3A_200 : vector<256x128xi32>
    %jit3A_202 = arith.constant 1.000000e+00 : f32
    %jit3A_203 = arith.constant 0.000000e+00 : f32
    %broadcast_in_dim3A_204 = vector.broadcast %jit3A_202 : f32 to vector<256x128xf32>
    %broadcast_in_dim3A_205 = vector.broadcast %jit3A_203 : f32 to vector<256x128xf32>
    %select_n3A_206 = arith.select %eq3A_201, %broadcast_in_dim3A_204, %broadcast_in_dim3A_205 : vector<256x128xi1>, vector<256x128xf32>
    %add3A_207 = arith.addf %add3A_177, %select_n3A_206 : vector<256x128xf32>
    %jit3A_208 = arith.constant 3.000000e+38 : f32
    %broadcast_in_dim3A_209 = vector.broadcast %jit3A_208 : f32 to vector<256x2048xf32>
    %select_n3A_210 = arith.select %eq3A_193, %broadcast_in_dim3A_209, %select_n3A_180 : vector<256x2048xi1>, vector<256x2048xf32>
    %reduce_min3A_211 = arith.constant dense<0x7F800000> : vector<256xf32>
    %reduce_min3A_212 = vector.multi_reduction <minimumf>, %select_n3A_210, %reduce_min3A_211 [1] : vector<256x2048xf32> to vector<256xf32>
    %broadcast_in_dim3A_213 = vector.shape_cast %reduce_min3A_212 : vector<256xf32> to vector<256x1xf32>
    %eq3A_214 = vector.broadcast %broadcast_in_dim3A_213 : vector<256x1xf32> to vector<256x2048xf32>
    %eq3A_215 = arith.cmpf oeq, %select_n3A_210, %eq3A_214 : vector<256x2048xf32>
    %jit3A_216 = arith.constant 1073741824 : i32
    %broadcast_in_dim3A_217 = vector.broadcast %jit3A_216 : i32 to vector<256x2048xi32>
    %select_n3A_218 = arith.select %eq3A_215, %iota3A, %broadcast_in_dim3A_217 : vector<256x2048xi1>, vector<256x2048xi32>
    %reduce_min3A_219 = arith.constant dense<2147483647> : vector<256xi32>
    %reduce_min3A_220 = vector.multi_reduction <minsi>, %select_n3A_218, %reduce_min3A_219 [1] : vector<256x2048xi32> to vector<256xi32>
    %broadcast_in_dim3A_221 = vector.shape_cast %reduce_min3A_220 : vector<256xi32> to vector<256x1xi32>
    %eq3A_222 = vector.broadcast %broadcast_in_dim3A_221 : vector<256x1xi32> to vector<256x2048xi32>
    %eq3A_223 = arith.cmpi eq, %iota3A, %eq3A_222 : vector<256x2048xi32>
    %jit3A_224 = arith.constant 0 : i32
    %broadcast_in_dim3A_225 = vector.broadcast %jit3A_224 : i32 to vector<256x2048xi32>
    %select_n3A_226 = arith.select %eq3A_223, %get3A_4, %broadcast_in_dim3A_225 : vector<256x2048xi1>, vector<256x2048xi32>
    %reduce_sum3A_227 = arith.constant dense<0> : vector<256xi32>
    %reduce_sum3A_228 = vector.multi_reduction <add>, %select_n3A_226, %reduce_sum3A_227 [1] : vector<256x2048xi32> to vector<256xi32>
    %broadcast_in_dim3A_229 = vector.shape_cast %reduce_sum3A_228 : vector<256xi32> to vector<256x1xi32>
    %eq3A_230 = vector.broadcast %broadcast_in_dim3A_229 : vector<256x1xi32> to vector<256x128xi32>
    %eq3A_231 = arith.cmpi eq, %iota3A_5, %eq3A_230 : vector<256x128xi32>
    %jit3A_232 = arith.constant 1.000000e+00 : f32
    %jit3A_233 = arith.constant 0.000000e+00 : f32
    %broadcast_in_dim3A_234 = vector.broadcast %jit3A_232 : f32 to vector<256x128xf32>
    %broadcast_in_dim3A_235 = vector.broadcast %jit3A_233 : f32 to vector<256x128xf32>
    %select_n3A_236 = arith.select %eq3A_231, %broadcast_in_dim3A_234, %broadcast_in_dim3A_235 : vector<256x128xi1>, vector<256x128xf32>
    %add3A_237 = arith.addf %add3A_207, %select_n3A_236 : vector<256x128xf32>
    %jit3A_238 = arith.constant 3.000000e+38 : f32
    %broadcast_in_dim3A_239 = vector.broadcast %jit3A_238 : f32 to vector<256x2048xf32>
    %select_n3A_240 = arith.select %eq3A_223, %broadcast_in_dim3A_239, %select_n3A_210 : vector<256x2048xi1>, vector<256x2048xf32>
    %reduce_min3A_241 = arith.constant dense<0x7F800000> : vector<256xf32>
    %reduce_min3A_242 = vector.multi_reduction <minimumf>, %select_n3A_240, %reduce_min3A_241 [1] : vector<256x2048xf32> to vector<256xf32>
    %broadcast_in_dim3A_243 = vector.shape_cast %reduce_min3A_242 : vector<256xf32> to vector<256x1xf32>
    %eq3A_244 = vector.broadcast %broadcast_in_dim3A_243 : vector<256x1xf32> to vector<256x2048xf32>
    %eq3A_245 = arith.cmpf oeq, %select_n3A_240, %eq3A_244 : vector<256x2048xf32>
    %jit3A_246 = arith.constant 1073741824 : i32
    %broadcast_in_dim3A_247 = vector.broadcast %jit3A_246 : i32 to vector<256x2048xi32>
    %select_n3A_248 = arith.select %eq3A_245, %iota3A, %broadcast_in_dim3A_247 : vector<256x2048xi1>, vector<256x2048xi32>
    %reduce_min3A_249 = arith.constant dense<2147483647> : vector<256xi32>
    %reduce_min3A_250 = vector.multi_reduction <minsi>, %select_n3A_248, %reduce_min3A_249 [1] : vector<256x2048xi32> to vector<256xi32>
    %broadcast_in_dim3A_251 = vector.shape_cast %reduce_min3A_250 : vector<256xi32> to vector<256x1xi32>
    %eq3A_252 = vector.broadcast %broadcast_in_dim3A_251 : vector<256x1xi32> to vector<256x2048xi32>
    %eq3A_253 = arith.cmpi eq, %iota3A, %eq3A_252 : vector<256x2048xi32>
    %jit3A_254 = arith.constant 0 : i32
    %broadcast_in_dim3A_255 = vector.broadcast %jit3A_254 : i32 to vector<256x2048xi32>
    %select_n3A_256 = arith.select %eq3A_253, %get3A_4, %broadcast_in_dim3A_255 : vector<256x2048xi1>, vector<256x2048xi32>
    %reduce_sum3A_257 = arith.constant dense<0> : vector<256xi32>
    %reduce_sum3A_258 = vector.multi_reduction <add>, %select_n3A_256, %reduce_sum3A_257 [1] : vector<256x2048xi32> to vector<256xi32>
    %broadcast_in_dim3A_259 = vector.shape_cast %reduce_sum3A_258 : vector<256xi32> to vector<256x1xi32>
    %eq3A_260 = vector.broadcast %broadcast_in_dim3A_259 : vector<256x1xi32> to vector<256x128xi32>
    %eq3A_261 = arith.cmpi eq, %iota3A_5, %eq3A_260 : vector<256x128xi32>
    %jit3A_262 = arith.constant 1.000000e+00 : f32
    %jit3A_263 = arith.constant 0.000000e+00 : f32
    %broadcast_in_dim3A_264 = vector.broadcast %jit3A_262 : f32 to vector<256x128xf32>
    %broadcast_in_dim3A_265 = vector.broadcast %jit3A_263 : f32 to vector<256x128xf32>
    %select_n3A_266 = arith.select %eq3A_261, %broadcast_in_dim3A_264, %broadcast_in_dim3A_265 : vector<256x128xi1>, vector<256x128xf32>
    %add3A_267 = arith.addf %add3A_237, %select_n3A_266 : vector<256x128xf32>
    %jit3A_268 = arith.constant 3.000000e+38 : f32
    %broadcast_in_dim3A_269 = vector.broadcast %jit3A_268 : f32 to vector<256x2048xf32>
    %select_n3A_270 = arith.select %eq3A_253, %broadcast_in_dim3A_269, %select_n3A_240 : vector<256x2048xi1>, vector<256x2048xf32>
    %reduce_min3A_271 = arith.constant dense<0x7F800000> : vector<256xf32>
    %reduce_min3A_272 = vector.multi_reduction <minimumf>, %select_n3A_270, %reduce_min3A_271 [1] : vector<256x2048xf32> to vector<256xf32>
    %broadcast_in_dim3A_273 = vector.shape_cast %reduce_min3A_272 : vector<256xf32> to vector<256x1xf32>
    %eq3A_274 = vector.broadcast %broadcast_in_dim3A_273 : vector<256x1xf32> to vector<256x2048xf32>
    %eq3A_275 = arith.cmpf oeq, %select_n3A_270, %eq3A_274 : vector<256x2048xf32>
    %jit3A_276 = arith.constant 1073741824 : i32
    %broadcast_in_dim3A_277 = vector.broadcast %jit3A_276 : i32 to vector<256x2048xi32>
    %select_n3A_278 = arith.select %eq3A_275, %iota3A, %broadcast_in_dim3A_277 : vector<256x2048xi1>, vector<256x2048xi32>
    %reduce_min3A_279 = arith.constant dense<2147483647> : vector<256xi32>
    %reduce_min3A_280 = vector.multi_reduction <minsi>, %select_n3A_278, %reduce_min3A_279 [1] : vector<256x2048xi32> to vector<256xi32>
    %broadcast_in_dim3A_281 = vector.shape_cast %reduce_min3A_280 : vector<256xi32> to vector<256x1xi32>
    %eq3A_282 = vector.broadcast %broadcast_in_dim3A_281 : vector<256x1xi32> to vector<256x2048xi32>
    %eq3A_283 = arith.cmpi eq, %iota3A, %eq3A_282 : vector<256x2048xi32>
    %jit3A_284 = arith.constant 0 : i32
    %broadcast_in_dim3A_285 = vector.broadcast %jit3A_284 : i32 to vector<256x2048xi32>
    %select_n3A_286 = arith.select %eq3A_283, %get3A_4, %broadcast_in_dim3A_285 : vector<256x2048xi1>, vector<256x2048xi32>
    %reduce_sum3A_287 = arith.constant dense<0> : vector<256xi32>
    %reduce_sum3A_288 = vector.multi_reduction <add>, %select_n3A_286, %reduce_sum3A_287 [1] : vector<256x2048xi32> to vector<256xi32>
    %broadcast_in_dim3A_289 = vector.shape_cast %reduce_sum3A_288 : vector<256xi32> to vector<256x1xi32>
    %eq3A_290 = vector.broadcast %broadcast_in_dim3A_289 : vector<256x1xi32> to vector<256x128xi32>
    %eq3A_291 = arith.cmpi eq, %iota3A_5, %eq3A_290 : vector<256x128xi32>
    %jit3A_292 = arith.constant 1.000000e+00 : f32
    %jit3A_293 = arith.constant 0.000000e+00 : f32
    %broadcast_in_dim3A_294 = vector.broadcast %jit3A_292 : f32 to vector<256x128xf32>
    %broadcast_in_dim3A_295 = vector.broadcast %jit3A_293 : f32 to vector<256x128xf32>
    %select_n3A_296 = arith.select %eq3A_291, %broadcast_in_dim3A_294, %broadcast_in_dim3A_295 : vector<256x128xi1>, vector<256x128xf32>
    %add3A_297 = arith.addf %add3A_267, %select_n3A_296 : vector<256x128xf32>
    %jit3A_298 = arith.constant 3.000000e+38 : f32
    %broadcast_in_dim3A_299 = vector.broadcast %jit3A_298 : f32 to vector<256x2048xf32>
    %select_n3A_300 = arith.select %eq3A_283, %broadcast_in_dim3A_299, %select_n3A_270 : vector<256x2048xi1>, vector<256x2048xf32>
    %reduce_min3A_301 = arith.constant dense<0x7F800000> : vector<256xf32>
    %reduce_min3A_302 = vector.multi_reduction <minimumf>, %select_n3A_300, %reduce_min3A_301 [1] : vector<256x2048xf32> to vector<256xf32>
    %broadcast_in_dim3A_303 = vector.shape_cast %reduce_min3A_302 : vector<256xf32> to vector<256x1xf32>
    %eq3A_304 = vector.broadcast %broadcast_in_dim3A_303 : vector<256x1xf32> to vector<256x2048xf32>
    %eq3A_305 = arith.cmpf oeq, %select_n3A_300, %eq3A_304 : vector<256x2048xf32>
    %jit3A_306 = arith.constant 1073741824 : i32
    %broadcast_in_dim3A_307 = vector.broadcast %jit3A_306 : i32 to vector<256x2048xi32>
    %select_n3A_308 = arith.select %eq3A_305, %iota3A, %broadcast_in_dim3A_307 : vector<256x2048xi1>, vector<256x2048xi32>
    %reduce_min3A_309 = arith.constant dense<2147483647> : vector<256xi32>
    %reduce_min3A_310 = vector.multi_reduction <minsi>, %select_n3A_308, %reduce_min3A_309 [1] : vector<256x2048xi32> to vector<256xi32>
    %broadcast_in_dim3A_311 = vector.shape_cast %reduce_min3A_310 : vector<256xi32> to vector<256x1xi32>
    %eq3A_312 = vector.broadcast %broadcast_in_dim3A_311 : vector<256x1xi32> to vector<256x2048xi32>
    %eq3A_313 = arith.cmpi eq, %iota3A, %eq3A_312 : vector<256x2048xi32>
    %jit3A_314 = arith.constant 0 : i32
    %broadcast_in_dim3A_315 = vector.broadcast %jit3A_314 : i32 to vector<256x2048xi32>
    %select_n3A_316 = arith.select %eq3A_313, %get3A_4, %broadcast_in_dim3A_315 : vector<256x2048xi1>, vector<256x2048xi32>
    %reduce_sum3A_317 = arith.constant dense<0> : vector<256xi32>
    %reduce_sum3A_318 = vector.multi_reduction <add>, %select_n3A_316, %reduce_sum3A_317 [1] : vector<256x2048xi32> to vector<256xi32>
    %broadcast_in_dim3A_319 = vector.shape_cast %reduce_sum3A_318 : vector<256xi32> to vector<256x1xi32>
    %eq3A_320 = vector.broadcast %broadcast_in_dim3A_319 : vector<256x1xi32> to vector<256x128xi32>
    %eq3A_321 = arith.cmpi eq, %iota3A_5, %eq3A_320 : vector<256x128xi32>
    %jit3A_322 = arith.constant 1.000000e+00 : f32
    %jit3A_323 = arith.constant 0.000000e+00 : f32
    %broadcast_in_dim3A_324 = vector.broadcast %jit3A_322 : f32 to vector<256x128xf32>
    %broadcast_in_dim3A_325 = vector.broadcast %jit3A_323 : f32 to vector<256x128xf32>
    %select_n3A_326 = arith.select %eq3A_321, %broadcast_in_dim3A_324, %broadcast_in_dim3A_325 : vector<256x128xi1>, vector<256x128xf32>
    %add3A_327 = arith.addf %add3A_297, %select_n3A_326 : vector<256x128xf32>
    %jit3A_328 = arith.constant 3.000000e+38 : f32
    %broadcast_in_dim3A_329 = vector.broadcast %jit3A_328 : f32 to vector<256x2048xf32>
    %select_n3A_330 = arith.select %eq3A_313, %broadcast_in_dim3A_329, %select_n3A_300 : vector<256x2048xi1>, vector<256x2048xf32>
    %reduce_min3A_331 = arith.constant dense<0x7F800000> : vector<256xf32>
    %reduce_min3A_332 = vector.multi_reduction <minimumf>, %select_n3A_330, %reduce_min3A_331 [1] : vector<256x2048xf32> to vector<256xf32>
    %broadcast_in_dim3A_333 = vector.shape_cast %reduce_min3A_332 : vector<256xf32> to vector<256x1xf32>
    %eq3A_334 = vector.broadcast %broadcast_in_dim3A_333 : vector<256x1xf32> to vector<256x2048xf32>
    %eq3A_335 = arith.cmpf oeq, %select_n3A_330, %eq3A_334 : vector<256x2048xf32>
    %jit3A_336 = arith.constant 1073741824 : i32
    %broadcast_in_dim3A_337 = vector.broadcast %jit3A_336 : i32 to vector<256x2048xi32>
    %select_n3A_338 = arith.select %eq3A_335, %iota3A, %broadcast_in_dim3A_337 : vector<256x2048xi1>, vector<256x2048xi32>
    %reduce_min3A_339 = arith.constant dense<2147483647> : vector<256xi32>
    %reduce_min3A_340 = vector.multi_reduction <minsi>, %select_n3A_338, %reduce_min3A_339 [1] : vector<256x2048xi32> to vector<256xi32>
    %broadcast_in_dim3A_341 = vector.shape_cast %reduce_min3A_340 : vector<256xi32> to vector<256x1xi32>
    %eq3A_342 = vector.broadcast %broadcast_in_dim3A_341 : vector<256x1xi32> to vector<256x2048xi32>
    %eq3A_343 = arith.cmpi eq, %iota3A, %eq3A_342 : vector<256x2048xi32>
    %jit3A_344 = arith.constant 0 : i32
    %broadcast_in_dim3A_345 = vector.broadcast %jit3A_344 : i32 to vector<256x2048xi32>
    %select_n3A_346 = arith.select %eq3A_343, %get3A_4, %broadcast_in_dim3A_345 : vector<256x2048xi1>, vector<256x2048xi32>
    %reduce_sum3A_347 = arith.constant dense<0> : vector<256xi32>
    %reduce_sum3A_348 = vector.multi_reduction <add>, %select_n3A_346, %reduce_sum3A_347 [1] : vector<256x2048xi32> to vector<256xi32>
    %broadcast_in_dim3A_349 = vector.shape_cast %reduce_sum3A_348 : vector<256xi32> to vector<256x1xi32>
    %eq3A_350 = vector.broadcast %broadcast_in_dim3A_349 : vector<256x1xi32> to vector<256x128xi32>
    %eq3A_351 = arith.cmpi eq, %iota3A_5, %eq3A_350 : vector<256x128xi32>
    %jit3A_352 = arith.constant 1.000000e+00 : f32
    %jit3A_353 = arith.constant 0.000000e+00 : f32
    %broadcast_in_dim3A_354 = vector.broadcast %jit3A_352 : f32 to vector<256x128xf32>
    %broadcast_in_dim3A_355 = vector.broadcast %jit3A_353 : f32 to vector<256x128xf32>
    %select_n3A_356 = arith.select %eq3A_351, %broadcast_in_dim3A_354, %broadcast_in_dim3A_355 : vector<256x128xi1>, vector<256x128xf32>
    %add3A_357 = arith.addf %add3A_327, %select_n3A_356 : vector<256x128xf32>
    %jit3A_358 = arith.constant 3.000000e+38 : f32
    %broadcast_in_dim3A_359 = vector.broadcast %jit3A_358 : f32 to vector<256x2048xf32>
    %select_n3A_360 = arith.select %eq3A_343, %broadcast_in_dim3A_359, %select_n3A_330 : vector<256x2048xi1>, vector<256x2048xf32>
    %reduce_min3A_361 = arith.constant dense<0x7F800000> : vector<256xf32>
    %reduce_min3A_362 = vector.multi_reduction <minimumf>, %select_n3A_360, %reduce_min3A_361 [1] : vector<256x2048xf32> to vector<256xf32>
    %broadcast_in_dim3A_363 = vector.shape_cast %reduce_min3A_362 : vector<256xf32> to vector<256x1xf32>
    %eq3A_364 = vector.broadcast %broadcast_in_dim3A_363 : vector<256x1xf32> to vector<256x2048xf32>
    %eq3A_365 = arith.cmpf oeq, %select_n3A_360, %eq3A_364 : vector<256x2048xf32>
    %jit3A_366 = arith.constant 1073741824 : i32
    %broadcast_in_dim3A_367 = vector.broadcast %jit3A_366 : i32 to vector<256x2048xi32>
    %select_n3A_368 = arith.select %eq3A_365, %iota3A, %broadcast_in_dim3A_367 : vector<256x2048xi1>, vector<256x2048xi32>
    %reduce_min3A_369 = arith.constant dense<2147483647> : vector<256xi32>
    %reduce_min3A_370 = vector.multi_reduction <minsi>, %select_n3A_368, %reduce_min3A_369 [1] : vector<256x2048xi32> to vector<256xi32>
    %broadcast_in_dim3A_371 = vector.shape_cast %reduce_min3A_370 : vector<256xi32> to vector<256x1xi32>
    %eq3A_372 = vector.broadcast %broadcast_in_dim3A_371 : vector<256x1xi32> to vector<256x2048xi32>
    %eq3A_373 = arith.cmpi eq, %iota3A, %eq3A_372 : vector<256x2048xi32>
    %jit3A_374 = arith.constant 0 : i32
    %broadcast_in_dim3A_375 = vector.broadcast %jit3A_374 : i32 to vector<256x2048xi32>
    %select_n3A_376 = arith.select %eq3A_373, %get3A_4, %broadcast_in_dim3A_375 : vector<256x2048xi1>, vector<256x2048xi32>
    %reduce_sum3A_377 = arith.constant dense<0> : vector<256xi32>
    %reduce_sum3A_378 = vector.multi_reduction <add>, %select_n3A_376, %reduce_sum3A_377 [1] : vector<256x2048xi32> to vector<256xi32>
    %broadcast_in_dim3A_379 = vector.shape_cast %reduce_sum3A_378 : vector<256xi32> to vector<256x1xi32>
    %eq3A_380 = vector.broadcast %broadcast_in_dim3A_379 : vector<256x1xi32> to vector<256x128xi32>
    %eq3A_381 = arith.cmpi eq, %iota3A_5, %eq3A_380 : vector<256x128xi32>
    %jit3A_382 = arith.constant 1.000000e+00 : f32
    %jit3A_383 = arith.constant 0.000000e+00 : f32
    %broadcast_in_dim3A_384 = vector.broadcast %jit3A_382 : f32 to vector<256x128xf32>
    %broadcast_in_dim3A_385 = vector.broadcast %jit3A_383 : f32 to vector<256x128xf32>
    %select_n3A_386 = arith.select %eq3A_381, %broadcast_in_dim3A_384, %broadcast_in_dim3A_385 : vector<256x128xi1>, vector<256x128xf32>
    %add3A_387 = arith.addf %add3A_357, %select_n3A_386 : vector<256x128xf32>
    %jit3A_388 = arith.constant 3.000000e+38 : f32
    %broadcast_in_dim3A_389 = vector.broadcast %jit3A_388 : f32 to vector<256x2048xf32>
    %select_n3A_390 = arith.select %eq3A_373, %broadcast_in_dim3A_389, %select_n3A_360 : vector<256x2048xi1>, vector<256x2048xf32>
    %reduce_min3A_391 = arith.constant dense<0x7F800000> : vector<256xf32>
    %reduce_min3A_392 = vector.multi_reduction <minimumf>, %select_n3A_390, %reduce_min3A_391 [1] : vector<256x2048xf32> to vector<256xf32>
    %broadcast_in_dim3A_393 = vector.shape_cast %reduce_min3A_392 : vector<256xf32> to vector<256x1xf32>
    %eq3A_394 = vector.broadcast %broadcast_in_dim3A_393 : vector<256x1xf32> to vector<256x2048xf32>
    %eq3A_395 = arith.cmpf oeq, %select_n3A_390, %eq3A_394 : vector<256x2048xf32>
    %jit3A_396 = arith.constant 1073741824 : i32
    %broadcast_in_dim3A_397 = vector.broadcast %jit3A_396 : i32 to vector<256x2048xi32>
    %select_n3A_398 = arith.select %eq3A_395, %iota3A, %broadcast_in_dim3A_397 : vector<256x2048xi1>, vector<256x2048xi32>
    %reduce_min3A_399 = arith.constant dense<2147483647> : vector<256xi32>
    %reduce_min3A_400 = vector.multi_reduction <minsi>, %select_n3A_398, %reduce_min3A_399 [1] : vector<256x2048xi32> to vector<256xi32>
    %broadcast_in_dim3A_401 = vector.shape_cast %reduce_min3A_400 : vector<256xi32> to vector<256x1xi32>
    %eq3A_402 = vector.broadcast %broadcast_in_dim3A_401 : vector<256x1xi32> to vector<256x2048xi32>
    %eq3A_403 = arith.cmpi eq, %iota3A, %eq3A_402 : vector<256x2048xi32>
    %jit3A_404 = arith.constant 0 : i32
    %broadcast_in_dim3A_405 = vector.broadcast %jit3A_404 : i32 to vector<256x2048xi32>
    %select_n3A_406 = arith.select %eq3A_403, %get3A_4, %broadcast_in_dim3A_405 : vector<256x2048xi1>, vector<256x2048xi32>
    %reduce_sum3A_407 = arith.constant dense<0> : vector<256xi32>
    %reduce_sum3A_408 = vector.multi_reduction <add>, %select_n3A_406, %reduce_sum3A_407 [1] : vector<256x2048xi32> to vector<256xi32>
    %broadcast_in_dim3A_409 = vector.shape_cast %reduce_sum3A_408 : vector<256xi32> to vector<256x1xi32>
    %eq3A_410 = vector.broadcast %broadcast_in_dim3A_409 : vector<256x1xi32> to vector<256x128xi32>
    %eq3A_411 = arith.cmpi eq, %iota3A_5, %eq3A_410 : vector<256x128xi32>
    %jit3A_412 = arith.constant 1.000000e+00 : f32
    %jit3A_413 = arith.constant 0.000000e+00 : f32
    %broadcast_in_dim3A_414 = vector.broadcast %jit3A_412 : f32 to vector<256x128xf32>
    %broadcast_in_dim3A_415 = vector.broadcast %jit3A_413 : f32 to vector<256x128xf32>
    %select_n3A_416 = arith.select %eq3A_411, %broadcast_in_dim3A_414, %broadcast_in_dim3A_415 : vector<256x128xi1>, vector<256x128xf32>
    %add3A_417 = arith.addf %add3A_387, %select_n3A_416 : vector<256x128xf32>
    %jit3A_418 = arith.constant 3.000000e+38 : f32
    %broadcast_in_dim3A_419 = vector.broadcast %jit3A_418 : f32 to vector<256x2048xf32>
    %select_n3A_420 = arith.select %eq3A_403, %broadcast_in_dim3A_419, %select_n3A_390 : vector<256x2048xi1>, vector<256x2048xf32>
    %reduce_min3A_421 = arith.constant dense<0x7F800000> : vector<256xf32>
    %reduce_min3A_422 = vector.multi_reduction <minimumf>, %select_n3A_420, %reduce_min3A_421 [1] : vector<256x2048xf32> to vector<256xf32>
    %broadcast_in_dim3A_423 = vector.shape_cast %reduce_min3A_422 : vector<256xf32> to vector<256x1xf32>
    %eq3A_424 = vector.broadcast %broadcast_in_dim3A_423 : vector<256x1xf32> to vector<256x2048xf32>
    %eq3A_425 = arith.cmpf oeq, %select_n3A_420, %eq3A_424 : vector<256x2048xf32>
    %jit3A_426 = arith.constant 1073741824 : i32
    %broadcast_in_dim3A_427 = vector.broadcast %jit3A_426 : i32 to vector<256x2048xi32>
    %select_n3A_428 = arith.select %eq3A_425, %iota3A, %broadcast_in_dim3A_427 : vector<256x2048xi1>, vector<256x2048xi32>
    %reduce_min3A_429 = arith.constant dense<2147483647> : vector<256xi32>
    %reduce_min3A_430 = vector.multi_reduction <minsi>, %select_n3A_428, %reduce_min3A_429 [1] : vector<256x2048xi32> to vector<256xi32>
    %broadcast_in_dim3A_431 = vector.shape_cast %reduce_min3A_430 : vector<256xi32> to vector<256x1xi32>
    %eq3A_432 = vector.broadcast %broadcast_in_dim3A_431 : vector<256x1xi32> to vector<256x2048xi32>
    %eq3A_433 = arith.cmpi eq, %iota3A, %eq3A_432 : vector<256x2048xi32>
    %jit3A_434 = arith.constant 0 : i32
    %broadcast_in_dim3A_435 = vector.broadcast %jit3A_434 : i32 to vector<256x2048xi32>
    %select_n3A_436 = arith.select %eq3A_433, %get3A_4, %broadcast_in_dim3A_435 : vector<256x2048xi1>, vector<256x2048xi32>
    %reduce_sum3A_437 = arith.constant dense<0> : vector<256xi32>
    %reduce_sum3A_438 = vector.multi_reduction <add>, %select_n3A_436, %reduce_sum3A_437 [1] : vector<256x2048xi32> to vector<256xi32>
    %broadcast_in_dim3A_439 = vector.shape_cast %reduce_sum3A_438 : vector<256xi32> to vector<256x1xi32>
    %eq3A_440 = vector.broadcast %broadcast_in_dim3A_439 : vector<256x1xi32> to vector<256x128xi32>
    %eq3A_441 = arith.cmpi eq, %iota3A_5, %eq3A_440 : vector<256x128xi32>
    %jit3A_442 = arith.constant 1.000000e+00 : f32
    %jit3A_443 = arith.constant 0.000000e+00 : f32
    %broadcast_in_dim3A_444 = vector.broadcast %jit3A_442 : f32 to vector<256x128xf32>
    %broadcast_in_dim3A_445 = vector.broadcast %jit3A_443 : f32 to vector<256x128xf32>
    %select_n3A_446 = arith.select %eq3A_441, %broadcast_in_dim3A_444, %broadcast_in_dim3A_445 : vector<256x128xi1>, vector<256x128xf32>
    %add3A_447 = arith.addf %add3A_417, %select_n3A_446 : vector<256x128xf32>
    %div3A = arith.constant 1.500000e+01 : f32
    %div3A_448 = vector.broadcast %div3A : f32 to vector<256x128xf32>
    %div3A_449 = arith.divf %add3A_447, %div3A_448 : vector<256x128xf32>
    %swap3A = arith.constant 0 : index
    %swap3A_450 = arith.constant 0 : index
    %swap3A_451 = vector.load %arg4[%swap3A, %swap3A_450] : memref<256x128xf32, #tpu.memory_space<vmem>>, vector<256x128xf32>
    tpu.vector_store %arg4[%swap3A, %swap3A_450], %div3A_449 {strides = array<i32>} : memref<256x128xf32, #tpu.memory_space<vmem>>, vector<256x128xf32>,
    %lt3A = arith.constant 10 : i32
    %lt3A_452 = vector.broadcast %lt3A : i32 to vector<256x128xi32>
    %lt3A_453 = arith.cmpi slt, %iota3A_5, %lt3A_452 : vector<256x128xi32>
    %jit3A_454 = arith.constant -1.000000e+00 : f32
    %broadcast_in_dim3A_455 = vector.broadcast %jit3A_454 : f32 to vector<256x128xf32>
    %select_n3A_456 = arith.select %lt3A_453, %add3A_447, %broadcast_in_dim3A_455 : vector<256x128xi1>, vector<256x128xf32>
    %reduce_max3A = arith.constant dense<0xFF800000> : vector<256xf32>
    %reduce_max3A_457 = vector.multi_reduction <maximumf>, %select_n3A_456, %reduce_max3A [1] : vector<256x128xf32> to vector<256xf32>
    %broadcast_in_dim3A_458 = vector.shape_cast %reduce_max3A_457 : vector<256xf32> to vector<256x1xf32>
    %eq3A_459 = vector.broadcast %broadcast_in_dim3A_458 : vector<256x1xf32> to vector<256x128xf32>
    %eq3A_460 = arith.cmpf oeq, %select_n3A_456, %eq3A_459 : vector<256x128xf32>
    %jit3A_461 = arith.constant 1073741824 : i32
    %broadcast_in_dim3A_462 = vector.broadcast %jit3A_461 : i32 to vector<256x128xi32>
    %select_n3A_463 = arith.select %eq3A_460, %iota3A_5, %broadcast_in_dim3A_462 : vector<256x128xi1>, vector<256x128xi32>
    %reduce_min3A_464 = arith.constant dense<2147483647> : vector<256xi32>
    %reduce_min3A_465 = vector.multi_reduction <minsi>, %select_n3A_463, %reduce_min3A_464 [1] : vector<256x128xi32> to vector<256xi32>
    %broadcast_in_dim3A_466 = vector.shape_cast %reduce_min3A_465 : vector<256xi32> to vector<256x1xi32>
    %broadcast_in_dim3A_467 = vector.shape_cast %broadcast_in_dim3A_466 : vector<256x1xi32> to vector<256x1xi32>
    %broadcast_in_dim3A_468 = vector.broadcast %broadcast_in_dim3A_467 : vector<256x1xi32> to vector<256x128xi32>
    %swap3A_469 = arith.constant 0 : index
    %swap3A_470 = arith.constant 0 : index
    %swap3A_471 = vector.load %arg3[%swap3A_469, %swap3A_470] : memref<256x128xi32, #tpu.memory_space<vmem>>, vector<256x128xi32>
    tpu.vector_store %arg3[%swap3A_469, %swap3A_470], %broadcast_in_dim3A_468 {strides = array<i32>} : memref<256x128xi32, #tpu.memory_space<vmem>>, vector<256x128xi32>,
    return
  }
  func.func @transform_0(%arg0: i32) -> (i32, i32) {
    %c0_i32 = arith.constant 0 : i32
    %c0_i32_0 = arith.constant 0 : i32
    return %arg0, %c0_i32 : i32, i32
  }
  func.func @transform_1(%arg0: i32) -> (i32, i32) {
    %c0_i32 = arith.constant 0 : i32
    %c0_i32_0 = arith.constant 0 : i32
    return %arg0, %c0_i32 : i32, i32
  }
  func.func @transform_2(%arg0: i32) -> (i32, i32) {
    %c0_i32 = arith.constant 0 : i32
    %c0_i32_0 = arith.constant 0 : i32
    return %arg0, %c0_i32 : i32, i32
  }
  func.func @transform_3(%arg0: i32) -> (i32, i32) {
    %c0_i32 = arith.constant 0 : i32
    %c0_i32_0 = arith.constant 0 : i32
    return %arg0, %c0_i32 : i32, i32
  }
}

</mosaic_0001>

<sc_bundles>
// kernel: kernel.6.cloned.1.call-start
scs
__scs_entry_jumppad:
0x0: {  	(pc) =	sbr.rel $0x88, $3  }
0x1: {  	(tag) =	ssettag $0x0;
	lr =	simm.s32 $0x1  }
0x2: {  	[smem:$0x3F9E] =	sst lr;
	_ =	strace $0xD0000000  }
0x3: {  	_ = 	snop  }
0x4: {  	_ = 	snop  }
0x5: {  	_ = 	snop  }
0x6: {  	_ = 	snop  }
0x7: {  	_ = 	snop  }
__scs_overlays_trampoline_lowered:
0x8: {  	[smem:$0x3FAD] =	sst s0  }
0x9: {  	[smem:$0x3FAE] =	sst s1  }
0xa: {  	[smem:$0x3FAF] =	sst s2  }
0xb: {  	[smem:$0x3FB0] =	sst s3  }
0xc: {  	[smem:$0x3FB1] =	sst s4  }
0xd: {  	[smem:$0x3FB2] =	sst s5  }
0xe: {  	[smem:$0x3FB3] =	sst s6  }
0xf: {  	[smem:$0x3FB4] =	sst s7  }
0x10: {  	[smem:$0x3FB5] =	sst s8  }
0x11: {  	[smem:$0x3FB6] =	sst s9;
	s0 =	simm.s32 @!p0 $0x0  }
0x12: {  	s1 =	sld [smem:$0x3F9C];
	s0 =	simm.s32 @p0 $0x1  }
0x13: {  	[smem:$0x3FB7] =	sst s0;
	s0 =	simm.s32 @!p1 $0x0  }
0x14: {  	s2 =	sld [smem:$0x3F9B];
	s0 =	simm.s32 @p1 $0x1  }
0x15: {  	[smem:$0x3FB8] =	sst s0;
	s0 =	simm.s32 @!p2 $0x0  }
0x16: {  	s3 =	sld [smem:$0x3FDB];
	s0 =	simm.s32 @p2 $0x1  }
0x17: {  	s4 =	simm.s32 $0x1BF5;
	[smem:$0x3FBA] =	sst s0  }
0x18: {  	s0 =	sld [smem:$0x3F9D];
	_ =	swait.ge [sflag:s4], $0x0  }
0x19: {  	s7 =	sld [smem:$0x3F9E]  }
0x1a: {  	s8 =	sadd.s32 $0xFFFFE003, lr  }
0x1b: {  	s9 =	sadd.s32 $0xFFFFFEF7, lr;
	s5 =	simm.s32 $0xFFFFFFFF;
	p2 =	slt.u32 s8, $0xFFFFF086  }
0x1c: {  	p1 =	slt.u32 s9, $0xF7A;
	s5 =	simm.s32 @!p2 $0x0  }
0x1d: {  	s5 =	simm.s32 @p1 $0x1;
	p0 =	seq.s32 s7, s2  }
0x1e: {  	s7 =	smul.u32 @!p0 $0xF7A, s2;
	p2 =	seq.s32 @!p0 s5, $0x0  }
0x1f: {  	s9 =	smul.u32 $0xF7A, s1;
	s8 =	simm.s32 @!p0 $0x1BF5;
	p2 =	por !p2, p0  }
0x20: {  	[sflag:s8] =	ssyncset.s32 @!p0 $0xFFFFF086;
	s6 =	sadd.s32 @!p0 s3, s7;
	s7 =	simm.s32 @!p0 $0x108  }
0x21: {  	s3 =	sadd.s32 s3, s9;
	s6 =	sadd.s32 @!p0 $0x88, s6;
	s7 =	simm.s32 @p2 $0x1082  }
0x22: {  	[simem:s7], [sflag:s8] =	dma.local @!p0 [hbm:s6], $0xF7A  }
0x23: {  	s9 =	sor.u32 $0xD0000000, s2;
	s6 =	simm.s32 $0x108;
	_ =	swait.ge @!p0 [sflag:s8], $0x0  }
0x24: {  	s3 =	sadd.s32 $0x88, s3;
	s6 =	simm.s32 @!p1 $0x1082;
	[sflag:s4] =	ssyncset.s32 $0xFFFFF086  }
0x25: {  	[simem:s6], [sflag:s4] =	dma.local [hbm:s3], $0xF7A  }
0x26: {  	[smem:$0x3F9E] =	sst s1;
	(tag) =	ssettag s2;
	_ =	strace s9  }
0x27: {  	s1 =	sld [smem:$0x3FAE]  }
0x28: {  	s2 =	sld [smem:$0x3FAF]  }
0x29: {  	s4 =	sld [smem:$0x3FB1]  }
0x2a: {  	p0 =	seq.s32 s5, $0x0;
	s5 =	sld [smem:$0x3FB2]  }
0x2b: {  	s6 =	sld [smem:$0x3FB3]  }
0x2c: {  	s7 =	sld [smem:$0x3FB4]  }
0x2d: {  	s3 =	simm.s32 $0x108;
	s8 =	sld [smem:$0x3FB5]  }
0x2e: {  	s3 =	simm.s32 @!p0 $0x1082;
	s9 =	sld [smem:$0x3FB6]  }
0x2f: {  	lr =	sadd.s32 s0, s3;
	s0 =	sld [smem:$0x3FAD]  }
0x30: {  	s3 =	sld [smem:$0x3FB0]  }
0x31: {  	[smem:$0x3FB9] =	sst s10  }
0x32: {  	s10 =	sld [smem:$0x3FB7];
	_ =	sdelay $0x3  }
0x33: {  	p0 =	seq.s32 s10, $0x1;
	s10 =	sld [smem:$0x3FB9];
	_ =	sdelay $0x3  }
0x34: {  	[smem:$0x3FB9] =	sst s10  }
0x35: {  	s10 =	sld [smem:$0x3FB8];
	_ =	sdelay $0x3  }
0x36: {  	p1 =	seq.s32 s10, $0x1;
	s10 =	sld [smem:$0x3FB9];
	_ =	sdelay $0x3  }
0x37: {  	[smem:$0x3FB9] =	sst s10  }
0x38: {  	s10 =	sld [smem:$0x3FBA]  }
0x39: {  	_ = 	snop;
	(pc) =	sbr.ind lr, $3  }
0x3a: {  	_ = 	snop  }
0x3b: {  	_ = 	snop  }
0x3c: {  	p2 =	seq.s32 s10, $0x1;
	s10 =	sld [smem:$0x3FB9]  }
0x3d: {  	_ =	shalt  }
0x3e: {  	_ =	shalt  }
0x3f: {  	_ =	shalt  }
0x40: {  	_ =	shalt  }
0x41: {  	_ =	shalt  }
0x42: {  	_ =	shalt  }
0x43: {  	_ =	shalt  }
0x44: {  	_ =	shalt  }
0x45: {  	_ =	shalt  }
0x46: {  	_ =	shalt  }
0x47: {  	_ =	shalt  }
0x48: {  	_ =	shalt  }
0x49: {  	_ =	shalt  }
0x4a: {  	_ =	shalt  }
0x4b: {  	_ =	shalt  }
0x4c: {  	_ =	shalt  }
0x4d: {  	_ =	shalt  }
0x4e: {  	_ =	shalt  }
0x4f: {  	_ =	shalt  }
0x50: {  	_ =	shalt  }
0x51: {  	_ =	shalt  }
0x52: {  	_ =	shalt  }
0x53: {  	_ =	shalt  }
0x54: {  	_ =	shalt  }
0x55: {  	_ =	shalt  }
0x56: {  	_ =	shalt  }
0x57: {  	_ =	shalt  }
0x58: {  	_ =	shalt  }
0x59: {  	_ =	shalt  }
0x5a: {  	_ =	shalt  }
0x5b: {  	_ =	shalt  }
0x5c: {  	_ =	shalt  }
0x5d: {  	_ =	shalt  }
0x5e: {  	_ =	shalt  }
0x5f: {  	_ =	shalt  }
0x60: {  	_ =	shalt  }
0x61: {  	_ =	shalt  }
0x62: {  	_ =	shalt  }
0x63: {  	_ =	shalt  }
0x64: {  	_ =	shalt  }
0x65: {  	_ =	shalt  }
0x66: {  	_ =	shalt  }
0x67: {  	_ =	shalt  }
0x68: {  	_ =	shalt  }
0x69: {  	_ =	shalt  }
0x6a: {  	_ =	shalt  }
0x6b: {  	_ =	shalt  }
0x6c: {  	_ =	shalt  }
0x6d: {  	_ =	shalt  }
0x6e: {  	_ =	shalt  }
0x6f: {  	_ =	shalt  }
0x70: {  	_ =	shalt  }
0x71: {  	_ =	shalt  }
0x72: {  	_ =	shalt  }
0x73: {  	_ =	shalt  }
0x74: {  	_ =	shalt  }
0x75: {  	_ =	shalt  }
0x76: {  	_ =	shalt  }
0x77: {  	_ =	shalt  }
0x78: {  	_ =	shalt  }
0x79: {  	_ =	shalt  }
0x7a: {  	_ =	shalt  }
0x7b: {  	_ =	shalt  }
0x7c: {  	_ =	shalt  }
0x7d: {  	_ =	shalt  }
0x7e: {  	_ =	shalt  }
0x7f: {  	_ =	shalt  }
0x80: {  	_ =	shalt  }
0x81: {  	_ =	shalt  }
0x82: {  	_ =	shalt  }
0x83: {  	_ =	shalt  }
0x84: {  	_ =	shalt  }
0x85: {  	_ =	shalt  }
0x86: {  	_ =	shalt  }
0x87: {  	_ =	shalt  }
.Lfunc_end0:
.L_simem_size_0:
called_computation_lowered:
.L_overlay_start_0:
0x88: {  	s2 =	sld [smem:$0x3FD9]  }
0x89: {  	s3 =	sld [smem:$0x3FFE];
	_ =	sdelay $0x1  }
0x8a: {  	s1 =	srdreg.scid  }
0x8b: {  	s0 =	sand.u32 $0x1, s1  }
0x8c: {  	s14 =	sshll.u32 s0, $0xA;
	s2 =	sadd.s32 s3, s2  }
0x8d: {  	s2 =	sadd.s32 s2, s14  }
0x8e: {  	[smem:$0x3FC5] =	sst s2  }
0x8f: {  	_ = 	snop  }
0x90: {  	s2 =	sld [smem:$0x3FD0];
	_ =	sdelay $0x2  }
0x91: {  	s15 =	simm.s32 $0xA;
	s4 =	simm.s32 $0x10  }
0x92: {  	[smem:s4], [sflag:s15] =	dma.local [hbm:s2], $0x1  }
0x93: {  	_ =	swait.eq [sflag:s15], $0x1  }
0x94: {  	[sflag:s15] =	ssyncset.done $0x0  }
0x95: {  	[sflag:s15] =	ssyncadd.s32 $0xFFFFFFFF  }
0x96: {  	s16 =	sld [smem:$0x11];
	(tm) =	ssettm $0x1  }
0x97: {  	s17 =	sld [smem:$0x3FFB];
	_ =	sdelay $0x3  }
0x98: {  	_ =	strace s17  }
0x99: {  	s3 =	sld [smem:$0x3FFC];
	_ =	sdelay $0x3  }
0x9a: {  	_ =	strace s3  }
0x9b: {  	s3 =	sld [smem:$0x3FFD];
	_ =	sdelay $0x3  }
0x9c: {  	_ =	strace s3  }
0x9d: {  	_ =	strace $0x8FFFFFFF  }
0x9e: {  	s18 =	sld [smem:$0x3FDB];
	_ =	sdelay $0x1  }
0x9f: {  	s19 =	simm.s32 $_scs_section_size  }
0xa0: {  	s5 =	simm.s32 $_size__tile_overlayer_lowered;
	s6 =	simm.s32 $_tile_overlayer_lowered  }
0xa1: {  	s22 =	simm.s32 $0x1BFF;
	s21 =	sshll.u32 s6, $0x1;
	s3 =	sadd.s32 s19, s18  }
0xa2: {  	s7 =	simm.s32 $0x0;
	s20 =	sshll.u32 s5, $0x1;
	s5 =	sadd.s32 s21, s3  }
0xa3: {  	[timem:s7], [sflag:s22] =	dma.local [hbm:s5], s20  }
0xa4: {  	_ =	swait.ge [sflag:s22], s20  }
0xa5: {  	s4 =	ssub.s32 $0x0, s20;
	[sflag:s22] =	ssyncset.done $0x0  }
0xa6: {  	[sflag:s22] =	ssyncadd.s32 s4;
	_ =	sdelay $0x1  }
0xa7: {  	s23 =	simm.s32 $0x1B8B  }
0xa8: {  	_ =	swait.ge [sflag:s23], $0x1  }
0xa9: {  	[sflag:s23] =	ssyncset.done $0x0  }
0xaa: {  	s25 =	simm.s32 $0x1B8E;
	s24 =	sld [smem:$0x3FFE];
	[sflag:s23] =	ssyncadd.s32 $0xFFFFFFFF  }
0xab: {  	s26 =	simm.s32 $execute0_lowered;
	[smem:$0x3FD2] =	sst s25  }
0xac: {  	s5 =	sshll.u32 s26, $0x1;
	_ =	strace $0x80000046;
	[dreg:$0x1] =	wrdreg $0xFFFFFFFF  }
0xad: {  	s28 =	simm.s32 $_size_execute0_lowered;
	s3 =	sadd.s32 s3, s5;
	[dreg:$0x0] =	wrdreg $0x0  }
0xae: {  	s5 =	sshll.u32 s28, $0x1;
	[dreg:$0x2] =	wrdreg s3  }
0xaf: {  	[dreg:$0x3] =	wrdreg s5  }
0xb0: {  	[dreg:$0x4] =	wrdreg $0xC0  }
0xb1: {  	_ =	task [dreg:s7], $0x5FFFF  }
0xb2: {  	[dreg:$0x1] =	wrdreg $0xFFFFFFFF  }
0xb3: {  	[dreg:$0x0] =	wrdreg $0x60  }
0xb4: {  	[dreg:$0x2] =	wrdreg s24  }
0xb5: {  	[dreg:$0x3] =	wrdreg s16  }
0xb6: {  	[dreg:$0x4] =	wrdreg $0x9  }
0xb7: {  	_ =	task.clear_ibuf [dreg:s7], $0x5FFFF;
	_ =	strace $0x90000046  }
0xb8: {  	s29 =	simm.s32 $0x9;
	_ =	strace $0x80000048  }
0xb9: {  	_ =	swait.ge [sflag:s29], $0x1  }
0xba: {  	[sflag:s29] =	ssyncadd.s32 $0xFFFFFFFF  }
0xbb: {  	_ =	strace $0x90000048  }
0xbc: {  	_ =	sfence  }
0xbd: {  	s30 =	sld [smem:$0x0];
	_ =	sdelay $0x2  }
0xbe: {  	s31 =	sshll.u32 s1, $0xD;
	s1 =	sshrl.u32 s1, $0x2  }
0xbf: {  	s3 =	sand.u32 $0x4000, s31;
	s1 =	sadd.s32 s1, s30  }
0xc0: {  	s0 =	sor.u32 s3, s0;
	s1 =	sshll.u32 s1, $0x11  }
0xc1: {  	s0 =	sor.u32 s1, s0  }
0xc2: {  	s0 =	sadd.s32 $0x8F2B, s0  }
0xc3: {  	[sflag:s0] =	ssyncadd.remote.s32 $0x1  }
0xc4: {  	_ =	sfence.sel $0xFFFF  }
0xc5: {  	[dreg:$0x0] =	wrdreg $0xFFFFFFFF;
	(pc) =	sbr.abs _section_cstart, $3  }
0xc6: {  	[dreg:$0x1] =	wrdreg $0xFFFFFFFF  }
0xc7: {  	_ =	task.clear_ibuf [dreg:s7], $0x2FFFF;
	_ =	strace $0x9FFFFFFF  }
0xc8: {  	(tm) =	ssettm $0x7FFFFFFF  }
0xc9: {  	_ =	shalt  }
tec
execute0_lowered:
.L_overlay_start_1:
0x0: {  	(tag) =	ssettag $0x1  }
0x1: {  	s1 =	srdreg.scid;
	s22 =	rddreg [dreg:$0x0]  }
0x2: {  	s0 =	stileid.u32;
	s11 =	rddreg [dreg:$0x1];
	s1 =	sand.u32 $0x1, s1  }
0x3: {  	s2 =	simm.s32 $0x0;
	s3 =	sshll.u32 s0, $0xA;
	s4 =	sshll.u32 s1, $0x9  }
0x4: {  	[smem:$0x7FF] =	sst s2;
	s20 =	sor.u32 s4, s3  }
0x5: {  	[dreg:$0x7] =	wrdreg s1;
	s3 =	sshrl.u32 s20, $0x3  }
0x6: {  	s13 =	sadd.s32 $0xC43400, s22;
	_ =	strace $0x80000047;
	s23 =	sadd.s32 s11, s3  }
0x7: {  	s25 =	sor.u32 $0x80, s20;
	s3 =	sadd.s32 s13, s3;
	[dreg:$0x3] =	wrdreg s23  }
0x8: {  	s24 =	sshrl.u32 s25, $0x3;
	[dreg:$0x4] =	wrdreg s3  }
0x9: {  	s26 =	sadd.s32 s11, s24;
	s5 =	rddreg [dreg:$0x3]  }
0xa: {  	s3 =	sadd.s32 s13, s24;
	[dreg:$0x5] =	wrdreg s26  }
0xb: {  	[dreg:$0x6] =	wrdreg s3;
	s3 =	simm.s32 $0x5  }
0xc: {  	[tilespmem:s2], [sflag:$0x5] =	stream.linear.gather [hbm4b:s5+s2], $0x80, $0x38;
	[tilespmem:$0x8400] =	vst v63  }
0xd: {  	_ =	swait.ge [sflag:s3], $0x80  }
0xe: {  	[sflag:s3] =	ssyncset.done $0x0  }
0xf: {  	s4 =	simm.s32 $0x200;
	s0 =	rddreg [dreg:$0x4];
	[sflag:s3] =	ssyncadd.s32 $0xFFFFFF80  }
0x10: {  	[tilespmem:s4], [sflag:$0x5] =	stream.linear.gather [hbm4b:s0+s2], $0x80, $0x38;
	[tilespmem:$0x8400] =	vst v63  }
0x11: {  	_ =	swait.ge [sflag:s3], $0x80  }
0x12: {  	[sflag:s3] =	ssyncset.done $0x0  }
0x13: {  	s5 =	simm.s32 $0x80;
	s6 =	rddreg [dreg:$0x5];
	[sflag:s3] =	ssyncadd.s32 $0xFFFFFF80  }
0x14: {  	[tilespmem:s5], [sflag:$0x5] =	stream.linear.gather [hbm4b:s6+s2], $0x80, $0x38;
	[tilespmem:$0x8400] =	vst v63  }
0x15: {  	_ =	swait.ge [sflag:s3], $0x80  }
0x16: {  	[sflag:s3] =	ssyncset.done $0x0  }
0x17: {  	s6 =	simm.s32 $0x280;
	s7 =	rddreg [dreg:$0x6];
	[sflag:s3] =	ssyncadd.s32 $0xFFFFFF80  }
0x18: {  	[tilespmem:s6], [sflag:$0x5] =	stream.linear.gather [hbm4b:s7+s2], $0x80, $0x38;
	[tilespmem:$0x8400] =	vst v63  }
0x19: {  	s28 =	sor.u32 $0x100, s20;
	_ =	swait.ge [sflag:s3], $0x80  }
0x1a: {  	s9 =	sshrl.u32 s28, $0x3;
	[sflag:s3] =	ssyncset.done $0x0  }
0x1b: {  	s8 =	simm.s32 $0x100;
	s7 =	sadd.s32 s11, s9;
	[sflag:s3] =	ssyncadd.s32 $0xFFFFFF80  }
0x1c: {  	[tilespmem:s8], [sflag:$0x5] =	stream.linear.gather [hbm4b:s7+s2], $0x80, $0x38;
	[tilespmem:$0x8400] =	vst v63  }
0x1d: {  	_ =	swait.ge [sflag:s3], $0x80  }
0x1e: {  	[sflag:s3] =	ssyncset.done $0x0  }
0x1f: {  	s10 =	simm.s32 $0x300;
	s9 =	sadd.s32 s13, s9;
	[sflag:s3] =	ssyncadd.s32 $0xFFFFFF80  }
0x20: {  	[tilespmem:s10], [sflag:$0x5] =	stream.linear.gather [hbm4b:s9+s2], $0x80, $0x38;
	[tilespmem:$0x8400] =	vst v63  }
0x21: {  	s30 =	sor.u32 $0x180, s20;
	_ =	swait.ge [sflag:s3], $0x80  }
0x22: {  	s14 =	sshrl.u32 s30, $0x3;
	[sflag:s3] =	ssyncset.done $0x0  }
0x23: {  	s12 =	simm.s32 $0x180;
	s11 =	sadd.s32 s11, s14;
	[sflag:s3] =	ssyncadd.s32 $0xFFFFFF80  }
0x24: {  	[tilespmem:s12], [sflag:$0x5] =	stream.linear.gather [hbm4b:s11+s2], $0x80, $0x38;
	[tilespmem:$0x8400] =	vst v63  }
0x25: {  	_ =	swait.ge [sflag:s3], $0x80  }
0x26: {  	[sflag:s3] =	ssyncset.done $0x0  }
0x27: {  	s13 =	sadd.s32 s13, s14;
	s14 =	simm.s32 $0x380;
	[sflag:s3] =	ssyncadd.s32 $0xFFFFFF80  }
0x28: {  	[tilespmem:s14], [sflag:$0x5] =	stream.linear.gather [hbm4b:s13+s2], $0x80, $0x38;
	[tilespmem:$0x8400] =	vst v63  }
0x29: {  	_ =	swait.ge [sflag:s3], $0x80  }
0x2a: {  	[sflag:s3] =	ssyncset.done $0x0  }
0x2b: {  	s16 =	simm.s32 $0x400;
	s15 =	sadd.s32 $0x3400, s22;
	[sflag:s3] =	ssyncadd.s32 $0xFFFFFF80  }
0x2c: {  	[tilespmem:s16], [sflag:$0x1] =	stream.indirect.gather [hbm4b:s15+s5], $0x80, s2, s5, $0xb8;
	[tilespmem:$0x8400] =	vst v63  }
0x2d: {  	s18 =	simm.s32 $0x4400;
	s19 =	simm.s32 $0x1;
	s17 =	sadd.s32 $0x200, s22  }
0x2e: {  	[tilespmem:s18], [sflag:$0x2] =	stream.indirect.gather [hbm4b:s17+s5], $0x80, s4, s5, $0xb8;
	[tilespmem:$0x8400] =	vst v63  }
0x2f: {  	_ =	swait.ge [sflag:s19], $0x4000  }
0x30: {  	s31 =	sadd.s32 $0xC43C00, s22;
	s23 =	sshll.u32 s20, $0x4;
	[sflag:s19] =	ssyncset.done $0x0  }
0x31: {  	s21 =	simm.s32 $0x2;
	s20 =	sadd.s32 s31, s23;
	[sflag:s19] =	ssyncadd.s32 $0xFFFFC000  }
0x32: {  	[hbm4b:s20+s2] =	stream.linear.scatter [tilespmem:s16], [sflag:$0x3], $0x4000, $0x38;
	[tilespmem:$0x8400] =	vst v63  }
0x33: {  	_ =	swait.ge [sflag:s21], $0x4000  }
0x34: {  	s1 =	sadd.s32 $0xC83C00, s22;
	[sflag:s21] =	ssyncset.done $0x0  }
0x35: {  	s22 =	sadd.s32 s1, s23;
	s23 =	simm.s32 $0x3;
	[sflag:s21] =	ssyncadd.s32 $0xFFFFC000  }
0x36: {  	[hbm4b:s22+s2] =	stream.linear.scatter [tilespmem:s18], [sflag:$0x4], $0x4000, $0x38;
	[tilespmem:$0x8400] =	vst v63  }
0x37: {  	_ =	swait.ge [sflag:s23], $0x4000  }
0x38: {  	[sflag:s23] =	ssyncset.done $0x0  }
0x39: {  	s24 =	simm.s32 $0x4;
	[sflag:s23] =	ssyncadd.s32 $0xFFFFC000  }
0x3a: {  	_ =	swait.ge [sflag:s24], $0x4000  }
0x3b: {  	[sflag:s24] =	ssyncset.done $0x0  }
0x3c: {  	[sflag:s24] =	ssyncadd.s32 $0xFFFFC000  }
0x3d: {  	[tilespmem:s16], [sflag:$0x1] =	stream.indirect.gather [hbm4b:s15+s5], $0x80, s5, s5, $0xb8;
	[tilespmem:$0x8400] =	vst v63  }
0x3e: {  	_ = 	snop  }
0x3f: {  	[tilespmem:s18], [sflag:$0x2] =	stream.indirect.gather [hbm4b:s17+s5], $0x80, s6, s5, $0xb8;
	[tilespmem:$0x8400] =	vst v63  }
0x40: {  	_ =	swait.ge [sflag:s19], $0x4000  }
0x41: {  	s26 =	sshll.u32 s25, $0x4;
	[sflag:s19] =	ssyncset.done $0x0  }
0x42: {  	s25 =	sadd.s32 s31, s26;
	[sflag:s19] =	ssyncadd.s32 $0xFFFFC000  }
0x43: {  	[hbm4b:s25+s2] =	stream.linear.scatter [tilespmem:s16], [sflag:$0x3], $0x4000, $0x38;
	[tilespmem:$0x8400] =	vst v63  }
0x44: {  	_ =	swait.ge [sflag:s21], $0x4000  }
0x45: {  	[sflag:s21] =	ssyncset.done $0x0  }
0x46: {  	s26 =	sadd.s32 s1, s26;
	[sflag:s21] =	ssyncadd.s32 $0xFFFFC000  }
0x47: {  	[hbm4b:s26+s2] =	stream.linear.scatter [tilespmem:s18], [sflag:$0x4], $0x4000, $0x38;
	[tilespmem:$0x8400] =	vst v63  }
0x48: {  	_ =	swait.ge [sflag:s23], $0x4000  }
0x49: {  	[sflag:s23] =	ssyncset.done $0x0  }
0x4a: {  	[sflag:s23] =	ssyncadd.s32 $0xFFFFC000  }
0x4b: {  	_ =	swait.ge [sflag:s24], $0x4000  }
0x4c: {  	[sflag:s24] =	ssyncset.done $0x0  }
0x4d: {  	[sflag:s24] =	ssyncadd.s32 $0xFFFFC000  }
0x4e: {  	[tilespmem:s16], [sflag:$0x1] =	stream.indirect.gather [hbm4b:s15+s5], $0x80, s8, s5, $0xb8;
	[tilespmem:$0x8400] =	vst v63  }
0x4f: {  	_ = 	snop  }
0x50: {  	[tilespmem:s18], [sflag:$0x2] =	stream.indirect.gather [hbm4b:s17+s5], $0x80, s10, s5, $0xb8;
	[tilespmem:$0x8400] =	vst v63  }
0x51: {  	_ =	swait.ge [sflag:s19], $0x4000  }
0x52: {  	s29 =	sshll.u32 s28, $0x4;
	[sflag:s19] =	ssyncset.done $0x0  }
0x53: {  	s28 =	sadd.s32 s31, s29;
	[sflag:s19] =	ssyncadd.s32 $0xFFFFC000  }
0x54: {  	[hbm4b:s28+s2] =	stream.linear.scatter [tilespmem:s16], [sflag:$0x3], $0x4000, $0x38;
	[tilespmem:$0x8400] =	vst v63  }
0x55: {  	_ =	swait.ge [sflag:s21], $0x4000  }
0x56: {  	[sflag:s21] =	ssyncset.done $0x0  }
0x57: {  	s29 =	sadd.s32 s1, s29;
	[sflag:s21] =	ssyncadd.s32 $0xFFFFC000  }
0x58: {  	[hbm4b:s29+s2] =	stream.linear.scatter [tilespmem:s18], [sflag:$0x4], $0x4000, $0x38;
	[tilespmem:$0x8400] =	vst v63  }
0x59: {  	_ =	swait.ge [sflag:s23], $0x4000  }
0x5a: {  	[sflag:s23] =	ssyncset.done $0x0  }
0x5b: {  	[sflag:s23] =	ssyncadd.s32 $0xFFFFC000  }
0x5c: {  	_ =	swait.ge [sflag:s24], $0x4000  }
0x5d: {  	[sflag:s24] =	ssyncset.done $0x0  }
0x5e: {  	[sflag:s24] =	ssyncadd.s32 $0xFFFFC000  }
0x5f: {  	[tilespmem:s16], [sflag:$0x1] =	stream.indirect.gather [hbm4b:s15+s5], $0x80, s12, s5, $0xb8;
	[tilespmem:$0x8400] =	vst v63  }
0x60: {  	_ = 	snop  }
0x61: {  	[tilespmem:s18], [sflag:$0x2] =	stream.indirect.gather [hbm4b:s17+s5], $0x80, s14, s5, $0xb8;
	[tilespmem:$0x8400] =	vst v63  }
0x62: {  	_ =	swait.ge [sflag:s19], $0x4000  }
0x63: {  	s0 =	sshll.u32 s30, $0x4;
	[sflag:s19] =	ssyncset.done $0x0  }
0x64: {  	s30 =	sadd.s32 s31, s0;
	[sflag:s19] =	ssyncadd.s32 $0xFFFFC000  }
0x65: {  	[hbm4b:s30+s2] =	stream.linear.scatter [tilespmem:s16], [sflag:$0x3], $0x4000, $0x38;
	[tilespmem:$0x8400] =	vst v63  }
0x66: {  	_ =	swait.ge [sflag:s21], $0x4000  }
0x67: {  	s31 =	sadd.s32 s1, s0;
	[sflag:s21] =	ssyncset.done $0x0;
	s1 =	rddreg [dreg:$0x7]  }
0x68: {  	s0 =	ssub.s32 $0x2, s1;
	[sflag:s21] =	ssyncadd.s32 $0xFFFFC000  }
0x69: {  	[hbm4b:s31+s2] =	stream.linear.scatter [tilespmem:s18], [sflag:$0x4], $0x4000, $0x38;
	[tilespmem:$0x8400] =	vst v63  }
0x6a: {  	s1 =	sshrl.u32 s0, $0x1  }
0x6b: {  	s0 =	ssub.s32 s0, s1  }
0x6c: {  	s0 =	smax.u32 s0, $0x1  }
0x6d: {  	p0 =	sne.s32 s0, $0x1  }
.Ltmp0:
0x6e: {  	_ =	swait.ge [sflag:s23], $0x4000;
	(pc) =	sbr.rel @!p0 .LBB2_2-.Ltmp0, $4  }
0x6f: {  	[sflag:s23] =	ssyncset.done $0x0  }
0x70: {  	[sflag:s23] =	ssyncadd.s32 $0xFFFFC000  }
0x71: {  	_ =	swait.ge [sflag:s24], $0x4000  }
0x72: {  	s1 =	sadd.s32 $0xFFFFFFFF, s0;
	[sflag:s24] =	ssyncset.done $0x0  }
.LBB2_1:
0x73: {  	s0 =	rddreg [dreg:$0x3];
	[sflag:s24] =	ssyncadd.s32 $0xFFFFC000  }
0x74: {  	[tilespmem:s2], [sflag:$0x5] =	stream.linear.gather [hbm4b:s0+s2], $0x80, $0x38;
	[tilespmem:$0x8400] =	vst v63  }
0x75: {  	_ =	swait.ge [sflag:s3], $0x80  }
0x76: {  	[sflag:s3] =	ssyncset.done $0x0  }
0x77: {  	s0 =	rddreg [dreg:$0x4];
	[sflag:s3] =	ssyncadd.s32 $0xFFFFFF80  }
0x78: {  	[tilespmem:s4], [sflag:$0x5] =	stream.linear.gather [hbm4b:s0+s2], $0x80, $0x38;
	[tilespmem:$0x8400] =	vst v63  }
0x79: {  	_ =	swait.ge [sflag:s3], $0x80  }
0x7a: {  	[sflag:s3] =	ssyncset.done $0x0  }
0x7b: {  	s0 =	rddreg [dreg:$0x5];
	[sflag:s3] =	ssyncadd.s32 $0xFFFFFF80  }
0x7c: {  	[tilespmem:s5], [sflag:$0x5] =	stream.linear.gather [hbm4b:s0+s2], $0x80, $0x38;
	[tilespmem:$0x8400] =	vst v63  }
0x7d: {  	_ =	swait.ge [sflag:s3], $0x80  }
0x7e: {  	[sflag:s3] =	ssyncset.done $0x0  }
0x7f: {  	s0 =	rddreg [dreg:$0x6];
	[sflag:s3] =	ssyncadd.s32 $0xFFFFFF80  }
0x80: {  	[tilespmem:s6], [sflag:$0x5] =	stream.linear.gather [hbm4b:s0+s2], $0x80, $0x38;
	[tilespmem:$0x8400] =	vst v63  }
0x81: {  	_ =	swait.ge [sflag:s3], $0x80  }
0x82: {  	[sflag:s3] =	ssyncset.done $0x0  }
0x83: {  	[sflag:s3] =	ssyncadd.s32 $0xFFFFFF80  }
0x84: {  	[tilespmem:s8], [sflag:$0x5] =	stream.linear.gather [hbm4b:s7+s2], $0x80, $0x38;
	[tilespmem:$0x8400] =	vst v63  }
0x85: {  	_ =	swait.ge [sflag:s3], $0x80  }
0x86: {  	[sflag:s3] =	ssyncset.done $0x0  }
0x87: {  	[sflag:s3] =	ssyncadd.s32 $0xFFFFFF80  }
0x88: {  	[tilespmem:s10], [sflag:$0x5] =	stream.linear.gather [hbm4b:s9+s2], $0x80, $0x38;
	[tilespmem:$0x8400] =	vst v63  }
0x89: {  	_ =	swait.ge [sflag:s3], $0x80  }
0x8a: {  	[sflag:s3] =	ssyncset.done $0x0  }
0x8b: {  	[sflag:s3] =	ssyncadd.s32 $0xFFFFFF80  }
0x8c: {  	[tilespmem:s12], [sflag:$0x5] =	stream.linear.gather [hbm4b:s11+s2], $0x80, $0x38;
	[tilespmem:$0x8400] =	vst v63  }
0x8d: {  	_ =	swait.ge [sflag:s3], $0x80  }
0x8e: {  	[sflag:s3] =	ssyncset.done $0x0  }
0x8f: {  	[sflag:s3] =	ssyncadd.s32 $0xFFFFFF80  }
0x90: {  	[tilespmem:s14], [sflag:$0x5] =	stream.linear.gather [hbm4b:s13+s2], $0x80, $0x38;
	[tilespmem:$0x8400] =	vst v63  }
0x91: {  	_ =	swait.ge [sflag:s3], $0x80  }
0x92: {  	[sflag:s3] =	ssyncset.done $0x0  }
0x93: {  	[sflag:s3] =	ssyncadd.s32 $0xFFFFFF80  }
0x94: {  	[tilespmem:s16], [sflag:$0x1] =	stream.indirect.gather [hbm4b:s15+s5], $0x80, s2, s5, $0xb8;
	[tilespmem:$0x8400] =	vst v63  }
0x95: {  	_ = 	snop  }
0x96: {  	[tilespmem:s18], [sflag:$0x2] =	stream.indirect.gather [hbm4b:s17+s5], $0x80, s4, s5, $0xb8;
	[tilespmem:$0x8400] =	vst v63  }
0x97: {  	_ =	swait.ge [sflag:s19], $0x4000  }
0x98: {  	[sflag:s19] =	ssyncset.done $0x0  }
0x99: {  	[sflag:s19] =	ssyncadd.s32 $0xFFFFC000  }
0x9a: {  	[hbm4b:s20+s2] =	stream.linear.scatter [tilespmem:s16], [sflag:$0x3], $0x4000, $0x38;
	[tilespmem:$0x8400] =	vst v63  }
0x9b: {  	_ =	swait.ge [sflag:s21], $0x4000  }
0x9c: {  	[sflag:s21] =	ssyncset.done $0x0  }
0x9d: {  	[sflag:s21] =	ssyncadd.s32 $0xFFFFC000  }
0x9e: {  	[hbm4b:s22+s2] =	stream.linear.scatter [tilespmem:s18], [sflag:$0x4], $0x4000, $0x38;
	[tilespmem:$0x8400] =	vst v63  }
0x9f: {  	_ =	swait.ge [sflag:s23], $0x4000  }
0xa0: {  	[sflag:s23] =	ssyncset.done $0x0  }
0xa1: {  	[sflag:s23] =	ssyncadd.s32 $0xFFFFC000  }
0xa2: {  	_ =	swait.ge [sflag:s24], $0x4000  }
0xa3: {  	[sflag:s24] =	ssyncset.done $0x0  }
0xa4: {  	[sflag:s24] =	ssyncadd.s32 $0xFFFFC000  }
0xa5: {  	[tilespmem:s16], [sflag:$0x1] =	stream.indirect.gather [hbm4b:s15+s5], $0x80, s5, s5, $0xb8;
	[tilespmem:$0x8400] =	vst v63  }
0xa6: {  	_ = 	snop  }
0xa7: {  	[tilespmem:s18], [sflag:$0x2] =	stream.indirect.gather [hbm4b:s17+s5], $0x80, s6, s5, $0xb8;
	[tilespmem:$0x8400] =	vst v63  }
0xa8: {  	_ =	swait.ge [sflag:s19], $0x4000  }
0xa9: {  	[sflag:s19] =	ssyncset.done $0x0  }
0xaa: {  	[sflag:s19] =	ssyncadd.s32 $0xFFFFC000  }
0xab: {  	[hbm4b:s25+s2] =	stream.linear.scatter [tilespmem:s16], [sflag:$0x3], $0x4000, $0x38;
	[tilespmem:$0x8400] =	vst v63  }
0xac: {  	_ =	swait.ge [sflag:s21], $0x4000  }
0xad: {  	[sflag:s21] =	ssyncset.done $0x0  }
0xae: {  	[sflag:s21] =	ssyncadd.s32 $0xFFFFC000  }
0xaf: {  	[hbm4b:s26+s2] =	stream.linear.scatter [tilespmem:s18], [sflag:$0x4], $0x4000, $0x38;
	[tilespmem:$0x8400] =	vst v63  }
0xb0: {  	_ =	swait.ge [sflag:s23], $0x4000  }
0xb1: {  	[sflag:s23] =	ssyncset.done $0x0  }
0xb2: {  	[sflag:s23] =	ssyncadd.s32 $0xFFFFC000  }
0xb3: {  	_ =	swait.ge [sflag:s24], $0x4000  }
0xb4: {  	[sflag:s24] =	ssyncset.done $0x0  }
0xb5: {  	[sflag:s24] =	ssyncadd.s32 $0xFFFFC000  }
0xb6: {  	[tilespmem:s16], [sflag:$0x1] =	stream.indirect.gather [hbm4b:s15+s5], $0x80, s8, s5, $0xb8;
	[tilespmem:$0x8400] =	vst v63  }
0xb7: {  	_ = 	snop  }
0xb8: {  	[tilespmem:s18], [sflag:$0x2] =	stream.indirect.gather [hbm4b:s17+s5], $0x80, s10, s5, $0xb8;
	[tilespmem:$0x8400] =	vst v63  }
0xb9: {  	_ =	swait.ge [sflag:s19], $0x4000  }
0xba: {  	[sflag:s19] =	ssyncset.done $0x0  }
0xbb: {  	[sflag:s19] =	ssyncadd.s32 $0xFFFFC000  }
0xbc: {  	[hbm4b:s28+s2] =	stream.linear.scatter [tilespmem:s16], [sflag:$0x3], $0x4000, $0x38;
	[tilespmem:$0x8400] =	vst v63  }
0xbd: {  	_ =	swait.ge [sflag:s21], $0x4000  }
0xbe: {  	[sflag:s21] =	ssyncset.done $0x0  }
0xbf: {  	[sflag:s21] =	ssyncadd.s32 $0xFFFFC000  }
0xc0: {  	[hbm4b:s29+s2] =	stream.linear.scatter [tilespmem:s18], [sflag:$0x4], $0x4000, $0x38;
	[tilespmem:$0x8400] =	vst v63  }
0xc1: {  	_ =	swait.ge [sflag:s23], $0x4000  }
0xc2: {  	[sflag:s23] =	ssyncset.done $0x0  }
0xc3: {  	[sflag:s23] =	ssyncadd.s32 $0xFFFFC000  }
0xc4: {  	_ =	swait.ge [sflag:s24], $0x4000  }
0xc5: {  	[sflag:s24] =	ssyncset.done $0x0  }
0xc6: {  	[sflag:s24] =	ssyncadd.s32 $0xFFFFC000  }
0xc7: {  	[tilespmem:s16], [sflag:$0x1] =	stream.indirect.gather [hbm4b:s15+s5], $0x80, s12, s5, $0xb8;
	[tilespmem:$0x8400] =	vst v63  }
0xc8: {  	_ = 	snop  }
0xc9: {  	[tilespmem:s18], [sflag:$0x2] =	stream.indirect.gather [hbm4b:s17+s5], $0x80, s14, s5, $0xb8;
	[tilespmem:$0x8400] =	vst v63  }
0xca: {  	_ =	swait.ge [sflag:s19], $0x4000  }
0xcb: {  	[sflag:s19] =	ssyncset.done $0x0  }
0xcc: {  	[sflag:s19] =	ssyncadd.s32 $0xFFFFC000  }
0xcd: {  	[hbm4b:s30+s2] =	stream.linear.scatter [tilespmem:s16], [sflag:$0x3], $0x4000, $0x38;
	[tilespmem:$0x8400] =	vst v63  }
0xce: {  	_ =	swait.ge [sflag:s21], $0x4000  }
0xcf: {  	[sflag:s21] =	ssyncset.done $0x0  }
0xd0: {  	p0 =	sne.s32 s1, $0x1;
	[sflag:s21] =	ssyncadd.s32 $0xFFFFC000  }
0xd1: {  	[hbm4b:s31+s2] =	stream.linear.scatter [tilespmem:s18], [sflag:$0x4], $0x4000, $0x38;
	[tilespmem:$0x8400] =	vst v63  }
.Ltmp1:
0xd2: {  	_ =	swait.ge [sflag:s23], $0x4000;
	(pc) =	sbr.rel @p0 .LBB2_1-.Ltmp1, $4  }
0xd3: {  	[sflag:s23] =	ssyncset.done $0x0  }
0xd4: {  	[sflag:s23] =	ssyncadd.s32 $0xFFFFC000  }
0xd5: {  	_ =	swait.ge [sflag:s24], $0x4000  }
0xd6: {  	s1 =	sadd.s32 $0xFFFFFFFF, s1;
	[sflag:s24] =	ssyncset.done $0x0  }
.LBB2_2:
0xd7: {  	[sflag:s24] =	ssyncadd.s32 $0xFFFFC000  }
0xd8: {  	_ =	sfence.sel $0x180000  }
0xd9: {  	[bflag:$0x0] =	sbarrier.arrive $0xFFFF  }
0xda: {  	_ =	strace $0x90000047  }
0xdb: {  	s0 =	stileid.u32;
	[bflag:$0x2] =	sbarrier.arrive $0xFFFF  }
0xdc: {  	p0 =	sne.s32 s0, $0x0;
	s0 =	rddreg [dreg:$0x2]  }
0xdd: {  	s0 =	sadd.s32 @!p0 $0x100000, s0  }
0xde: {  	[sflag:s0] =	ssyncadd.tile.s32 @!p0 $0x1;
	_ =	shalt  }
.Lfunc_end2:
_tile_overlayer_lowered:
.L_overlay_start_2:
0xdf: {  	(tag) =	ssettag $0x2  }
0xe0: {  	s0 =	rddreg [dreg:$0x0];
	s2 =	stileid.u32  }
0xe1: {  	s1 =	rddreg [dreg:$0x1];
	p0 =	sne.s32 s2, $0x0  }
0xe2: {  	s3 =	rddreg [dreg:$0x2];
	[bflag:$0x3] =	sbarrier.arrive $0xFFFF;
	s2 =	simm.s32 @!p0 $0x1C05  }
0xe3: {  	[timem:s3], [sflag:s2] =	dma.local @!p0 [hbm:s0], s1  }
0xe4: {  	s0 =	simm.s32 @!p0 $0x5  }
0xe5: {  	_ =	swait.ge @!p0 [sflag:s0], s1  }
0xe6: {  	s1 =	ssub.s32 @!p0 $0x0, s1;
	[sflag:s0] =	ssyncset.done @!p0 $0x0  }
0xe7: {  	[sflag:s0] =	ssyncadd.s32 @!p0 s1  }
0xe8: {  	[bflag:$0x3] =	sbarrier.arrive $0xFFFF  }
0xe9: {  	_ =	shalt  }

</sc_bundles>
